<compile_context>
chip_gen: v7x
topology: tpu7x:2x2x1
jax: 0.10.2.dev20260603
libtpu: 0.0.44.dev20260713+nightly
codegen_flags: <defaults>
</compile_context>

<pallas_src>
import functools

import jax
import jax.numpy as jnp
from jax import lax
from jax.experimental import pallas as pl
from jax.experimental.pallas import tpu as pltpu
from jax.experimental.pallas import tpu_sc as plsc


def _make_sc_pair_gather2(t, dd):
    info = plsc.get_sparse_core_info()
    nw = info.num_cores * info.num_subcores
    tpw = t // nw
    chunk = 80
    assert t % nw == 0 and tpw % chunk == 0
    n_chunks = tpw // chunk

    mesh = plsc.VectorSubcoreMesh(core_axis_name="c", subcore_axis_name="s")

    @functools.partial(
        pl.kernel,
        mesh=mesh,
        out_type=jax.ShapeDtypeStruct((t, dd), jnp.float32),
        scratch_types=[
            pltpu.VMEM((tpw,), jnp.int32),
            pltpu.VMEM((chunk, dd), jnp.float32),
            pltpu.VMEM((chunk, dd), jnp.float32),
            pltpu.SemaphoreType.DMA,
            pltpu.SemaphoreType.DMA,
        ],
    )
    def gather(table_hbm, idx_hbm, out_hbm, idx_v, r0, r1, s0, s1):
        wid = lax.axis_index("s") * info.num_cores + lax.axis_index("c")
        base = wid * tpw
        rows = (r0, r1)
        sems = (s0, s1)
        pltpu.sync_copy(idx_hbm.at[pl.ds(base, tpw)], idx_v)

        def fire(j):
            pltpu.async_copy(
                table_hbm.at[idx_v.at[pl.ds(j * chunk, chunk)]],
                rows[j % 2],
                sems[j % 2],
            )

        fire(0)
        for j in range(n_chunks):
            if j + 1 < n_chunks:
                fire(j + 1)
            pltpu.make_async_copy(
                table_hbm.at[idx_v.at[pl.ds(j * chunk, chunk)]],
                rows[j % 2],
                sems[j % 2],
            ).wait()
            pltpu.sync_copy(
                rows[j % 2], out_hbm.at[pl.ds(base + j * chunk, chunk)]
            )

    return gather


def _make_tc_logits(t, d, n, blk=1024):
    assert t % blk == 0

    def body(te_ref, log_ref, ol_ref):
        ol_ref[...] = jnp.dot(
            te_ref[...].astype(jnp.bfloat16), log_ref[...],
            preferred_element_type=jnp.float32,
        )

    return pl.pallas_call(
        body,
        grid=(t // blk,),
        in_specs=[
            pl.BlockSpec((blk, d), lambda i: (i, 0)),
            pl.BlockSpec((d, n), lambda i: (0, 0)),
        ],
        out_specs=pl.BlockSpec((blk, n), lambda i: (i, 0)),
        out_shape=jax.ShapeDtypeStruct((t, n), jnp.float32),
    )


def kernel(source_enumerate, target_enumerate, src_embs, tgt_embs, logits):
    b, s = source_enumerate.shape
    t = b * s
    src_v, d = src_embs.shape
    tgt_v = tgt_embs.shape[0]
    n = logits.shape[1]

    src_idx = source_enumerate.reshape(t).astype(jnp.int32)
    tgt_idx = target_enumerate.reshape(t).astype(jnp.int32)
    table2_src = src_embs.reshape(src_v // 2, 2 * d)
    table2_tgt = tgt_embs.reshape(tgt_v // 2, 2 * d)
    sc_gather = _make_sc_pair_gather2(t, 2 * d)
    pairs_tgt = sc_gather(table2_tgt, tgt_idx >> 1)
    pairs_src = sc_gather(table2_src, src_idx >> 1)

    odd_s = (src_idx & 1)[:, None].astype(jnp.bool_)
    odd_t = (tgt_idx & 1)[:, None].astype(jnp.bool_)
    src_emb = jnp.where(odd_s, pairs_src[:, d:], pairs_src[:, :d])
    te = jnp.where(odd_t, pairs_tgt[:, d:], pairs_tgt[:, :d])

    log_bf = logits.astype(jnp.bfloat16)
    ol = _make_tc_logits(t, d, n)(te, log_bf)

    return (
        src_emb.reshape(b, s, d),
        te.reshape(b, s, d),
        ol.reshape(b, s, n),
    )

# --- scband reference (transcript-rebuilt; emitter-appended) ---
"""Pipeline reference for scband-independent-embeddings-and-logits-70385924047413 (READ-ONLY COPY).

The authoritative reference and input builder live on the scoring server;
editing this copy changes nothing except your own understanding.
"""

import jax, jax.numpy as jnp
import numpy as np

SRC_VOCAB = 1000000
TGT_VOCAB = 1000
EMB = 64
SRC_PAD = 0
TGT_PAD = 0


def setup_inputs(seed: int = 0) -> dict:
    key = jax.random.key(seed)
    k1, k2, k3, k4, k5 = jax.random.split(key, 5)
    source_enumerate = jax.random.randint(k1, (1024, 50), 0, SRC_VOCAB, dtype=jnp.int64 if jax.config.jax_enable_x64 else jnp.int32)
    target_enumerate = jax.random.randint(k2, (1024, 50), 0, TGT_VOCAB, dtype=jnp.int64 if jax.config.jax_enable_x64 else jnp.int32)
    var = EMB ** (-0.5)
    src_embs = jax.random.normal(k3, (SRC_VOCAB, EMB), dtype=jnp.float32) * var
    src_embs = src_embs.at[SRC_PAD].set(0.0)
    tgt_embs = jax.random.normal(k4, (TGT_VOCAB, EMB), dtype=jnp.float32) * var
    tgt_embs = tgt_embs.at[TGT_PAD].set(0.0)
    logits = jax.random.normal(k5, (EMB, TGT_VOCAB - 1), dtype=jnp.float32) * var
    return {
        "source_enumerate": source_enumerate,
        "target_enumerate": target_enumerate,
        "src_embs": src_embs,
        "tgt_embs": tgt_embs,
        "logits": logits,
    }


def reference(source_enumerate, target_enumerate, src_embs, tgt_embs, logits):
    # get_src_embs: embedding lookup (max_norm disabled since max_norm<=0)
    src_emb = jnp.take(src_embs, source_enumerate, axis=0)
    # get_tgt_embs
    tgt_emb = jnp.take(tgt_embs, target_enumerate, axis=0)
    # get_logits on decoder-side embeddings
    out_logits = jnp.matmul(tgt_emb, logits)
    return (src_emb, tgt_emb, out_logits)

if __name__ == "__main__":
    import jax
    _d = setup_inputs()
    print(jax.jit(kernel)(*tuple(_d.values())))

</pallas_src>

<mosaic_0001>
#map = affine_map<(d0, d1) -> (0, 0)>
#map1 = affine_map<(d0, d1) -> (0)>
module attributes {stable_mosaic.version = 14 : i64} {
  func.func @gather(%arg0: i32, %arg1: i32, %arg2: memref<500x128xf32, #tpu.memory_space<hbm>>, %arg3: memref<51200xi32, #tpu.memory_space<hbm>>, %arg4: memref<51200x128xf32, #tpu.memory_space<hbm>>, %arg5: memref<1600xi32, #tpu.memory_space<vmem>>, %arg6: memref<80x128xf32, #tpu.memory_space<vmem>>, %arg7: memref<80x128xf32, #tpu.memory_space<vmem>>, %arg8: memref<!tpu.dma_semaphore, #tpu.memory_space<semaphore_mem>>, %arg9: memref<!tpu.dma_semaphore, #tpu.memory_space<semaphore_mem>>) attributes {dimension_semantics = [#tpu.dimension_semantics<core_parallel>, #tpu.dimension_semantics<subcore_parallel>], iteration_bounds = array<i64: 2, 16>, scalar_prefetch = 0 : i64, scratch_operands = 5 : i64, tpu.core_type = #tpu.core_type<sc_vector_subcore>, window_params = [{transform_indices = #map}, {transform_indices = #map1}, {transform_indices = #map}]} {
    %mul3A = arith.constant 2 : i32
    %mul3A_0 = arith.muli %arg1, %mul3A : i32
    %add3A = arith.addi %mul3A_0, %arg0 : i32
    %mul3A_1 = arith.constant 1600 : i32
    %mul3A_2 = arith.muli %add3A, %mul3A_1 : i32
    "tpu.region"() ({
      %run_scoped3A = tpu.sem_alloc : memref<!tpu.dma_semaphore, #tpu.memory_space<semaphore_mem>>
      %dma_start3A_241 = tpu.memref_slice %arg3[%mul3A_2] : memref<51200xi32, #tpu.memory_space<hbm>> -> memref<1600xi32, #tpu.memory_space<hbm>>
      %dma_start3A_242 = tpu.memref_slice %arg3[%mul3A_2] : memref<51200xi32, #tpu.memory_space<hbm>> -> memref<1600xi32, #tpu.memory_space<hbm>>
      tpu.enqueue_dma source(%dma_start3A_242 : memref<1600xi32, #tpu.memory_space<hbm>>) target(%arg5 : memref<1600xi32, #tpu.memory_space<vmem>>) target_semaphore(%run_scoped3A : memref<!tpu.dma_semaphore, #tpu.memory_space<semaphore_mem>>)
      %dma_wait3A_243 = tpu.memref_slice %arg3[%mul3A_2] : memref<51200xi32, #tpu.memory_space<hbm>> -> memref<1600xi32, #tpu.memory_space<hbm>>
      %dma_wait3A_244 = tpu.memref_slice %arg3[%mul3A_2] : memref<51200xi32, #tpu.memory_space<hbm>> -> memref<1600xi32, #tpu.memory_space<hbm>>
      tpu.wait_dma2 semaphore(%run_scoped3A : memref<!tpu.dma_semaphore, #tpu.memory_space<semaphore_mem>>) src(%dma_wait3A_244 : memref<1600xi32, #tpu.memory_space<hbm>>) dst(%arg5 : memref<1600xi32, #tpu.memory_space<vmem>>)
      tpu.yield
    }) : () -> ()
    %dma_start3A = arith.constant 0 : i32
    %dma_start3A_3 = tpu.memref_slice %arg5[%dma_start3A] : memref<1600xi32, #tpu.memory_space<vmem>> -> memref<80xi32, #tpu.memory_space<vmem>>
    %dma_start3A_4 = arith.constant 0 : i32
    %dma_start3A_5 = arith.constant 0 : i32
    %dma_start3A_6 = tpu.memref_slice %arg2[%dma_start3A_4, %dma_start3A_5] : memref<500x128xf32, #tpu.memory_space<hbm>> -> memref<500x128xf32, #tpu.memory_space<hbm>>
    tpu.enqueue_indirect_dma source(%dma_start3A_6 : memref<500x128xf32, #tpu.memory_space<hbm>>) target(%arg6 : memref<80x128xf32, #tpu.memory_space<vmem>>) offsets(%dma_start3A_3 : memref<80xi32, #tpu.memory_space<vmem>>) semaphore(%arg8 : memref<!tpu.dma_semaphore, #tpu.memory_space<semaphore_mem>>)
    %dma_start3A_7 = arith.constant 80 : i32
    %dma_start3A_8 = tpu.memref_slice %arg5[%dma_start3A_7] : memref<1600xi32, #tpu.memory_space<vmem>> -> memref<80xi32, #tpu.memory_space<vmem>>
    %dma_start3A_9 = arith.constant 0 : i32
    %dma_start3A_10 = arith.constant 0 : i32
    %dma_start3A_11 = tpu.memref_slice %arg2[%dma_start3A_9, %dma_start3A_10] : memref<500x128xf32, #tpu.memory_space<hbm>> -> memref<500x128xf32, #tpu.memory_space<hbm>>
    tpu.enqueue_indirect_dma source(%dma_start3A_11 : memref<500x128xf32, #tpu.memory_space<hbm>>) target(%arg7 : memref<80x128xf32, #tpu.memory_space<vmem>>) offsets(%dma_start3A_8 : memref<80xi32, #tpu.memory_space<vmem>>) semaphore(%arg9 : memref<!tpu.dma_semaphore, #tpu.memory_space<semaphore_mem>>)
    %dma_wait3A = arith.constant 0 : i32
    %dma_wait3A_12 = tpu.memref_slice %arg5[%dma_wait3A] : memref<1600xi32, #tpu.memory_space<vmem>> -> memref<80xi32, #tpu.memory_space<vmem>>
    %dma_wait3A_13 = arith.constant 0 : i32
    %dma_wait3A_14 = arith.constant 0 : i32
    %dma_wait3A_15 = tpu.memref_slice %arg2[%dma_wait3A_13, %dma_wait3A_14] : memref<500x128xf32, #tpu.memory_space<hbm>> -> memref<500x128xf32, #tpu.memory_space<hbm>>
    tpu.wait_indirect_dma semaphore(%arg8 : memref<!tpu.dma_semaphore, #tpu.memory_space<semaphore_mem>>) src(%dma_wait3A_15 : memref<500x128xf32, #tpu.memory_space<hbm>>) dst(%arg6 : memref<80x128xf32, #tpu.memory_space<vmem>>)
    %add3A_16 = arith.constant 0 : i32
    %add3A_17 = arith.addi %mul3A_2, %add3A_16 : i32
    "tpu.region"() ({
      %run_scoped3A = tpu.sem_alloc : memref<!tpu.dma_semaphore, #tpu.memory_space<semaphore_mem>>
      %dma_start3A_241 = arith.constant 0 : i32
      %dma_start3A_242 = tpu.memref_slice %arg4[%add3A_17, %dma_start3A_241] : memref<51200x128xf32, #tpu.memory_space<hbm>> -> memref<80x128xf32, #tpu.memory_space<hbm>>
      %dma_start3A_243 = arith.constant 0 : i32
      %dma_start3A_244 = tpu.memref_slice %arg4[%add3A_17, %dma_start3A_243] : memref<51200x128xf32, #tpu.memory_space<hbm>> -> memref<80x128xf32, #tpu.memory_space<hbm>>
      tpu.enqueue_dma source(%arg6 : memref<80x128xf32, #tpu.memory_space<vmem>>) target(%dma_start3A_244 : memref<80x128xf32, #tpu.memory_space<hbm>>) target_semaphore(%run_scoped3A : memref<!tpu.dma_semaphore, #tpu.memory_space<semaphore_mem>>)
      %dma_wait3A_245 = arith.constant 0 : i32
      %dma_wait3A_246 = tpu.memref_slice %arg4[%add3A_17, %dma_wait3A_245] : memref<51200x128xf32, #tpu.memory_space<hbm>> -> memref<80x128xf32, #tpu.memory_space<hbm>>
      %dma_wait3A_247 = arith.constant 0 : i32
      %dma_wait3A_248 = tpu.memref_slice %arg4[%add3A_17, %dma_wait3A_247] : memref<51200x128xf32, #tpu.memory_space<hbm>> -> memref<80x128xf32, #tpu.memory_space<hbm>>
      tpu.wait_dma2 semaphore(%run_scoped3A : memref<!tpu.dma_semaphore, #tpu.memory_space<semaphore_mem>>) src(%arg6 : memref<80x128xf32, #tpu.memory_space<vmem>>) dst(%dma_wait3A_248 : memref<80x128xf32, #tpu.memory_space<hbm>>)
      tpu.yield
    }) : () -> ()
    %dma_start3A_18 = arith.constant 160 : i32
    %dma_start3A_19 = tpu.memref_slice %arg5[%dma_start3A_18] : memref<1600xi32, #tpu.memory_space<vmem>> -> memref<80xi32, #tpu.memory_space<vmem>>
    %dma_start3A_20 = arith.constant 0 : i32
    %dma_start3A_21 = arith.constant 0 : i32
    %dma_start3A_22 = tpu.memref_slice %arg2[%dma_start3A_20, %dma_start3A_21] : memref<500x128xf32, #tpu.memory_space<hbm>> -> memref<500x128xf32, #tpu.memory_space<hbm>>
    tpu.enqueue_indirect_dma source(%dma_start3A_22 : memref<500x128xf32, #tpu.memory_space<hbm>>) target(%arg6 : memref<80x128xf32, #tpu.memory_space<vmem>>) offsets(%dma_start3A_19 : memref<80xi32, #tpu.memory_space<vmem>>) semaphore(%arg8 : memref<!tpu.dma_semaphore, #tpu.memory_space<semaphore_mem>>)
    %dma_wait3A_23 = arith.constant 80 : i32
    %dma_wait3A_24 = tpu.memref_slice %arg5[%dma_wait3A_23] : memref<1600xi32, #tpu.memory_space<vmem>> -> memref<80xi32, #tpu.memory_space<vmem>>
    %dma_wait3A_25 = arith.constant 0 : i32
    %dma_wait3A_26 = arith.constant 0 : i32
    %dma_wait3A_27 = tpu.memref_slice %arg2[%dma_wait3A_25, %dma_wait3A_26] : memref<500x128xf32, #tpu.memory_space<hbm>> -> memref<500x128xf32, #tpu.memory_space<hbm>>
    tpu.wait_indirect_dma semaphore(%arg9 : memref<!tpu.dma_semaphore, #tpu.memory_space<semaphore_mem>>) src(%dma_wait3A_27 : memref<500x128xf32, #tpu.memory_space<hbm>>) dst(%arg7 : memref<80x128xf32, #tpu.memory_space<vmem>>)
    %add3A_28 = arith.constant 80 : i32
    %add3A_29 = arith.addi %mul3A_2, %add3A_28 : i32
    "tpu.region"() ({
      %run_scoped3A = tpu.sem_alloc : memref<!tpu.dma_semaphore, #tpu.memory_space<semaphore_mem>>
      %dma_start3A_241 = arith.constant 0 : i32
      %dma_start3A_242 = tpu.memref_slice %arg4[%add3A_29, %dma_start3A_241] : memref<51200x128xf32, #tpu.memory_space<hbm>> -> memref<80x128xf32, #tpu.memory_space<hbm>>
      %dma_start3A_243 = arith.constant 0 : i32
      %dma_start3A_244 = tpu.memref_slice %arg4[%add3A_29, %dma_start3A_243] : memref<51200x128xf32, #tpu.memory_space<hbm>> -> memref<80x128xf32, #tpu.memory_space<hbm>>
      tpu.enqueue_dma source(%arg7 : memref<80x128xf32, #tpu.memory_space<vmem>>) target(%dma_start3A_244 : memref<80x128xf32, #tpu.memory_space<hbm>>) target_semaphore(%run_scoped3A : memref<!tpu.dma_semaphore, #tpu.memory_space<semaphore_mem>>)
      %dma_wait3A_245 = arith.constant 0 : i32
      %dma_wait3A_246 = tpu.memref_slice %arg4[%add3A_29, %dma_wait3A_245] : memref<51200x128xf32, #tpu.memory_space<hbm>> -> memref<80x128xf32, #tpu.memory_space<hbm>>
      %dma_wait3A_247 = arith.constant 0 : i32
      %dma_wait3A_248 = tpu.memref_slice %arg4[%add3A_29, %dma_wait3A_247] : memref<51200x128xf32, #tpu.memory_space<hbm>> -> memref<80x128xf32, #tpu.memory_space<hbm>>
      tpu.wait_dma2 semaphore(%run_scoped3A : memref<!tpu.dma_semaphore, #tpu.memory_space<semaphore_mem>>) src(%arg7 : memref<80x128xf32, #tpu.memory_space<vmem>>) dst(%dma_wait3A_248 : memref<80x128xf32, #tpu.memory_space<hbm>>)
      tpu.yield
    }) : () -> ()
    %dma_start3A_30 = arith.constant 240 : i32
    %dma_start3A_31 = tpu.memref_slice %arg5[%dma_start3A_30] : memref<1600xi32, #tpu.memory_space<vmem>> -> memref<80xi32, #tpu.memory_space<vmem>>
    %dma_start3A_32 = arith.constant 0 : i32
    %dma_start3A_33 = arith.constant 0 : i32
    %dma_start3A_34 = tpu.memref_slice %arg2[%dma_start3A_32, %dma_start3A_33] : memref<500x128xf32, #tpu.memory_space<hbm>> -> memref<500x128xf32, #tpu.memory_space<hbm>>
    tpu.enqueue_indirect_dma source(%dma_start3A_34 : memref<500x128xf32, #tpu.memory_space<hbm>>) target(%arg7 : memref<80x128xf32, #tpu.memory_space<vmem>>) offsets(%dma_start3A_31 : memref<80xi32, #tpu.memory_space<vmem>>) semaphore(%arg9 : memref<!tpu.dma_semaphore, #tpu.memory_space<semaphore_mem>>)
    %dma_wait3A_35 = arith.constant 160 : i32
    %dma_wait3A_36 = tpu.memref_slice %arg5[%dma_wait3A_35] : memref<1600xi32, #tpu.memory_space<vmem>> -> memref<80xi32, #tpu.memory_space<vmem>>
    %dma_wait3A_37 = arith.constant 0 : i32
    %dma_wait3A_38 = arith.constant 0 : i32
    %dma_wait3A_39 = tpu.memref_slice %arg2[%dma_wait3A_37, %dma_wait3A_38] : memref<500x128xf32, #tpu.memory_space<hbm>> -> memref<500x128xf32, #tpu.memory_space<hbm>>
    tpu.wait_indirect_dma semaphore(%arg8 : memref<!tpu.dma_semaphore, #tpu.memory_space<semaphore_mem>>) src(%dma_wait3A_39 : memref<500x128xf32, #tpu.memory_space<hbm>>) dst(%arg6 : memref<80x128xf32, #tpu.memory_space<vmem>>)
    %add3A_40 = arith.constant 160 : i32
    %add3A_41 = arith.addi %mul3A_2, %add3A_40 : i32
    "tpu.region"() ({
      %run_scoped3A = tpu.sem_alloc : memref<!tpu.dma_semaphore, #tpu.memory_space<semaphore_mem>>
      %dma_start3A_241 = arith.constant 0 : i32
      %dma_start3A_242 = tpu.memref_slice %arg4[%add3A_41, %dma_start3A_241] : memref<51200x128xf32, #tpu.memory_space<hbm>> -> memref<80x128xf32, #tpu.memory_space<hbm>>
      %dma_start3A_243 = arith.constant 0 : i32
      %dma_start3A_244 = tpu.memref_slice %arg4[%add3A_41, %dma_start3A_243] : memref<51200x128xf32, #tpu.memory_space<hbm>> -> memref<80x128xf32, #tpu.memory_space<hbm>>
      tpu.enqueue_dma source(%arg6 : memref<80x128xf32, #tpu.memory_space<vmem>>) target(%dma_start3A_244 : memref<80x128xf32, #tpu.memory_space<hbm>>) target_semaphore(%run_scoped3A : memref<!tpu.dma_semaphore, #tpu.memory_space<semaphore_mem>>)
      %dma_wait3A_245 = arith.constant 0 : i32
      %dma_wait3A_246 = tpu.memref_slice %arg4[%add3A_41, %dma_wait3A_245] : memref<51200x128xf32, #tpu.memory_space<hbm>> -> memref<80x128xf32, #tpu.memory_space<hbm>>
      %dma_wait3A_247 = arith.constant 0 : i32
      %dma_wait3A_248 = tpu.memref_slice %arg4[%add3A_41, %dma_wait3A_247] : memref<51200x128xf32, #tpu.memory_space<hbm>> -> memref<80x128xf32, #tpu.memory_space<hbm>>
      tpu.wait_dma2 semaphore(%run_scoped3A : memref<!tpu.dma_semaphore, #tpu.memory_space<semaphore_mem>>) src(%arg6 : memref<80x128xf32, #tpu.memory_space<vmem>>) dst(%dma_wait3A_248 : memref<80x128xf32, #tpu.memory_space<hbm>>)
      tpu.yield
    }) : () -> ()
    %dma_start3A_42 = arith.constant 320 : i32
    %dma_start3A_43 = tpu.memref_slice %arg5[%dma_start3A_42] : memref<1600xi32, #tpu.memory_space<vmem>> -> memref<80xi32, #tpu.memory_space<vmem>>
    %dma_start3A_44 = arith.constant 0 : i32
    %dma_start3A_45 = arith.constant 0 : i32
    %dma_start3A_46 = tpu.memref_slice %arg2[%dma_start3A_44, %dma_start3A_45] : memref<500x128xf32, #tpu.memory_space<hbm>> -> memref<500x128xf32, #tpu.memory_space<hbm>>
    tpu.enqueue_indirect_dma source(%dma_start3A_46 : memref<500x128xf32, #tpu.memory_space<hbm>>) target(%arg6 : memref<80x128xf32, #tpu.memory_space<vmem>>) offsets(%dma_start3A_43 : memref<80xi32, #tpu.memory_space<vmem>>) semaphore(%arg8 : memref<!tpu.dma_semaphore, #tpu.memory_space<semaphore_mem>>)
    %dma_wait3A_47 = arith.constant 240 : i32
    %dma_wait3A_48 = tpu.memref_slice %arg5[%dma_wait3A_47] : memref<1600xi32, #tpu.memory_space<vmem>> -> memref<80xi32, #tpu.memory_space<vmem>>
    %dma_wait3A_49 = arith.constant 0 : i32
    %dma_wait3A_50 = arith.constant 0 : i32
    %dma_wait3A_51 = tpu.memref_slice %arg2[%dma_wait3A_49, %dma_wait3A_50] : memref<500x128xf32, #tpu.memory_space<hbm>> -> memref<500x128xf32, #tpu.memory_space<hbm>>
    tpu.wait_indirect_dma semaphore(%arg9 : memref<!tpu.dma_semaphore, #tpu.memory_space<semaphore_mem>>) src(%dma_wait3A_51 : memref<500x128xf32, #tpu.memory_space<hbm>>) dst(%arg7 : memref<80x128xf32, #tpu.memory_space<vmem>>)
    %add3A_52 = arith.constant 240 : i32
    %add3A_53 = arith.addi %mul3A_2, %add3A_52 : i32
    "tpu.region"() ({
      %run_scoped3A = tpu.sem_alloc : memref<!tpu.dma_semaphore, #tpu.memory_space<semaphore_mem>>
      %dma_start3A_241 = arith.constant 0 : i32
      %dma_start3A_242 = tpu.memref_slice %arg4[%add3A_53, %dma_start3A_241] : memref<51200x128xf32, #tpu.memory_space<hbm>> -> memref<80x128xf32, #tpu.memory_space<hbm>>
      %dma_start3A_243 = arith.constant 0 : i32
      %dma_start3A_244 = tpu.memref_slice %arg4[%add3A_53, %dma_start3A_243] : memref<51200x128xf32, #tpu.memory_space<hbm>> -> memref<80x128xf32, #tpu.memory_space<hbm>>
      tpu.enqueue_dma source(%arg7 : memref<80x128xf32, #tpu.memory_space<vmem>>) target(%dma_start3A_244 : memref<80x128xf32, #tpu.memory_space<hbm>>) target_semaphore(%run_scoped3A : memref<!tpu.dma_semaphore, #tpu.memory_space<semaphore_mem>>)
      %dma_wait3A_245 = arith.constant 0 : i32
      %dma_wait3A_246 = tpu.memref_slice %arg4[%add3A_53, %dma_wait3A_245] : memref<51200x128xf32, #tpu.memory_space<hbm>> -> memref<80x128xf32, #tpu.memory_space<hbm>>
      %dma_wait3A_247 = arith.constant 0 : i32
      %dma_wait3A_248 = tpu.memref_slice %arg4[%add3A_53, %dma_wait3A_247] : memref<51200x128xf32, #tpu.memory_space<hbm>> -> memref<80x128xf32, #tpu.memory_space<hbm>>
      tpu.wait_dma2 semaphore(%run_scoped3A : memref<!tpu.dma_semaphore, #tpu.memory_space<semaphore_mem>>) src(%arg7 : memref<80x128xf32, #tpu.memory_space<vmem>>) dst(%dma_wait3A_248 : memref<80x128xf32, #tpu.memory_space<hbm>>)
      tpu.yield
    }) : () -> ()
    %dma_start3A_54 = arith.constant 400 : i32
    %dma_start3A_55 = tpu.memref_slice %arg5[%dma_start3A_54] : memref<1600xi32, #tpu.memory_space<vmem>> -> memref<80xi32, #tpu.memory_space<vmem>>
    %dma_start3A_56 = arith.constant 0 : i32
    %dma_start3A_57 = arith.constant 0 : i32
    %dma_start3A_58 = tpu.memref_slice %arg2[%dma_start3A_56, %dma_start3A_57] : memref<500x128xf32, #tpu.memory_space<hbm>> -> memref<500x128xf32, #tpu.memory_space<hbm>>
    tpu.enqueue_indirect_dma source(%dma_start3A_58 : memref<500x128xf32, #tpu.memory_space<hbm>>) target(%arg7 : memref<80x128xf32, #tpu.memory_space<vmem>>) offsets(%dma_start3A_55 : memref<80xi32, #tpu.memory_space<vmem>>) semaphore(%arg9 : memref<!tpu.dma_semaphore, #tpu.memory_space<semaphore_mem>>)
    %dma_wait3A_59 = arith.constant 320 : i32
    %dma_wait3A_60 = tpu.memref_slice %arg5[%dma_wait3A_59] : memref<1600xi32, #tpu.memory_space<vmem>> -> memref<80xi32, #tpu.memory_space<vmem>>
    %dma_wait3A_61 = arith.constant 0 : i32
    %dma_wait3A_62 = arith.constant 0 : i32
    %dma_wait3A_63 = tpu.memref_slice %arg2[%dma_wait3A_61, %dma_wait3A_62] : memref<500x128xf32, #tpu.memory_space<hbm>> -> memref<500x128xf32, #tpu.memory_space<hbm>>
    tpu.wait_indirect_dma semaphore(%arg8 : memref<!tpu.dma_semaphore, #tpu.memory_space<semaphore_mem>>) src(%dma_wait3A_63 : memref<500x128xf32, #tpu.memory_space<hbm>>) dst(%arg6 : memref<80x128xf32, #tpu.memory_space<vmem>>)
    %add3A_64 = arith.constant 320 : i32
    %add3A_65 = arith.addi %mul3A_2, %add3A_64 : i32
    "tpu.region"() ({
      %run_scoped3A = tpu.sem_alloc : memref<!tpu.dma_semaphore, #tpu.memory_space<semaphore_mem>>
      %dma_start3A_241 = arith.constant 0 : i32
      %dma_start3A_242 = tpu.memref_slice %arg4[%add3A_65, %dma_start3A_241] : memref<51200x128xf32, #tpu.memory_space<hbm>> -> memref<80x128xf32, #tpu.memory_space<hbm>>
      %dma_start3A_243 = arith.constant 0 : i32
      %dma_start3A_244 = tpu.memref_slice %arg4[%add3A_65, %dma_start3A_243] : memref<51200x128xf32, #tpu.memory_space<hbm>> -> memref<80x128xf32, #tpu.memory_space<hbm>>
      tpu.enqueue_dma source(%arg6 : memref<80x128xf32, #tpu.memory_space<vmem>>) target(%dma_start3A_244 : memref<80x128xf32, #tpu.memory_space<hbm>>) target_semaphore(%run_scoped3A : memref<!tpu.dma_semaphore, #tpu.memory_space<semaphore_mem>>)
      %dma_wait3A_245 = arith.constant 0 : i32
      %dma_wait3A_246 = tpu.memref_slice %arg4[%add3A_65, %dma_wait3A_245] : memref<51200x128xf32, #tpu.memory_space<hbm>> -> memref<80x128xf32, #tpu.memory_space<hbm>>
      %dma_wait3A_247 = arith.constant 0 : i32
      %dma_wait3A_248 = tpu.memref_slice %arg4[%add3A_65, %dma_wait3A_247] : memref<51200x128xf32, #tpu.memory_space<hbm>> -> memref<80x128xf32, #tpu.memory_space<hbm>>
      tpu.wait_dma2 semaphore(%run_scoped3A : memref<!tpu.dma_semaphore, #tpu.memory_space<semaphore_mem>>) src(%arg6 : memref<80x128xf32, #tpu.memory_space<vmem>>) dst(%dma_wait3A_248 : memref<80x128xf32, #tpu.memory_space<hbm>>)
      tpu.yield
    }) : () -> ()
    %dma_start3A_66 = arith.constant 480 : i32
    %dma_start3A_67 = tpu.memref_slice %arg5[%dma_start3A_66] : memref<1600xi32, #tpu.memory_space<vmem>> -> memref<80xi32, #tpu.memory_space<vmem>>
    %dma_start3A_68 = arith.constant 0 : i32
    %dma_start3A_69 = arith.constant 0 : i32
    %dma_start3A_70 = tpu.memref_slice %arg2[%dma_start3A_68, %dma_start3A_69] : memref<500x128xf32, #tpu.memory_space<hbm>> -> memref<500x128xf32, #tpu.memory_space<hbm>>
    tpu.enqueue_indirect_dma source(%dma_start3A_70 : memref<500x128xf32, #tpu.memory_space<hbm>>) target(%arg6 : memref<80x128xf32, #tpu.memory_space<vmem>>) offsets(%dma_start3A_67 : memref<80xi32, #tpu.memory_space<vmem>>) semaphore(%arg8 : memref<!tpu.dma_semaphore, #tpu.memory_space<semaphore_mem>>)
    %dma_wait3A_71 = arith.constant 400 : i32
    %dma_wait3A_72 = tpu.memref_slice %arg5[%dma_wait3A_71] : memref<1600xi32, #tpu.memory_space<vmem>> -> memref<80xi32, #tpu.memory_space<vmem>>
    %dma_wait3A_73 = arith.constant 0 : i32
    %dma_wait3A_74 = arith.constant 0 : i32
    %dma_wait3A_75 = tpu.memref_slice %arg2[%dma_wait3A_73, %dma_wait3A_74] : memref<500x128xf32, #tpu.memory_space<hbm>> -> memref<500x128xf32, #tpu.memory_space<hbm>>
    tpu.wait_indirect_dma semaphore(%arg9 : memref<!tpu.dma_semaphore, #tpu.memory_space<semaphore_mem>>) src(%dma_wait3A_75 : memref<500x128xf32, #tpu.memory_space<hbm>>) dst(%arg7 : memref<80x128xf32, #tpu.memory_space<vmem>>)
    %add3A_76 = arith.constant 400 : i32
    %add3A_77 = arith.addi %mul3A_2, %add3A_76 : i32
    "tpu.region"() ({
      %run_scoped3A = tpu.sem_alloc : memref<!tpu.dma_semaphore, #tpu.memory_space<semaphore_mem>>
      %dma_start3A_241 = arith.constant 0 : i32
      %dma_start3A_242 = tpu.memref_slice %arg4[%add3A_77, %dma_start3A_241] : memref<51200x128xf32, #tpu.memory_space<hbm>> -> memref<80x128xf32, #tpu.memory_space<hbm>>
      %dma_start3A_243 = arith.constant 0 : i32
      %dma_start3A_244 = tpu.memref_slice %arg4[%add3A_77, %dma_start3A_243] : memref<51200x128xf32, #tpu.memory_space<hbm>> -> memref<80x128xf32, #tpu.memory_space<hbm>>
      tpu.enqueue_dma source(%arg7 : memref<80x128xf32, #tpu.memory_space<vmem>>) target(%dma_start3A_244 : memref<80x128xf32, #tpu.memory_space<hbm>>) target_semaphore(%run_scoped3A : memref<!tpu.dma_semaphore, #tpu.memory_space<semaphore_mem>>)
      %dma_wait3A_245 = arith.constant 0 : i32
      %dma_wait3A_246 = tpu.memref_slice %arg4[%add3A_77, %dma_wait3A_245] : memref<51200x128xf32, #tpu.memory_space<hbm>> -> memref<80x128xf32, #tpu.memory_space<hbm>>
      %dma_wait3A_247 = arith.constant 0 : i32
      %dma_wait3A_248 = tpu.memref_slice %arg4[%add3A_77, %dma_wait3A_247] : memref<51200x128xf32, #tpu.memory_space<hbm>> -> memref<80x128xf32, #tpu.memory_space<hbm>>
      tpu.wait_dma2 semaphore(%run_scoped3A : memref<!tpu.dma_semaphore, #tpu.memory_space<semaphore_mem>>) src(%arg7 : memref<80x128xf32, #tpu.memory_space<vmem>>) dst(%dma_wait3A_248 : memref<80x128xf32, #tpu.memory_space<hbm>>)
      tpu.yield
    }) : () -> ()
    %dma_start3A_78 = arith.constant 560 : i32
    %dma_start3A_79 = tpu.memref_slice %arg5[%dma_start3A_78] : memref<1600xi32, #tpu.memory_space<vmem>> -> memref<80xi32, #tpu.memory_space<vmem>>
    %dma_start3A_80 = arith.constant 0 : i32
    %dma_start3A_81 = arith.constant 0 : i32
    %dma_start3A_82 = tpu.memref_slice %arg2[%dma_start3A_80, %dma_start3A_81] : memref<500x128xf32, #tpu.memory_space<hbm>> -> memref<500x128xf32, #tpu.memory_space<hbm>>
    tpu.enqueue_indirect_dma source(%dma_start3A_82 : memref<500x128xf32, #tpu.memory_space<hbm>>) target(%arg7 : memref<80x128xf32, #tpu.memory_space<vmem>>) offsets(%dma_start3A_79 : memref<80xi32, #tpu.memory_space<vmem>>) semaphore(%arg9 : memref<!tpu.dma_semaphore, #tpu.memory_space<semaphore_mem>>)
    %dma_wait3A_83 = arith.constant 480 : i32
    %dma_wait3A_84 = tpu.memref_slice %arg5[%dma_wait3A_83] : memref<1600xi32, #tpu.memory_space<vmem>> -> memref<80xi32, #tpu.memory_space<vmem>>
    %dma_wait3A_85 = arith.constant 0 : i32
    %dma_wait3A_86 = arith.constant 0 : i32
    %dma_wait3A_87 = tpu.memref_slice %arg2[%dma_wait3A_85, %dma_wait3A_86] : memref<500x128xf32, #tpu.memory_space<hbm>> -> memref<500x128xf32, #tpu.memory_space<hbm>>
    tpu.wait_indirect_dma semaphore(%arg8 : memref<!tpu.dma_semaphore, #tpu.memory_space<semaphore_mem>>) src(%dma_wait3A_87 : memref<500x128xf32, #tpu.memory_space<hbm>>) dst(%arg6 : memref<80x128xf32, #tpu.memory_space<vmem>>)
    %add3A_88 = arith.constant 480 : i32
    %add3A_89 = arith.addi %mul3A_2, %add3A_88 : i32
    "tpu.region"() ({
      %run_scoped3A = tpu.sem_alloc : memref<!tpu.dma_semaphore, #tpu.memory_space<semaphore_mem>>
      %dma_start3A_241 = arith.constant 0 : i32
      %dma_start3A_242 = tpu.memref_slice %arg4[%add3A_89, %dma_start3A_241] : memref<51200x128xf32, #tpu.memory_space<hbm>> -> memref<80x128xf32, #tpu.memory_space<hbm>>
      %dma_start3A_243 = arith.constant 0 : i32
      %dma_start3A_244 = tpu.memref_slice %arg4[%add3A_89, %dma_start3A_243] : memref<51200x128xf32, #tpu.memory_space<hbm>> -> memref<80x128xf32, #tpu.memory_space<hbm>>
      tpu.enqueue_dma source(%arg6 : memref<80x128xf32, #tpu.memory_space<vmem>>) target(%dma_start3A_244 : memref<80x128xf32, #tpu.memory_space<hbm>>) target_semaphore(%run_scoped3A : memref<!tpu.dma_semaphore, #tpu.memory_space<semaphore_mem>>)
      %dma_wait3A_245 = arith.constant 0 : i32
      %dma_wait3A_246 = tpu.memref_slice %arg4[%add3A_89, %dma_wait3A_245] : memref<51200x128xf32, #tpu.memory_space<hbm>> -> memref<80x128xf32, #tpu.memory_space<hbm>>
      %dma_wait3A_247 = arith.constant 0 : i32
      %dma_wait3A_248 = tpu.memref_slice %arg4[%add3A_89, %dma_wait3A_247] : memref<51200x128xf32, #tpu.memory_space<hbm>> -> memref<80x128xf32, #tpu.memory_space<hbm>>
      tpu.wait_dma2 semaphore(%run_scoped3A : memref<!tpu.dma_semaphore, #tpu.memory_space<semaphore_mem>>) src(%arg6 : memref<80x128xf32, #tpu.memory_space<vmem>>) dst(%dma_wait3A_248 : memref<80x128xf32, #tpu.memory_space<hbm>>)
      tpu.yield
    }) : () -> ()
    %dma_start3A_90 = arith.constant 640 : i32
    %dma_start3A_91 = tpu.memref_slice %arg5[%dma_start3A_90] : memref<1600xi32, #tpu.memory_space<vmem>> -> memref<80xi32, #tpu.memory_space<vmem>>
    %dma_start3A_92 = arith.constant 0 : i32
    %dma_start3A_93 = arith.constant 0 : i32
    %dma_start3A_94 = tpu.memref_slice %arg2[%dma_start3A_92, %dma_start3A_93] : memref<500x128xf32, #tpu.memory_space<hbm>> -> memref<500x128xf32, #tpu.memory_space<hbm>>
    tpu.enqueue_indirect_dma source(%dma_start3A_94 : memref<500x128xf32, #tpu.memory_space<hbm>>) target(%arg6 : memref<80x128xf32, #tpu.memory_space<vmem>>) offsets(%dma_start3A_91 : memref<80xi32, #tpu.memory_space<vmem>>) semaphore(%arg8 : memref<!tpu.dma_semaphore, #tpu.memory_space<semaphore_mem>>)
    %dma_wait3A_95 = arith.constant 560 : i32
    %dma_wait3A_96 = tpu.memref_slice %arg5[%dma_wait3A_95] : memref<1600xi32, #tpu.memory_space<vmem>> -> memref<80xi32, #tpu.memory_space<vmem>>
    %dma_wait3A_97 = arith.constant 0 : i32
    %dma_wait3A_98 = arith.constant 0 : i32
    %dma_wait3A_99 = tpu.memref_slice %arg2[%dma_wait3A_97, %dma_wait3A_98] : memref<500x128xf32, #tpu.memory_space<hbm>> -> memref<500x128xf32, #tpu.memory_space<hbm>>
    tpu.wait_indirect_dma semaphore(%arg9 : memref<!tpu.dma_semaphore, #tpu.memory_space<semaphore_mem>>) src(%dma_wait3A_99 : memref<500x128xf32, #tpu.memory_space<hbm>>) dst(%arg7 : memref<80x128xf32, #tpu.memory_space<vmem>>)
    %add3A_100 = arith.constant 560 : i32
    %add3A_101 = arith.addi %mul3A_2, %add3A_100 : i32
    "tpu.region"() ({
      %run_scoped3A = tpu.sem_alloc : memref<!tpu.dma_semaphore, #tpu.memory_space<semaphore_mem>>
      %dma_start3A_241 = arith.constant 0 : i32
      %dma_start3A_242 = tpu.memref_slice %arg4[%add3A_101, %dma_start3A_241] : memref<51200x128xf32, #tpu.memory_space<hbm>> -> memref<80x128xf32, #tpu.memory_space<hbm>>
      %dma_start3A_243 = arith.constant 0 : i32
      %dma_start3A_244 = tpu.memref_slice %arg4[%add3A_101, %dma_start3A_243] : memref<51200x128xf32, #tpu.memory_space<hbm>> -> memref<80x128xf32, #tpu.memory_space<hbm>>
      tpu.enqueue_dma source(%arg7 : memref<80x128xf32, #tpu.memory_space<vmem>>) target(%dma_start3A_244 : memref<80x128xf32, #tpu.memory_space<hbm>>) target_semaphore(%run_scoped3A : memref<!tpu.dma_semaphore, #tpu.memory_space<semaphore_mem>>)
      %dma_wait3A_245 = arith.constant 0 : i32
      %dma_wait3A_246 = tpu.memref_slice %arg4[%add3A_101, %dma_wait3A_245] : memref<51200x128xf32, #tpu.memory_space<hbm>> -> memref<80x128xf32, #tpu.memory_space<hbm>>
      %dma_wait3A_247 = arith.constant 0 : i32
      %dma_wait3A_248 = tpu.memref_slice %arg4[%add3A_101, %dma_wait3A_247] : memref<51200x128xf32, #tpu.memory_space<hbm>> -> memref<80x128xf32, #tpu.memory_space<hbm>>
      tpu.wait_dma2 semaphore(%run_scoped3A : memref<!tpu.dma_semaphore, #tpu.memory_space<semaphore_mem>>) src(%arg7 : memref<80x128xf32, #tpu.memory_space<vmem>>) dst(%dma_wait3A_248 : memref<80x128xf32, #tpu.memory_space<hbm>>)
      tpu.yield
    }) : () -> ()
    %dma_start3A_102 = arith.constant 720 : i32
    %dma_start3A_103 = tpu.memref_slice %arg5[%dma_start3A_102] : memref<1600xi32, #tpu.memory_space<vmem>> -> memref<80xi32, #tpu.memory_space<vmem>>
    %dma_start3A_104 = arith.constant 0 : i32
    %dma_start3A_105 = arith.constant 0 : i32
    %dma_start3A_106 = tpu.memref_slice %arg2[%dma_start3A_104, %dma_start3A_105] : memref<500x128xf32, #tpu.memory_space<hbm>> -> memref<500x128xf32, #tpu.memory_space<hbm>>
    tpu.enqueue_indirect_dma source(%dma_start3A_106 : memref<500x128xf32, #tpu.memory_space<hbm>>) target(%arg7 : memref<80x128xf32, #tpu.memory_space<vmem>>) offsets(%dma_start3A_103 : memref<80xi32, #tpu.memory_space<vmem>>) semaphore(%arg9 : memref<!tpu.dma_semaphore, #tpu.memory_space<semaphore_mem>>)
    %dma_wait3A_107 = arith.constant 640 : i32
    %dma_wait3A_108 = tpu.memref_slice %arg5[%dma_wait3A_107] : memref<1600xi32, #tpu.memory_space<vmem>> -> memref<80xi32, #tpu.memory_space<vmem>>
    %dma_wait3A_109 = arith.constant 0 : i32
    %dma_wait3A_110 = arith.constant 0 : i32
    %dma_wait3A_111 = tpu.memref_slice %arg2[%dma_wait3A_109, %dma_wait3A_110] : memref<500x128xf32, #tpu.memory_space<hbm>> -> memref<500x128xf32, #tpu.memory_space<hbm>>
    tpu.wait_indirect_dma semaphore(%arg8 : memref<!tpu.dma_semaphore, #tpu.memory_space<semaphore_mem>>) src(%dma_wait3A_111 : memref<500x128xf32, #tpu.memory_space<hbm>>) dst(%arg6 : memref<80x128xf32, #tpu.memory_space<vmem>>)
    %add3A_112 = arith.constant 640 : i32
    %add3A_113 = arith.addi %mul3A_2, %add3A_112 : i32
    "tpu.region"() ({
      %run_scoped3A = tpu.sem_alloc : memref<!tpu.dma_semaphore, #tpu.memory_space<semaphore_mem>>
      %dma_start3A_241 = arith.constant 0 : i32
      %dma_start3A_242 = tpu.memref_slice %arg4[%add3A_113, %dma_start3A_241] : memref<51200x128xf32, #tpu.memory_space<hbm>> -> memref<80x128xf32, #tpu.memory_space<hbm>>
      %dma_start3A_243 = arith.constant 0 : i32
      %dma_start3A_244 = tpu.memref_slice %arg4[%add3A_113, %dma_start3A_243] : memref<51200x128xf32, #tpu.memory_space<hbm>> -> memref<80x128xf32, #tpu.memory_space<hbm>>
      tpu.enqueue_dma source(%arg6 : memref<80x128xf32, #tpu.memory_space<vmem>>) target(%dma_start3A_244 : memref<80x128xf32, #tpu.memory_space<hbm>>) target_semaphore(%run_scoped3A : memref<!tpu.dma_semaphore, #tpu.memory_space<semaphore_mem>>)
      %dma_wait3A_245 = arith.constant 0 : i32
      %dma_wait3A_246 = tpu.memref_slice %arg4[%add3A_113, %dma_wait3A_245] : memref<51200x128xf32, #tpu.memory_space<hbm>> -> memref<80x128xf32, #tpu.memory_space<hbm>>
      %dma_wait3A_247 = arith.constant 0 : i32
      %dma_wait3A_248 = tpu.memref_slice %arg4[%add3A_113, %dma_wait3A_247] : memref<51200x128xf32, #tpu.memory_space<hbm>> -> memref<80x128xf32, #tpu.memory_space<hbm>>
      tpu.wait_dma2 semaphore(%run_scoped3A : memref<!tpu.dma_semaphore, #tpu.memory_space<semaphore_mem>>) src(%arg6 : memref<80x128xf32, #tpu.memory_space<vmem>>) dst(%dma_wait3A_248 : memref<80x128xf32, #tpu.memory_space<hbm>>)
      tpu.yield
    }) : () -> ()
    %dma_start3A_114 = arith.constant 800 : i32
    %dma_start3A_115 = tpu.memref_slice %arg5[%dma_start3A_114] : memref<1600xi32, #tpu.memory_space<vmem>> -> memref<80xi32, #tpu.memory_space<vmem>>
    %dma_start3A_116 = arith.constant 0 : i32
    %dma_start3A_117 = arith.constant 0 : i32
    %dma_start3A_118 = tpu.memref_slice %arg2[%dma_start3A_116, %dma_start3A_117] : memref<500x128xf32, #tpu.memory_space<hbm>> -> memref<500x128xf32, #tpu.memory_space<hbm>>
    tpu.enqueue_indirect_dma source(%dma_start3A_118 : memref<500x128xf32, #tpu.memory_space<hbm>>) target(%arg6 : memref<80x128xf32, #tpu.memory_space<vmem>>) offsets(%dma_start3A_115 : memref<80xi32, #tpu.memory_space<vmem>>) semaphore(%arg8 : memref<!tpu.dma_semaphore, #tpu.memory_space<semaphore_mem>>)
    %dma_wait3A_119 = arith.constant 720 : i32
    %dma_wait3A_120 = tpu.memref_slice %arg5[%dma_wait3A_119] : memref<1600xi32, #tpu.memory_space<vmem>> -> memref<80xi32, #tpu.memory_space<vmem>>
    %dma_wait3A_121 = arith.constant 0 : i32
    %dma_wait3A_122 = arith.constant 0 : i32
    %dma_wait3A_123 = tpu.memref_slice %arg2[%dma_wait3A_121, %dma_wait3A_122] : memref<500x128xf32, #tpu.memory_space<hbm>> -> memref<500x128xf32, #tpu.memory_space<hbm>>
    tpu.wait_indirect_dma semaphore(%arg9 : memref<!tpu.dma_semaphore, #tpu.memory_space<semaphore_mem>>) src(%dma_wait3A_123 : memref<500x128xf32, #tpu.memory_space<hbm>>) dst(%arg7 : memref<80x128xf32, #tpu.memory_space<vmem>>)
    %add3A_124 = arith.constant 720 : i32
    %add3A_125 = arith.addi %mul3A_2, %add3A_124 : i32
    "tpu.region"() ({
      %run_scoped3A = tpu.sem_alloc : memref<!tpu.dma_semaphore, #tpu.memory_space<semaphore_mem>>
      %dma_start3A_241 = arith.constant 0 : i32
      %dma_start3A_242 = tpu.memref_slice %arg4[%add3A_125, %dma_start3A_241] : memref<51200x128xf32, #tpu.memory_space<hbm>> -> memref<80x128xf32, #tpu.memory_space<hbm>>
      %dma_start3A_243 = arith.constant 0 : i32
      %dma_start3A_244 = tpu.memref_slice %arg4[%add3A_125, %dma_start3A_243] : memref<51200x128xf32, #tpu.memory_space<hbm>> -> memref<80x128xf32, #tpu.memory_space<hbm>>
      tpu.enqueue_dma source(%arg7 : memref<80x128xf32, #tpu.memory_space<vmem>>) target(%dma_start3A_244 : memref<80x128xf32, #tpu.memory_space<hbm>>) target_semaphore(%run_scoped3A : memref<!tpu.dma_semaphore, #tpu.memory_space<semaphore_mem>>)
      %dma_wait3A_245 = arith.constant 0 : i32
      %dma_wait3A_246 = tpu.memref_slice %arg4[%add3A_125, %dma_wait3A_245] : memref<51200x128xf32, #tpu.memory_space<hbm>> -> memref<80x128xf32, #tpu.memory_space<hbm>>
      %dma_wait3A_247 = arith.constant 0 : i32
      %dma_wait3A_248 = tpu.memref_slice %arg4[%add3A_125, %dma_wait3A_247] : memref<51200x128xf32, #tpu.memory_space<hbm>> -> memref<80x128xf32, #tpu.memory_space<hbm>>
      tpu.wait_dma2 semaphore(%run_scoped3A : memref<!tpu.dma_semaphore, #tpu.memory_space<semaphore_mem>>) src(%arg7 : memref<80x128xf32, #tpu.memory_space<vmem>>) dst(%dma_wait3A_248 : memref<80x128xf32, #tpu.memory_space<hbm>>)
      tpu.yield
    }) : () -> ()
    %dma_start3A_126 = arith.constant 880 : i32
    %dma_start3A_127 = tpu.memref_slice %arg5[%dma_start3A_126] : memref<1600xi32, #tpu.memory_space<vmem>> -> memref<80xi32, #tpu.memory_space<vmem>>
    %dma_start3A_128 = arith.constant 0 : i32
    %dma_start3A_129 = arith.constant 0 : i32
    %dma_start3A_130 = tpu.memref_slice %arg2[%dma_start3A_128, %dma_start3A_129] : memref<500x128xf32, #tpu.memory_space<hbm>> -> memref<500x128xf32, #tpu.memory_space<hbm>>
    tpu.enqueue_indirect_dma source(%dma_start3A_130 : memref<500x128xf32, #tpu.memory_space<hbm>>) target(%arg7 : memref<80x128xf32, #tpu.memory_space<vmem>>) offsets(%dma_start3A_127 : memref<80xi32, #tpu.memory_space<vmem>>) semaphore(%arg9 : memref<!tpu.dma_semaphore, #tpu.memory_space<semaphore_mem>>)
    %dma_wait3A_131 = arith.constant 800 : i32
    %dma_wait3A_132 = tpu.memref_slice %arg5[%dma_wait3A_131] : memref<1600xi32, #tpu.memory_space<vmem>> -> memref<80xi32, #tpu.memory_space<vmem>>
    %dma_wait3A_133 = arith.constant 0 : i32
    %dma_wait3A_134 = arith.constant 0 : i32
    %dma_wait3A_135 = tpu.memref_slice %arg2[%dma_wait3A_133, %dma_wait3A_134] : memref<500x128xf32, #tpu.memory_space<hbm>> -> memref<500x128xf32, #tpu.memory_space<hbm>>
    tpu.wait_indirect_dma semaphore(%arg8 : memref<!tpu.dma_semaphore, #tpu.memory_space<semaphore_mem>>) src(%dma_wait3A_135 : memref<500x128xf32, #tpu.memory_space<hbm>>) dst(%arg6 : memref<80x128xf32, #tpu.memory_space<vmem>>)
    %add3A_136 = arith.constant 800 : i32
    %add3A_137 = arith.addi %mul3A_2, %add3A_136 : i32
    "tpu.region"() ({
      %run_scoped3A = tpu.sem_alloc : memref<!tpu.dma_semaphore, #tpu.memory_space<semaphore_mem>>
      %dma_start3A_241 = arith.constant 0 : i32
      %dma_start3A_242 = tpu.memref_slice %arg4[%add3A_137, %dma_start3A_241] : memref<51200x128xf32, #tpu.memory_space<hbm>> -> memref<80x128xf32, #tpu.memory_space<hbm>>
      %dma_start3A_243 = arith.constant 0 : i32
      %dma_start3A_244 = tpu.memref_slice %arg4[%add3A_137, %dma_start3A_243] : memref<51200x128xf32, #tpu.memory_space<hbm>> -> memref<80x128xf32, #tpu.memory_space<hbm>>
      tpu.enqueue_dma source(%arg6 : memref<80x128xf32, #tpu.memory_space<vmem>>) target(%dma_start3A_244 : memref<80x128xf32, #tpu.memory_space<hbm>>) target_semaphore(%run_scoped3A : memref<!tpu.dma_semaphore, #tpu.memory_space<semaphore_mem>>)
      %dma_wait3A_245 = arith.constant 0 : i32
      %dma_wait3A_246 = tpu.memref_slice %arg4[%add3A_137, %dma_wait3A_245] : memref<51200x128xf32, #tpu.memory_space<hbm>> -> memref<80x128xf32, #tpu.memory_space<hbm>>
      %dma_wait3A_247 = arith.constant 0 : i32
      %dma_wait3A_248 = tpu.memref_slice %arg4[%add3A_137, %dma_wait3A_247] : memref<51200x128xf32, #tpu.memory_space<hbm>> -> memref<80x128xf32, #tpu.memory_space<hbm>>
      tpu.wait_dma2 semaphore(%run_scoped3A : memref<!tpu.dma_semaphore, #tpu.memory_space<semaphore_mem>>) src(%arg6 : memref<80x128xf32, #tpu.memory_space<vmem>>) dst(%dma_wait3A_248 : memref<80x128xf32, #tpu.memory_space<hbm>>)
      tpu.yield
    }) : () -> ()
    %dma_start3A_138 = arith.constant 960 : i32
    %dma_start3A_139 = tpu.memref_slice %arg5[%dma_start3A_138] : memref<1600xi32, #tpu.memory_space<vmem>> -> memref<80xi32, #tpu.memory_space<vmem>>
    %dma_start3A_140 = arith.constant 0 : i32
    %dma_start3A_141 = arith.constant 0 : i32
    %dma_start3A_142 = tpu.memref_slice %arg2[%dma_start3A_140, %dma_start3A_141] : memref<500x128xf32, #tpu.memory_space<hbm>> -> memref<500x128xf32, #tpu.memory_space<hbm>>
    tpu.enqueue_indirect_dma source(%dma_start3A_142 : memref<500x128xf32, #tpu.memory_space<hbm>>) target(%arg6 : memref<80x128xf32, #tpu.memory_space<vmem>>) offsets(%dma_start3A_139 : memref<80xi32, #tpu.memory_space<vmem>>) semaphore(%arg8 : memref<!tpu.dma_semaphore, #tpu.memory_space<semaphore_mem>>)
    %dma_wait3A_143 = arith.constant 880 : i32
    %dma_wait3A_144 = tpu.memref_slice %arg5[%dma_wait3A_143] : memref<1600xi32, #tpu.memory_space<vmem>> -> memref<80xi32, #tpu.memory_space<vmem>>
    %dma_wait3A_145 = arith.constant 0 : i32
    %dma_wait3A_146 = arith.constant 0 : i32
    %dma_wait3A_147 = tpu.memref_slice %arg2[%dma_wait3A_145, %dma_wait3A_146] : memref<500x128xf32, #tpu.memory_space<hbm>> -> memref<500x128xf32, #tpu.memory_space<hbm>>
    tpu.wait_indirect_dma semaphore(%arg9 : memref<!tpu.dma_semaphore, #tpu.memory_space<semaphore_mem>>) src(%dma_wait3A_147 : memref<500x128xf32, #tpu.memory_space<hbm>>) dst(%arg7 : memref<80x128xf32, #tpu.memory_space<vmem>>)
    %add3A_148 = arith.constant 880 : i32
    %add3A_149 = arith.addi %mul3A_2, %add3A_148 : i32
    "tpu.region"() ({
      %run_scoped3A = tpu.sem_alloc : memref<!tpu.dma_semaphore, #tpu.memory_space<semaphore_mem>>
      %dma_start3A_241 = arith.constant 0 : i32
      %dma_start3A_242 = tpu.memref_slice %arg4[%add3A_149, %dma_start3A_241] : memref<51200x128xf32, #tpu.memory_space<hbm>> -> memref<80x128xf32, #tpu.memory_space<hbm>>
      %dma_start3A_243 = arith.constant 0 : i32
      %dma_start3A_244 = tpu.memref_slice %arg4[%add3A_149, %dma_start3A_243] : memref<51200x128xf32, #tpu.memory_space<hbm>> -> memref<80x128xf32, #tpu.memory_space<hbm>>
      tpu.enqueue_dma source(%arg7 : memref<80x128xf32, #tpu.memory_space<vmem>>) target(%dma_start3A_244 : memref<80x128xf32, #tpu.memory_space<hbm>>) target_semaphore(%run_scoped3A : memref<!tpu.dma_semaphore, #tpu.memory_space<semaphore_mem>>)
      %dma_wait3A_245 = arith.constant 0 : i32
      %dma_wait3A_246 = tpu.memref_slice %arg4[%add3A_149, %dma_wait3A_245] : memref<51200x128xf32, #tpu.memory_space<hbm>> -> memref<80x128xf32, #tpu.memory_space<hbm>>
      %dma_wait3A_247 = arith.constant 0 : i32
      %dma_wait3A_248 = tpu.memref_slice %arg4[%add3A_149, %dma_wait3A_247] : memref<51200x128xf32, #tpu.memory_space<hbm>> -> memref<80x128xf32, #tpu.memory_space<hbm>>
      tpu.wait_dma2 semaphore(%run_scoped3A : memref<!tpu.dma_semaphore, #tpu.memory_space<semaphore_mem>>) src(%arg7 : memref<80x128xf32, #tpu.memory_space<vmem>>) dst(%dma_wait3A_248 : memref<80x128xf32, #tpu.memory_space<hbm>>)
      tpu.yield
    }) : () -> ()
    %dma_start3A_150 = arith.constant 1040 : i32
    %dma_start3A_151 = tpu.memref_slice %arg5[%dma_start3A_150] : memref<1600xi32, #tpu.memory_space<vmem>> -> memref<80xi32, #tpu.memory_space<vmem>>
    %dma_start3A_152 = arith.constant 0 : i32
    %dma_start3A_153 = arith.constant 0 : i32
    %dma_start3A_154 = tpu.memref_slice %arg2[%dma_start3A_152, %dma_start3A_153] : memref<500x128xf32, #tpu.memory_space<hbm>> -> memref<500x128xf32, #tpu.memory_space<hbm>>
    tpu.enqueue_indirect_dma source(%dma_start3A_154 : memref<500x128xf32, #tpu.memory_space<hbm>>) target(%arg7 : memref<80x128xf32, #tpu.memory_space<vmem>>) offsets(%dma_start3A_151 : memref<80xi32, #tpu.memory_space<vmem>>) semaphore(%arg9 : memref<!tpu.dma_semaphore, #tpu.memory_space<semaphore_mem>>)
    %dma_wait3A_155 = arith.constant 960 : i32
    %dma_wait3A_156 = tpu.memref_slice %arg5[%dma_wait3A_155] : memref<1600xi32, #tpu.memory_space<vmem>> -> memref<80xi32, #tpu.memory_space<vmem>>
    %dma_wait3A_157 = arith.constant 0 : i32
    %dma_wait3A_158 = arith.constant 0 : i32
    %dma_wait3A_159 = tpu.memref_slice %arg2[%dma_wait3A_157, %dma_wait3A_158] : memref<500x128xf32, #tpu.memory_space<hbm>> -> memref<500x128xf32, #tpu.memory_space<hbm>>
    tpu.wait_indirect_dma semaphore(%arg8 : memref<!tpu.dma_semaphore, #tpu.memory_space<semaphore_mem>>) src(%dma_wait3A_159 : memref<500x128xf32, #tpu.memory_space<hbm>>) dst(%arg6 : memref<80x128xf32, #tpu.memory_space<vmem>>)
    %add3A_160 = arith.constant 960 : i32
    %add3A_161 = arith.addi %mul3A_2, %add3A_160 : i32
    "tpu.region"() ({
      %run_scoped3A = tpu.sem_alloc : memref<!tpu.dma_semaphore, #tpu.memory_space<semaphore_mem>>
      %dma_start3A_241 = arith.constant 0 : i32
      %dma_start3A_242 = tpu.memref_slice %arg4[%add3A_161, %dma_start3A_241] : memref<51200x128xf32, #tpu.memory_space<hbm>> -> memref<80x128xf32, #tpu.memory_space<hbm>>
      %dma_start3A_243 = arith.constant 0 : i32
      %dma_start3A_244 = tpu.memref_slice %arg4[%add3A_161, %dma_start3A_243] : memref<51200x128xf32, #tpu.memory_space<hbm>> -> memref<80x128xf32, #tpu.memory_space<hbm>>
      tpu.enqueue_dma source(%arg6 : memref<80x128xf32, #tpu.memory_space<vmem>>) target(%dma_start3A_244 : memref<80x128xf32, #tpu.memory_space<hbm>>) target_semaphore(%run_scoped3A : memref<!tpu.dma_semaphore, #tpu.memory_space<semaphore_mem>>)
      %dma_wait3A_245 = arith.constant 0 : i32
      %dma_wait3A_246 = tpu.memref_slice %arg4[%add3A_161, %dma_wait3A_245] : memref<51200x128xf32, #tpu.memory_space<hbm>> -> memref<80x128xf32, #tpu.memory_space<hbm>>
      %dma_wait3A_247 = arith.constant 0 : i32
      %dma_wait3A_248 = tpu.memref_slice %arg4[%add3A_161, %dma_wait3A_247] : memref<51200x128xf32, #tpu.memory_space<hbm>> -> memref<80x128xf32, #tpu.memory_space<hbm>>
      tpu.wait_dma2 semaphore(%run_scoped3A : memref<!tpu.dma_semaphore, #tpu.memory_space<semaphore_mem>>) src(%arg6 : memref<80x128xf32, #tpu.memory_space<vmem>>) dst(%dma_wait3A_248 : memref<80x128xf32, #tpu.memory_space<hbm>>)
      tpu.yield
    }) : () -> ()
    %dma_start3A_162 = arith.constant 1120 : i32
    %dma_start3A_163 = tpu.memref_slice %arg5[%dma_start3A_162] : memref<1600xi32, #tpu.memory_space<vmem>> -> memref<80xi32, #tpu.memory_space<vmem>>
    %dma_start3A_164 = arith.constant 0 : i32
    %dma_start3A_165 = arith.constant 0 : i32
    %dma_start3A_166 = tpu.memref_slice %arg2[%dma_start3A_164, %dma_start3A_165] : memref<500x128xf32, #tpu.memory_space<hbm>> -> memref<500x128xf32, #tpu.memory_space<hbm>>
    tpu.enqueue_indirect_dma source(%dma_start3A_166 : memref<500x128xf32, #tpu.memory_space<hbm>>) target(%arg6 : memref<80x128xf32, #tpu.memory_space<vmem>>) offsets(%dma_start3A_163 : memref<80xi32, #tpu.memory_space<vmem>>) semaphore(%arg8 : memref<!tpu.dma_semaphore, #tpu.memory_space<semaphore_mem>>)
    %dma_wait3A_167 = arith.constant 1040 : i32
    %dma_wait3A_168 = tpu.memref_slice %arg5[%dma_wait3A_167] : memref<1600xi32, #tpu.memory_space<vmem>> -> memref<80xi32, #tpu.memory_space<vmem>>
    %dma_wait3A_169 = arith.constant 0 : i32
    %dma_wait3A_170 = arith.constant 0 : i32
    %dma_wait3A_171 = tpu.memref_slice %arg2[%dma_wait3A_169, %dma_wait3A_170] : memref<500x128xf32, #tpu.memory_space<hbm>> -> memref<500x128xf32, #tpu.memory_space<hbm>>
    tpu.wait_indirect_dma semaphore(%arg9 : memref<!tpu.dma_semaphore, #tpu.memory_space<semaphore_mem>>) src(%dma_wait3A_171 : memref<500x128xf32, #tpu.memory_space<hbm>>) dst(%arg7 : memref<80x128xf32, #tpu.memory_space<vmem>>)
    %add3A_172 = arith.constant 1040 : i32
    %add3A_173 = arith.addi %mul3A_2, %add3A_172 : i32
    "tpu.region"() ({
      %run_scoped3A = tpu.sem_alloc : memref<!tpu.dma_semaphore, #tpu.memory_space<semaphore_mem>>
      %dma_start3A_241 = arith.constant 0 : i32
      %dma_start3A_242 = tpu.memref_slice %arg4[%add3A_173, %dma_start3A_241] : memref<51200x128xf32, #tpu.memory_space<hbm>> -> memref<80x128xf32, #tpu.memory_space<hbm>>
      %dma_start3A_243 = arith.constant 0 : i32
      %dma_start3A_244 = tpu.memref_slice %arg4[%add3A_173, %dma_start3A_243] : memref<51200x128xf32, #tpu.memory_space<hbm>> -> memref<80x128xf32, #tpu.memory_space<hbm>>
      tpu.enqueue_dma source(%arg7 : memref<80x128xf32, #tpu.memory_space<vmem>>) target(%dma_start3A_244 : memref<80x128xf32, #tpu.memory_space<hbm>>) target_semaphore(%run_scoped3A : memref<!tpu.dma_semaphore, #tpu.memory_space<semaphore_mem>>)
      %dma_wait3A_245 = arith.constant 0 : i32
      %dma_wait3A_246 = tpu.memref_slice %arg4[%add3A_173, %dma_wait3A_245] : memref<51200x128xf32, #tpu.memory_space<hbm>> -> memref<80x128xf32, #tpu.memory_space<hbm>>
      %dma_wait3A_247 = arith.constant 0 : i32
      %dma_wait3A_248 = tpu.memref_slice %arg4[%add3A_173, %dma_wait3A_247] : memref<51200x128xf32, #tpu.memory_space<hbm>> -> memref<80x128xf32, #tpu.memory_space<hbm>>
      tpu.wait_dma2 semaphore(%run_scoped3A : memref<!tpu.dma_semaphore, #tpu.memory_space<semaphore_mem>>) src(%arg7 : memref<80x128xf32, #tpu.memory_space<vmem>>) dst(%dma_wait3A_248 : memref<80x128xf32, #tpu.memory_space<hbm>>)
      tpu.yield
    }) : () -> ()
    %dma_start3A_174 = arith.constant 1200 : i32
    %dma_start3A_175 = tpu.memref_slice %arg5[%dma_start3A_174] : memref<1600xi32, #tpu.memory_space<vmem>> -> memref<80xi32, #tpu.memory_space<vmem>>
    %dma_start3A_176 = arith.constant 0 : i32
    %dma_start3A_177 = arith.constant 0 : i32
    %dma_start3A_178 = tpu.memref_slice %arg2[%dma_start3A_176, %dma_start3A_177] : memref<500x128xf32, #tpu.memory_space<hbm>> -> memref<500x128xf32, #tpu.memory_space<hbm>>
    tpu.enqueue_indirect_dma source(%dma_start3A_178 : memref<500x128xf32, #tpu.memory_space<hbm>>) target(%arg7 : memref<80x128xf32, #tpu.memory_space<vmem>>) offsets(%dma_start3A_175 : memref<80xi32, #tpu.memory_space<vmem>>) semaphore(%arg9 : memref<!tpu.dma_semaphore, #tpu.memory_space<semaphore_mem>>)
    %dma_wait3A_179 = arith.constant 1120 : i32
    %dma_wait3A_180 = tpu.memref_slice %arg5[%dma_wait3A_179] : memref<1600xi32, #tpu.memory_space<vmem>> -> memref<80xi32, #tpu.memory_space<vmem>>
    %dma_wait3A_181 = arith.constant 0 : i32
    %dma_wait3A_182 = arith.constant 0 : i32
    %dma_wait3A_183 = tpu.memref_slice %arg2[%dma_wait3A_181, %dma_wait3A_182] : memref<500x128xf32, #tpu.memory_space<hbm>> -> memref<500x128xf32, #tpu.memory_space<hbm>>
    tpu.wait_indirect_dma semaphore(%arg8 : memref<!tpu.dma_semaphore, #tpu.memory_space<semaphore_mem>>) src(%dma_wait3A_183 : memref<500x128xf32, #tpu.memory_space<hbm>>) dst(%arg6 : memref<80x128xf32, #tpu.memory_space<vmem>>)
    %add3A_184 = arith.constant 1120 : i32
    %add3A_185 = arith.addi %mul3A_2, %add3A_184 : i32
    "tpu.region"() ({
      %run_scoped3A = tpu.sem_alloc : memref<!tpu.dma_semaphore, #tpu.memory_space<semaphore_mem>>
      %dma_start3A_241 = arith.constant 0 : i32
      %dma_start3A_242 = tpu.memref_slice %arg4[%add3A_185, %dma_start3A_241] : memref<51200x128xf32, #tpu.memory_space<hbm>> -> memref<80x128xf32, #tpu.memory_space<hbm>>
      %dma_start3A_243 = arith.constant 0 : i32
      %dma_start3A_244 = tpu.memref_slice %arg4[%add3A_185, %dma_start3A_243] : memref<51200x128xf32, #tpu.memory_space<hbm>> -> memref<80x128xf32, #tpu.memory_space<hbm>>
      tpu.enqueue_dma source(%arg6 : memref<80x128xf32, #tpu.memory_space<vmem>>) target(%dma_start3A_244 : memref<80x128xf32, #tpu.memory_space<hbm>>) target_semaphore(%run_scoped3A : memref<!tpu.dma_semaphore, #tpu.memory_space<semaphore_mem>>)
      %dma_wait3A_245 = arith.constant 0 : i32
      %dma_wait3A_246 = tpu.memref_slice %arg4[%add3A_185, %dma_wait3A_245] : memref<51200x128xf32, #tpu.memory_space<hbm>> -> memref<80x128xf32, #tpu.memory_space<hbm>>
      %dma_wait3A_247 = arith.constant 0 : i32
      %dma_wait3A_248 = tpu.memref_slice %arg4[%add3A_185, %dma_wait3A_247] : memref<51200x128xf32, #tpu.memory_space<hbm>> -> memref<80x128xf32, #tpu.memory_space<hbm>>
      tpu.wait_dma2 semaphore(%run_scoped3A : memref<!tpu.dma_semaphore, #tpu.memory_space<semaphore_mem>>) src(%arg6 : memref<80x128xf32, #tpu.memory_space<vmem>>) dst(%dma_wait3A_248 : memref<80x128xf32, #tpu.memory_space<hbm>>)
      tpu.yield
    }) : () -> ()
    %dma_start3A_186 = arith.constant 1280 : i32
    %dma_start3A_187 = tpu.memref_slice %arg5[%dma_start3A_186] : memref<1600xi32, #tpu.memory_space<vmem>> -> memref<80xi32, #tpu.memory_space<vmem>>
    %dma_start3A_188 = arith.constant 0 : i32
    %dma_start3A_189 = arith.constant 0 : i32
    %dma_start3A_190 = tpu.memref_slice %arg2[%dma_start3A_188, %dma_start3A_189] : memref<500x128xf32, #tpu.memory_space<hbm>> -> memref<500x128xf32, #tpu.memory_space<hbm>>
    tpu.enqueue_indirect_dma source(%dma_start3A_190 : memref<500x128xf32, #tpu.memory_space<hbm>>) target(%arg6 : memref<80x128xf32, #tpu.memory_space<vmem>>) offsets(%dma_start3A_187 : memref<80xi32, #tpu.memory_space<vmem>>) semaphore(%arg8 : memref<!tpu.dma_semaphore, #tpu.memory_space<semaphore_mem>>)
    %dma_wait3A_191 = arith.constant 1200 : i32
    %dma_wait3A_192 = tpu.memref_slice %arg5[%dma_wait3A_191] : memref<1600xi32, #tpu.memory_space<vmem>> -> memref<80xi32, #tpu.memory_space<vmem>>
    %dma_wait3A_193 = arith.constant 0 : i32
    %dma_wait3A_194 = arith.constant 0 : i32
    %dma_wait3A_195 = tpu.memref_slice %arg2[%dma_wait3A_193, %dma_wait3A_194] : memref<500x128xf32, #tpu.memory_space<hbm>> -> memref<500x128xf32, #tpu.memory_space<hbm>>
    tpu.wait_indirect_dma semaphore(%arg9 : memref<!tpu.dma_semaphore, #tpu.memory_space<semaphore_mem>>) src(%dma_wait3A_195 : memref<500x128xf32, #tpu.memory_space<hbm>>) dst(%arg7 : memref<80x128xf32, #tpu.memory_space<vmem>>)
    %add3A_196 = arith.constant 1200 : i32
    %add3A_197 = arith.addi %mul3A_2, %add3A_196 : i32
    "tpu.region"() ({
      %run_scoped3A = tpu.sem_alloc : memref<!tpu.dma_semaphore, #tpu.memory_space<semaphore_mem>>
      %dma_start3A_241 = arith.constant 0 : i32
      %dma_start3A_242 = tpu.memref_slice %arg4[%add3A_197, %dma_start3A_241] : memref<51200x128xf32, #tpu.memory_space<hbm>> -> memref<80x128xf32, #tpu.memory_space<hbm>>
      %dma_start3A_243 = arith.constant 0 : i32
      %dma_start3A_244 = tpu.memref_slice %arg4[%add3A_197, %dma_start3A_243] : memref<51200x128xf32, #tpu.memory_space<hbm>> -> memref<80x128xf32, #tpu.memory_space<hbm>>
      tpu.enqueue_dma source(%arg7 : memref<80x128xf32, #tpu.memory_space<vmem>>) target(%dma_start3A_244 : memref<80x128xf32, #tpu.memory_space<hbm>>) target_semaphore(%run_scoped3A : memref<!tpu.dma_semaphore, #tpu.memory_space<semaphore_mem>>)
      %dma_wait3A_245 = arith.constant 0 : i32
      %dma_wait3A_246 = tpu.memref_slice %arg4[%add3A_197, %dma_wait3A_245] : memref<51200x128xf32, #tpu.memory_space<hbm>> -> memref<80x128xf32, #tpu.memory_space<hbm>>
      %dma_wait3A_247 = arith.constant 0 : i32
      %dma_wait3A_248 = tpu.memref_slice %arg4[%add3A_197, %dma_wait3A_247] : memref<51200x128xf32, #tpu.memory_space<hbm>> -> memref<80x128xf32, #tpu.memory_space<hbm>>
      tpu.wait_dma2 semaphore(%run_scoped3A : memref<!tpu.dma_semaphore, #tpu.memory_space<semaphore_mem>>) src(%arg7 : memref<80x128xf32, #tpu.memory_space<vmem>>) dst(%dma_wait3A_248 : memref<80x128xf32, #tpu.memory_space<hbm>>)
      tpu.yield
    }) : () -> ()
    %dma_start3A_198 = arith.constant 1360 : i32
    %dma_start3A_199 = tpu.memref_slice %arg5[%dma_start3A_198] : memref<1600xi32, #tpu.memory_space<vmem>> -> memref<80xi32, #tpu.memory_space<vmem>>
    %dma_start3A_200 = arith.constant 0 : i32
    %dma_start3A_201 = arith.constant 0 : i32
    %dma_start3A_202 = tpu.memref_slice %arg2[%dma_start3A_200, %dma_start3A_201] : memref<500x128xf32, #tpu.memory_space<hbm>> -> memref<500x128xf32, #tpu.memory_space<hbm>>
    tpu.enqueue_indirect_dma source(%dma_start3A_202 : memref<500x128xf32, #tpu.memory_space<hbm>>) target(%arg7 : memref<80x128xf32, #tpu.memory_space<vmem>>) offsets(%dma_start3A_199 : memref<80xi32, #tpu.memory_space<vmem>>) semaphore(%arg9 : memref<!tpu.dma_semaphore, #tpu.memory_space<semaphore_mem>>)
    %dma_wait3A_203 = arith.constant 1280 : i32
    %dma_wait3A_204 = tpu.memref_slice %arg5[%dma_wait3A_203] : memref<1600xi32, #tpu.memory_space<vmem>> -> memref<80xi32, #tpu.memory_space<vmem>>
    %dma_wait3A_205 = arith.constant 0 : i32
    %dma_wait3A_206 = arith.constant 0 : i32
    %dma_wait3A_207 = tpu.memref_slice %arg2[%dma_wait3A_205, %dma_wait3A_206] : memref<500x128xf32, #tpu.memory_space<hbm>> -> memref<500x128xf32, #tpu.memory_space<hbm>>
    tpu.wait_indirect_dma semaphore(%arg8 : memref<!tpu.dma_semaphore, #tpu.memory_space<semaphore_mem>>) src(%dma_wait3A_207 : memref<500x128xf32, #tpu.memory_space<hbm>>) dst(%arg6 : memref<80x128xf32, #tpu.memory_space<vmem>>)
    %add3A_208 = arith.constant 1280 : i32
    %add3A_209 = arith.addi %mul3A_2, %add3A_208 : i32
    "tpu.region"() ({
      %run_scoped3A = tpu.sem_alloc : memref<!tpu.dma_semaphore, #tpu.memory_space<semaphore_mem>>
      %dma_start3A_241 = arith.constant 0 : i32
      %dma_start3A_242 = tpu.memref_slice %arg4[%add3A_209, %dma_start3A_241] : memref<51200x128xf32, #tpu.memory_space<hbm>> -> memref<80x128xf32, #tpu.memory_space<hbm>>
      %dma_start3A_243 = arith.constant 0 : i32
      %dma_start3A_244 = tpu.memref_slice %arg4[%add3A_209, %dma_start3A_243] : memref<51200x128xf32, #tpu.memory_space<hbm>> -> memref<80x128xf32, #tpu.memory_space<hbm>>
      tpu.enqueue_dma source(%arg6 : memref<80x128xf32, #tpu.memory_space<vmem>>) target(%dma_start3A_244 : memref<80x128xf32, #tpu.memory_space<hbm>>) target_semaphore(%run_scoped3A : memref<!tpu.dma_semaphore, #tpu.memory_space<semaphore_mem>>)
      %dma_wait3A_245 = arith.constant 0 : i32
      %dma_wait3A_246 = tpu.memref_slice %arg4[%add3A_209, %dma_wait3A_245] : memref<51200x128xf32, #tpu.memory_space<hbm>> -> memref<80x128xf32, #tpu.memory_space<hbm>>
      %dma_wait3A_247 = arith.constant 0 : i32
      %dma_wait3A_248 = tpu.memref_slice %arg4[%add3A_209, %dma_wait3A_247] : memref<51200x128xf32, #tpu.memory_space<hbm>> -> memref<80x128xf32, #tpu.memory_space<hbm>>
      tpu.wait_dma2 semaphore(%run_scoped3A : memref<!tpu.dma_semaphore, #tpu.memory_space<semaphore_mem>>) src(%arg6 : memref<80x128xf32, #tpu.memory_space<vmem>>) dst(%dma_wait3A_248 : memref<80x128xf32, #tpu.memory_space<hbm>>)
      tpu.yield
    }) : () -> ()
    %dma_start3A_210 = arith.constant 1440 : i32
    %dma_start3A_211 = tpu.memref_slice %arg5[%dma_start3A_210] : memref<1600xi32, #tpu.memory_space<vmem>> -> memref<80xi32, #tpu.memory_space<vmem>>
    %dma_start3A_212 = arith.constant 0 : i32
    %dma_start3A_213 = arith.constant 0 : i32
    %dma_start3A_214 = tpu.memref_slice %arg2[%dma_start3A_212, %dma_start3A_213] : memref<500x128xf32, #tpu.memory_space<hbm>> -> memref<500x128xf32, #tpu.memory_space<hbm>>
    tpu.enqueue_indirect_dma source(%dma_start3A_214 : memref<500x128xf32, #tpu.memory_space<hbm>>) target(%arg6 : memref<80x128xf32, #tpu.memory_space<vmem>>) offsets(%dma_start3A_211 : memref<80xi32, #tpu.memory_space<vmem>>) semaphore(%arg8 : memref<!tpu.dma_semaphore, #tpu.memory_space<semaphore_mem>>)
    %dma_wait3A_215 = arith.constant 1360 : i32
    %dma_wait3A_216 = tpu.memref_slice %arg5[%dma_wait3A_215] : memref<1600xi32, #tpu.memory_space<vmem>> -> memref<80xi32, #tpu.memory_space<vmem>>
    %dma_wait3A_217 = arith.constant 0 : i32
    %dma_wait3A_218 = arith.constant 0 : i32
    %dma_wait3A_219 = tpu.memref_slice %arg2[%dma_wait3A_217, %dma_wait3A_218] : memref<500x128xf32, #tpu.memory_space<hbm>> -> memref<500x128xf32, #tpu.memory_space<hbm>>
    tpu.wait_indirect_dma semaphore(%arg9 : memref<!tpu.dma_semaphore, #tpu.memory_space<semaphore_mem>>) src(%dma_wait3A_219 : memref<500x128xf32, #tpu.memory_space<hbm>>) dst(%arg7 : memref<80x128xf32, #tpu.memory_space<vmem>>)
    %add3A_220 = arith.constant 1360 : i32
    %add3A_221 = arith.addi %mul3A_2, %add3A_220 : i32
    "tpu.region"() ({
      %run_scoped3A = tpu.sem_alloc : memref<!tpu.dma_semaphore, #tpu.memory_space<semaphore_mem>>
      %dma_start3A_241 = arith.constant 0 : i32
      %dma_start3A_242 = tpu.memref_slice %arg4[%add3A_221, %dma_start3A_241] : memref<51200x128xf32, #tpu.memory_space<hbm>> -> memref<80x128xf32, #tpu.memory_space<hbm>>
      %dma_start3A_243 = arith.constant 0 : i32
      %dma_start3A_244 = tpu.memref_slice %arg4[%add3A_221, %dma_start3A_243] : memref<51200x128xf32, #tpu.memory_space<hbm>> -> memref<80x128xf32, #tpu.memory_space<hbm>>
      tpu.enqueue_dma source(%arg7 : memref<80x128xf32, #tpu.memory_space<vmem>>) target(%dma_start3A_244 : memref<80x128xf32, #tpu.memory_space<hbm>>) target_semaphore(%run_scoped3A : memref<!tpu.dma_semaphore, #tpu.memory_space<semaphore_mem>>)
      %dma_wait3A_245 = arith.constant 0 : i32
      %dma_wait3A_246 = tpu.memref_slice %arg4[%add3A_221, %dma_wait3A_245] : memref<51200x128xf32, #tpu.memory_space<hbm>> -> memref<80x128xf32, #tpu.memory_space<hbm>>
      %dma_wait3A_247 = arith.constant 0 : i32
      %dma_wait3A_248 = tpu.memref_slice %arg4[%add3A_221, %dma_wait3A_247] : memref<51200x128xf32, #tpu.memory_space<hbm>> -> memref<80x128xf32, #tpu.memory_space<hbm>>
      tpu.wait_dma2 semaphore(%run_scoped3A : memref<!tpu.dma_semaphore, #tpu.memory_space<semaphore_mem>>) src(%arg7 : memref<80x128xf32, #tpu.memory_space<vmem>>) dst(%dma_wait3A_248 : memref<80x128xf32, #tpu.memory_space<hbm>>)
      tpu.yield
    }) : () -> ()
    %dma_start3A_222 = arith.constant 1520 : i32
    %dma_start3A_223 = tpu.memref_slice %arg5[%dma_start3A_222] : memref<1600xi32, #tpu.memory_space<vmem>> -> memref<80xi32, #tpu.memory_space<vmem>>
    %dma_start3A_224 = arith.constant 0 : i32
    %dma_start3A_225 = arith.constant 0 : i32
    %dma_start3A_226 = tpu.memref_slice %arg2[%dma_start3A_224, %dma_start3A_225] : memref<500x128xf32, #tpu.memory_space<hbm>> -> memref<500x128xf32, #tpu.memory_space<hbm>>
    tpu.enqueue_indirect_dma source(%dma_start3A_226 : memref<500x128xf32, #tpu.memory_space<hbm>>) target(%arg7 : memref<80x128xf32, #tpu.memory_space<vmem>>) offsets(%dma_start3A_223 : memref<80xi32, #tpu.memory_space<vmem>>) semaphore(%arg9 : memref<!tpu.dma_semaphore, #tpu.memory_space<semaphore_mem>>)
    %dma_wait3A_227 = arith.constant 1440 : i32
    %dma_wait3A_228 = tpu.memref_slice %arg5[%dma_wait3A_227] : memref<1600xi32, #tpu.memory_space<vmem>> -> memref<80xi32, #tpu.memory_space<vmem>>
    %dma_wait3A_229 = arith.constant 0 : i32
    %dma_wait3A_230 = arith.constant 0 : i32
    %dma_wait3A_231 = tpu.memref_slice %arg2[%dma_wait3A_229, %dma_wait3A_230] : memref<500x128xf32, #tpu.memory_space<hbm>> -> memref<500x128xf32, #tpu.memory_space<hbm>>
    tpu.wait_indirect_dma semaphore(%arg8 : memref<!tpu.dma_semaphore, #tpu.memory_space<semaphore_mem>>) src(%dma_wait3A_231 : memref<500x128xf32, #tpu.memory_space<hbm>>) dst(%arg6 : memref<80x128xf32, #tpu.memory_space<vmem>>)
    %add3A_232 = arith.constant 1440 : i32
    %add3A_233 = arith.addi %mul3A_2, %add3A_232 : i32
    "tpu.region"() ({
      %run_scoped3A = tpu.sem_alloc : memref<!tpu.dma_semaphore, #tpu.memory_space<semaphore_mem>>
      %dma_start3A_241 = arith.constant 0 : i32
      %dma_start3A_242 = tpu.memref_slice %arg4[%add3A_233, %dma_start3A_241] : memref<51200x128xf32, #tpu.memory_space<hbm>> -> memref<80x128xf32, #tpu.memory_space<hbm>>
      %dma_start3A_243 = arith.constant 0 : i32
      %dma_start3A_244 = tpu.memref_slice %arg4[%add3A_233, %dma_start3A_243] : memref<51200x128xf32, #tpu.memory_space<hbm>> -> memref<80x128xf32, #tpu.memory_space<hbm>>
      tpu.enqueue_dma source(%arg6 : memref<80x128xf32, #tpu.memory_space<vmem>>) target(%dma_start3A_244 : memref<80x128xf32, #tpu.memory_space<hbm>>) target_semaphore(%run_scoped3A : memref<!tpu.dma_semaphore, #tpu.memory_space<semaphore_mem>>)
      %dma_wait3A_245 = arith.constant 0 : i32
      %dma_wait3A_246 = tpu.memref_slice %arg4[%add3A_233, %dma_wait3A_245] : memref<51200x128xf32, #tpu.memory_space<hbm>> -> memref<80x128xf32, #tpu.memory_space<hbm>>
      %dma_wait3A_247 = arith.constant 0 : i32
      %dma_wait3A_248 = tpu.memref_slice %arg4[%add3A_233, %dma_wait3A_247] : memref<51200x128xf32, #tpu.memory_space<hbm>> -> memref<80x128xf32, #tpu.memory_space<hbm>>
      tpu.wait_dma2 semaphore(%run_scoped3A : memref<!tpu.dma_semaphore, #tpu.memory_space<semaphore_mem>>) src(%arg6 : memref<80x128xf32, #tpu.memory_space<vmem>>) dst(%dma_wait3A_248 : memref<80x128xf32, #tpu.memory_space<hbm>>)
      tpu.yield
    }) : () -> ()
    %dma_wait3A_234 = arith.constant 1520 : i32
    %dma_wait3A_235 = tpu.memref_slice %arg5[%dma_wait3A_234] : memref<1600xi32, #tpu.memory_space<vmem>> -> memref<80xi32, #tpu.memory_space<vmem>>
    %dma_wait3A_236 = arith.constant 0 : i32
    %dma_wait3A_237 = arith.constant 0 : i32
    %dma_wait3A_238 = tpu.memref_slice %arg2[%dma_wait3A_236, %dma_wait3A_237] : memref<500x128xf32, #tpu.memory_space<hbm>> -> memref<500x128xf32, #tpu.memory_space<hbm>>
    tpu.wait_indirect_dma semaphore(%arg9 : memref<!tpu.dma_semaphore, #tpu.memory_space<semaphore_mem>>) src(%dma_wait3A_238 : memref<500x128xf32, #tpu.memory_space<hbm>>) dst(%arg7 : memref<80x128xf32, #tpu.memory_space<vmem>>)
    %add3A_239 = arith.constant 1520 : i32
    %add3A_240 = arith.addi %mul3A_2, %add3A_239 : i32
    "tpu.region"() ({
      %run_scoped3A = tpu.sem_alloc : memref<!tpu.dma_semaphore, #tpu.memory_space<semaphore_mem>>
      %dma_start3A_241 = arith.constant 0 : i32
      %dma_start3A_242 = tpu.memref_slice %arg4[%add3A_240, %dma_start3A_241] : memref<51200x128xf32, #tpu.memory_space<hbm>> -> memref<80x128xf32, #tpu.memory_space<hbm>>
      %dma_start3A_243 = arith.constant 0 : i32
      %dma_start3A_244 = tpu.memref_slice %arg4[%add3A_240, %dma_start3A_243] : memref<51200x128xf32, #tpu.memory_space<hbm>> -> memref<80x128xf32, #tpu.memory_space<hbm>>
      tpu.enqueue_dma source(%arg7 : memref<80x128xf32, #tpu.memory_space<vmem>>) target(%dma_start3A_244 : memref<80x128xf32, #tpu.memory_space<hbm>>) target_semaphore(%run_scoped3A : memref<!tpu.dma_semaphore, #tpu.memory_space<semaphore_mem>>)
      %dma_wait3A_245 = arith.constant 0 : i32
      %dma_wait3A_246 = tpu.memref_slice %arg4[%add3A_240, %dma_wait3A_245] : memref<51200x128xf32, #tpu.memory_space<hbm>> -> memref<80x128xf32, #tpu.memory_space<hbm>>
      %dma_wait3A_247 = arith.constant 0 : i32
      %dma_wait3A_248 = tpu.memref_slice %arg4[%add3A_240, %dma_wait3A_247] : memref<51200x128xf32, #tpu.memory_space<hbm>> -> memref<80x128xf32, #tpu.memory_space<hbm>>
      tpu.wait_dma2 semaphore(%run_scoped3A : memref<!tpu.dma_semaphore, #tpu.memory_space<semaphore_mem>>) src(%arg7 : memref<80x128xf32, #tpu.memory_space<vmem>>) dst(%dma_wait3A_248 : memref<80x128xf32, #tpu.memory_space<hbm>>)
      tpu.yield
    }) : () -> ()
    return
  }
}

#map = affine_map<(d0, d1) -> (0, 0)>
#map1 = affine_map<(d0, d1) -> (0)>
module attributes {stable_mosaic.version = 14 : i64} {
  func.func @gather(%arg0: i32, %arg1: i32, %arg2: memref<500000x128xf32, #tpu.memory_space<hbm>>, %arg3: memref<51200xi32, #tpu.memory_space<hbm>>, %arg4: memref<51200x128xf32, #tpu.memory_space<hbm>>, %arg5: memref<1600xi32, #tpu.memory_space<vmem>>, %arg6: memref<80x128xf32, #tpu.memory_space<vmem>>, %arg7: memref<80x128xf32, #tpu.memory_space<vmem>>, %arg8: memref<!tpu.dma_semaphore, #tpu.memory_space<semaphore_mem>>, %arg9: memref<!tpu.dma_semaphore, #tpu.memory_space<semaphore_mem>>) attributes {dimension_semantics = [#tpu.dimension_semantics<core_parallel>, #tpu.dimension_semantics<subcore_parallel>], iteration_bounds = array<i64: 2, 16>, scalar_prefetch = 0 : i64, scratch_operands = 5 : i64, tpu.core_type = #tpu.core_type<sc_vector_subcore>, window_params = [{transform_indices = #map}, {transform_indices = #map1}, {transform_indices = #map}]} {
    %mul3A = arith.constant 2 : i32
    %mul3A_0 = arith.muli %arg1, %mul3A : i32
    %add3A = arith.addi %mul3A_0, %arg0 : i32
    %mul3A_1 = arith.constant 1600 : i32
    %mul3A_2 = arith.muli %add3A, %mul3A_1 : i32
    "tpu.region"() ({
      %run_scoped3A = tpu.sem_alloc : memref<!tpu.dma_semaphore, #tpu.memory_space<semaphore_mem>>
      %dma_start3A_241 = tpu.memref_slice %arg3[%mul3A_2] : memref<51200xi32, #tpu.memory_space<hbm>> -> memref<1600xi32, #tpu.memory_space<hbm>>
      %dma_start3A_242 = tpu.memref_slice %arg3[%mul3A_2] : memref<51200xi32, #tpu.memory_space<hbm>> -> memref<1600xi32, #tpu.memory_space<hbm>>
      tpu.enqueue_dma source(%dma_start3A_242 : memref<1600xi32, #tpu.memory_space<hbm>>) target(%arg5 : memref<1600xi32, #tpu.memory_space<vmem>>) target_semaphore(%run_scoped3A : memref<!tpu.dma_semaphore, #tpu.memory_space<semaphore_mem>>)
      %dma_wait3A_243 = tpu.memref_slice %arg3[%mul3A_2] : memref<51200xi32, #tpu.memory_space<hbm>> -> memref<1600xi32, #tpu.memory_space<hbm>>
      %dma_wait3A_244 = tpu.memref_slice %arg3[%mul3A_2] : memref<51200xi32, #tpu.memory_space<hbm>> -> memref<1600xi32, #tpu.memory_space<hbm>>
      tpu.wait_dma2 semaphore(%run_scoped3A : memref<!tpu.dma_semaphore, #tpu.memory_space<semaphore_mem>>) src(%dma_wait3A_244 : memref<1600xi32, #tpu.memory_space<hbm>>) dst(%arg5 : memref<1600xi32, #tpu.memory_space<vmem>>)
      tpu.yield
    }) : () -> ()
    %dma_start3A = arith.constant 0 : i32
    %dma_start3A_3 = tpu.memref_slice %arg5[%dma_start3A] : memref<1600xi32, #tpu.memory_space<vmem>> -> memref<80xi32, #tpu.memory_space<vmem>>
    %dma_start3A_4 = arith.constant 0 : i32
    %dma_start3A_5 = arith.constant 0 : i32
    %dma_start3A_6 = tpu.memref_slice %arg2[%dma_start3A_4, %dma_start3A_5] : memref<500000x128xf32, #tpu.memory_space<hbm>> -> memref<500000x128xf32, #tpu.memory_space<hbm>>
    tpu.enqueue_indirect_dma source(%dma_start3A_6 : memref<500000x128xf32, #tpu.memory_space<hbm>>) target(%arg6 : memref<80x128xf32, #tpu.memory_space<vmem>>) offsets(%dma_start3A_3 : memref<80xi32, #tpu.memory_space<vmem>>) semaphore(%arg8 : memref<!tpu.dma_semaphore, #tpu.memory_space<semaphore_mem>>)
    %dma_start3A_7 = arith.constant 80 : i32
    %dma_start3A_8 = tpu.memref_slice %arg5[%dma_start3A_7] : memref<1600xi32, #tpu.memory_space<vmem>> -> memref<80xi32, #tpu.memory_space<vmem>>
    %dma_start3A_9 = arith.constant 0 : i32
    %dma_start3A_10 = arith.constant 0 : i32
    %dma_start3A_11 = tpu.memref_slice %arg2[%dma_start3A_9, %dma_start3A_10] : memref<500000x128xf32, #tpu.memory_space<hbm>> -> memref<500000x128xf32, #tpu.memory_space<hbm>>
    tpu.enqueue_indirect_dma source(%dma_start3A_11 : memref<500000x128xf32, #tpu.memory_space<hbm>>) target(%arg7 : memref<80x128xf32, #tpu.memory_space<vmem>>) offsets(%dma_start3A_8 : memref<80xi32, #tpu.memory_space<vmem>>) semaphore(%arg9 : memref<!tpu.dma_semaphore, #tpu.memory_space<semaphore_mem>>)
    %dma_wait3A = arith.constant 0 : i32
    %dma_wait3A_12 = tpu.memref_slice %arg5[%dma_wait3A] : memref<1600xi32, #tpu.memory_space<vmem>> -> memref<80xi32, #tpu.memory_space<vmem>>
    %dma_wait3A_13 = arith.constant 0 : i32
    %dma_wait3A_14 = arith.constant 0 : i32
    %dma_wait3A_15 = tpu.memref_slice %arg2[%dma_wait3A_13, %dma_wait3A_14] : memref<500000x128xf32, #tpu.memory_space<hbm>> -> memref<500000x128xf32, #tpu.memory_space<hbm>>
    tpu.wait_indirect_dma semaphore(%arg8 : memref<!tpu.dma_semaphore, #tpu.memory_space<semaphore_mem>>) src(%dma_wait3A_15 : memref<500000x128xf32, #tpu.memory_space<hbm>>) dst(%arg6 : memref<80x128xf32, #tpu.memory_space<vmem>>)
    %add3A_16 = arith.constant 0 : i32
    %add3A_17 = arith.addi %mul3A_2, %add3A_16 : i32
    "tpu.region"() ({
      %run_scoped3A = tpu.sem_alloc : memref<!tpu.dma_semaphore, #tpu.memory_space<semaphore_mem>>
      %dma_start3A_241 = arith.constant 0 : i32
      %dma_start3A_242 = tpu.memref_slice %arg4[%add3A_17, %dma_start3A_241] : memref<51200x128xf32, #tpu.memory_space<hbm>> -> memref<80x128xf32, #tpu.memory_space<hbm>>
      %dma_start3A_243 = arith.constant 0 : i32
      %dma_start3A_244 = tpu.memref_slice %arg4[%add3A_17, %dma_start3A_243] : memref<51200x128xf32, #tpu.memory_space<hbm>> -> memref<80x128xf32, #tpu.memory_space<hbm>>
      tpu.enqueue_dma source(%arg6 : memref<80x128xf32, #tpu.memory_space<vmem>>) target(%dma_start3A_244 : memref<80x128xf32, #tpu.memory_space<hbm>>) target_semaphore(%run_scoped3A : memref<!tpu.dma_semaphore, #tpu.memory_space<semaphore_mem>>)
      %dma_wait3A_245 = arith.constant 0 : i32
      %dma_wait3A_246 = tpu.memref_slice %arg4[%add3A_17, %dma_wait3A_245] : memref<51200x128xf32, #tpu.memory_space<hbm>> -> memref<80x128xf32, #tpu.memory_space<hbm>>
      %dma_wait3A_247 = arith.constant 0 : i32
      %dma_wait3A_248 = tpu.memref_slice %arg4[%add3A_17, %dma_wait3A_247] : memref<51200x128xf32, #tpu.memory_space<hbm>> -> memref<80x128xf32, #tpu.memory_space<hbm>>
      tpu.wait_dma2 semaphore(%run_scoped3A : memref<!tpu.dma_semaphore, #tpu.memory_space<semaphore_mem>>) src(%arg6 : memref<80x128xf32, #tpu.memory_space<vmem>>) dst(%dma_wait3A_248 : memref<80x128xf32, #tpu.memory_space<hbm>>)
      tpu.yield
    }) : () -> ()
    %dma_start3A_18 = arith.constant 160 : i32
    %dma_start3A_19 = tpu.memref_slice %arg5[%dma_start3A_18] : memref<1600xi32, #tpu.memory_space<vmem>> -> memref<80xi32, #tpu.memory_space<vmem>>
    %dma_start3A_20 = arith.constant 0 : i32
    %dma_start3A_21 = arith.constant 0 : i32
    %dma_start3A_22 = tpu.memref_slice %arg2[%dma_start3A_20, %dma_start3A_21] : memref<500000x128xf32, #tpu.memory_space<hbm>> -> memref<500000x128xf32, #tpu.memory_space<hbm>>
    tpu.enqueue_indirect_dma source(%dma_start3A_22 : memref<500000x128xf32, #tpu.memory_space<hbm>>) target(%arg6 : memref<80x128xf32, #tpu.memory_space<vmem>>) offsets(%dma_start3A_19 : memref<80xi32, #tpu.memory_space<vmem>>) semaphore(%arg8 : memref<!tpu.dma_semaphore, #tpu.memory_space<semaphore_mem>>)
    %dma_wait3A_23 = arith.constant 80 : i32
    %dma_wait3A_24 = tpu.memref_slice %arg5[%dma_wait3A_23] : memref<1600xi32, #tpu.memory_space<vmem>> -> memref<80xi32, #tpu.memory_space<vmem>>
    %dma_wait3A_25 = arith.constant 0 : i32
    %dma_wait3A_26 = arith.constant 0 : i32
    %dma_wait3A_27 = tpu.memref_slice %arg2[%dma_wait3A_25, %dma_wait3A_26] : memref<500000x128xf32, #tpu.memory_space<hbm>> -> memref<500000x128xf32, #tpu.memory_space<hbm>>
    tpu.wait_indirect_dma semaphore(%arg9 : memref<!tpu.dma_semaphore, #tpu.memory_space<semaphore_mem>>) src(%dma_wait3A_27 : memref<500000x128xf32, #tpu.memory_space<hbm>>) dst(%arg7 : memref<80x128xf32, #tpu.memory_space<vmem>>)
    %add3A_28 = arith.constant 80 : i32
    %add3A_29 = arith.addi %mul3A_2, %add3A_28 : i32
    "tpu.region"() ({
      %run_scoped3A = tpu.sem_alloc : memref<!tpu.dma_semaphore, #tpu.memory_space<semaphore_mem>>
      %dma_start3A_241 = arith.constant 0 : i32
      %dma_start3A_242 = tpu.memref_slice %arg4[%add3A_29, %dma_start3A_241] : memref<51200x128xf32, #tpu.memory_space<hbm>> -> memref<80x128xf32, #tpu.memory_space<hbm>>
      %dma_start3A_243 = arith.constant 0 : i32
      %dma_start3A_244 = tpu.memref_slice %arg4[%add3A_29, %dma_start3A_243] : memref<51200x128xf32, #tpu.memory_space<hbm>> -> memref<80x128xf32, #tpu.memory_space<hbm>>
      tpu.enqueue_dma source(%arg7 : memref<80x128xf32, #tpu.memory_space<vmem>>) target(%dma_start3A_244 : memref<80x128xf32, #tpu.memory_space<hbm>>) target_semaphore(%run_scoped3A : memref<!tpu.dma_semaphore, #tpu.memory_space<semaphore_mem>>)
      %dma_wait3A_245 = arith.constant 0 : i32
      %dma_wait3A_246 = tpu.memref_slice %arg4[%add3A_29, %dma_wait3A_245] : memref<51200x128xf32, #tpu.memory_space<hbm>> -> memref<80x128xf32, #tpu.memory_space<hbm>>
      %dma_wait3A_247 = arith.constant 0 : i32
      %dma_wait3A_248 = tpu.memref_slice %arg4[%add3A_29, %dma_wait3A_247] : memref<51200x128xf32, #tpu.memory_space<hbm>> -> memref<80x128xf32, #tpu.memory_space<hbm>>
      tpu.wait_dma2 semaphore(%run_scoped3A : memref<!tpu.dma_semaphore, #tpu.memory_space<semaphore_mem>>) src(%arg7 : memref<80x128xf32, #tpu.memory_space<vmem>>) dst(%dma_wait3A_248 : memref<80x128xf32, #tpu.memory_space<hbm>>)
      tpu.yield
    }) : () -> ()
    %dma_start3A_30 = arith.constant 240 : i32
    %dma_start3A_31 = tpu.memref_slice %arg5[%dma_start3A_30] : memref<1600xi32, #tpu.memory_space<vmem>> -> memref<80xi32, #tpu.memory_space<vmem>>
    %dma_start3A_32 = arith.constant 0 : i32
    %dma_start3A_33 = arith.constant 0 : i32
    %dma_start3A_34 = tpu.memref_slice %arg2[%dma_start3A_32, %dma_start3A_33] : memref<500000x128xf32, #tpu.memory_space<hbm>> -> memref<500000x128xf32, #tpu.memory_space<hbm>>
    tpu.enqueue_indirect_dma source(%dma_start3A_34 : memref<500000x128xf32, #tpu.memory_space<hbm>>) target(%arg7 : memref<80x128xf32, #tpu.memory_space<vmem>>) offsets(%dma_start3A_31 : memref<80xi32, #tpu.memory_space<vmem>>) semaphore(%arg9 : memref<!tpu.dma_semaphore, #tpu.memory_space<semaphore_mem>>)
    %dma_wait3A_35 = arith.constant 160 : i32
    %dma_wait3A_36 = tpu.memref_slice %arg5[%dma_wait3A_35] : memref<1600xi32, #tpu.memory_space<vmem>> -> memref<80xi32, #tpu.memory_space<vmem>>
    %dma_wait3A_37 = arith.constant 0 : i32
    %dma_wait3A_38 = arith.constant 0 : i32
    %dma_wait3A_39 = tpu.memref_slice %arg2[%dma_wait3A_37, %dma_wait3A_38] : memref<500000x128xf32, #tpu.memory_space<hbm>> -> memref<500000x128xf32, #tpu.memory_space<hbm>>
    tpu.wait_indirect_dma semaphore(%arg8 : memref<!tpu.dma_semaphore, #tpu.memory_space<semaphore_mem>>) src(%dma_wait3A_39 : memref<500000x128xf32, #tpu.memory_space<hbm>>) dst(%arg6 : memref<80x128xf32, #tpu.memory_space<vmem>>)
    %add3A_40 = arith.constant 160 : i32
    %add3A_41 = arith.addi %mul3A_2, %add3A_40 : i32
    "tpu.region"() ({
      %run_scoped3A = tpu.sem_alloc : memref<!tpu.dma_semaphore, #tpu.memory_space<semaphore_mem>>
      %dma_start3A_241 = arith.constant 0 : i32
      %dma_start3A_242 = tpu.memref_slice %arg4[%add3A_41, %dma_start3A_241] : memref<51200x128xf32, #tpu.memory_space<hbm>> -> memref<80x128xf32, #tpu.memory_space<hbm>>
      %dma_start3A_243 = arith.constant 0 : i32
      %dma_start3A_244 = tpu.memref_slice %arg4[%add3A_41, %dma_start3A_243] : memref<51200x128xf32, #tpu.memory_space<hbm>> -> memref<80x128xf32, #tpu.memory_space<hbm>>
      tpu.enqueue_dma source(%arg6 : memref<80x128xf32, #tpu.memory_space<vmem>>) target(%dma_start3A_244 : memref<80x128xf32, #tpu.memory_space<hbm>>) target_semaphore(%run_scoped3A : memref<!tpu.dma_semaphore, #tpu.memory_space<semaphore_mem>>)
      %dma_wait3A_245 = arith.constant 0 : i32
      %dma_wait3A_246 = tpu.memref_slice %arg4[%add3A_41, %dma_wait3A_245] : memref<51200x128xf32, #tpu.memory_space<hbm>> -> memref<80x128xf32, #tpu.memory_space<hbm>>
      %dma_wait3A_247 = arith.constant 0 : i32
      %dma_wait3A_248 = tpu.memref_slice %arg4[%add3A_41, %dma_wait3A_247] : memref<51200x128xf32, #tpu.memory_space<hbm>> -> memref<80x128xf32, #tpu.memory_space<hbm>>
      tpu.wait_dma2 semaphore(%run_scoped3A : memref<!tpu.dma_semaphore, #tpu.memory_space<semaphore_mem>>) src(%arg6 : memref<80x128xf32, #tpu.memory_space<vmem>>) dst(%dma_wait3A_248 : memref<80x128xf32, #tpu.memory_space<hbm>>)
      tpu.yield
    }) : () -> ()
    %dma_start3A_42 = arith.constant 320 : i32
    %dma_start3A_43 = tpu.memref_slice %arg5[%dma_start3A_42] : memref<1600xi32, #tpu.memory_space<vmem>> -> memref<80xi32, #tpu.memory_space<vmem>>
    %dma_start3A_44 = arith.constant 0 : i32
    %dma_start3A_45 = arith.constant 0 : i32
    %dma_start3A_46 = tpu.memref_slice %arg2[%dma_start3A_44, %dma_start3A_45] : memref<500000x128xf32, #tpu.memory_space<hbm>> -> memref<500000x128xf32, #tpu.memory_space<hbm>>
    tpu.enqueue_indirect_dma source(%dma_start3A_46 : memref<500000x128xf32, #tpu.memory_space<hbm>>) target(%arg6 : memref<80x128xf32, #tpu.memory_space<vmem>>) offsets(%dma_start3A_43 : memref<80xi32, #tpu.memory_space<vmem>>) semaphore(%arg8 : memref<!tpu.dma_semaphore, #tpu.memory_space<semaphore_mem>>)
    %dma_wait3A_47 = arith.constant 240 : i32
    %dma_wait3A_48 = tpu.memref_slice %arg5[%dma_wait3A_47] : memref<1600xi32, #tpu.memory_space<vmem>> -> memref<80xi32, #tpu.memory_space<vmem>>
    %dma_wait3A_49 = arith.constant 0 : i32
    %dma_wait3A_50 = arith.constant 0 : i32
    %dma_wait3A_51 = tpu.memref_slice %arg2[%dma_wait3A_49, %dma_wait3A_50] : memref<500000x128xf32, #tpu.memory_space<hbm>> -> memref<500000x128xf32, #tpu.memory_space<hbm>>
    tpu.wait_indirect_dma semaphore(%arg9 : memref<!tpu.dma_semaphore, #tpu.memory_space<semaphore_mem>>) src(%dma_wait3A_51 : memref<500000x128xf32, #tpu.memory_space<hbm>>) dst(%arg7 : memref<80x128xf32, #tpu.memory_space<vmem>>)
    %add3A_52 = arith.constant 240 : i32
    %add3A_53 = arith.addi %mul3A_2, %add3A_52 : i32
    "tpu.region"() ({
      %run_scoped3A = tpu.sem_alloc : memref<!tpu.dma_semaphore, #tpu.memory_space<semaphore_mem>>
      %dma_start3A_241 = arith.constant 0 : i32
      %dma_start3A_242 = tpu.memref_slice %arg4[%add3A_53, %dma_start3A_241] : memref<51200x128xf32, #tpu.memory_space<hbm>> -> memref<80x128xf32, #tpu.memory_space<hbm>>
      %dma_start3A_243 = arith.constant 0 : i32
      %dma_start3A_244 = tpu.memref_slice %arg4[%add3A_53, %dma_start3A_243] : memref<51200x128xf32, #tpu.memory_space<hbm>> -> memref<80x128xf32, #tpu.memory_space<hbm>>
      tpu.enqueue_dma source(%arg7 : memref<80x128xf32, #tpu.memory_space<vmem>>) target(%dma_start3A_244 : memref<80x128xf32, #tpu.memory_space<hbm>>) target_semaphore(%run_scoped3A : memref<!tpu.dma_semaphore, #tpu.memory_space<semaphore_mem>>)
      %dma_wait3A_245 = arith.constant 0 : i32
      %dma_wait3A_246 = tpu.memref_slice %arg4[%add3A_53, %dma_wait3A_245] : memref<51200x128xf32, #tpu.memory_space<hbm>> -> memref<80x128xf32, #tpu.memory_space<hbm>>
      %dma_wait3A_247 = arith.constant 0 : i32
      %dma_wait3A_248 = tpu.memref_slice %arg4[%add3A_53, %dma_wait3A_247] : memref<51200x128xf32, #tpu.memory_space<hbm>> -> memref<80x128xf32, #tpu.memory_space<hbm>>
      tpu.wait_dma2 semaphore(%run_scoped3A : memref<!tpu.dma_semaphore, #tpu.memory_space<semaphore_mem>>) src(%arg7 : memref<80x128xf32, #tpu.memory_space<vmem>>) dst(%dma_wait3A_248 : memref<80x128xf32, #tpu.memory_space<hbm>>)
      tpu.yield
    }) : () -> ()
    %dma_start3A_54 = arith.constant 400 : i32
    %dma_start3A_55 = tpu.memref_slice %arg5[%dma_start3A_54] : memref<1600xi32, #tpu.memory_space<vmem>> -> memref<80xi32, #tpu.memory_space<vmem>>
    %dma_start3A_56 = arith.constant 0 : i32
    %dma_start3A_57 = arith.constant 0 : i32
    %dma_start3A_58 = tpu.memref_slice %arg2[%dma_start3A_56, %dma_start3A_57] : memref<500000x128xf32, #tpu.memory_space<hbm>> -> memref<500000x128xf32, #tpu.memory_space<hbm>>
    tpu.enqueue_indirect_dma source(%dma_start3A_58 : memref<500000x128xf32, #tpu.memory_space<hbm>>) target(%arg7 : memref<80x128xf32, #tpu.memory_space<vmem>>) offsets(%dma_start3A_55 : memref<80xi32, #tpu.memory_space<vmem>>) semaphore(%arg9 : memref<!tpu.dma_semaphore, #tpu.memory_space<semaphore_mem>>)
    %dma_wait3A_59 = arith.constant 320 : i32
    %dma_wait3A_60 = tpu.memref_slice %arg5[%dma_wait3A_59] : memref<1600xi32, #tpu.memory_space<vmem>> -> memref<80xi32, #tpu.memory_space<vmem>>
    %dma_wait3A_61 = arith.constant 0 : i32
    %dma_wait3A_62 = arith.constant 0 : i32
    %dma_wait3A_63 = tpu.memref_slice %arg2[%dma_wait3A_61, %dma_wait3A_62] : memref<500000x128xf32, #tpu.memory_space<hbm>> -> memref<500000x128xf32, #tpu.memory_space<hbm>>
    tpu.wait_indirect_dma semaphore(%arg8 : memref<!tpu.dma_semaphore, #tpu.memory_space<semaphore_mem>>) src(%dma_wait3A_63 : memref<500000x128xf32, #tpu.memory_space<hbm>>) dst(%arg6 : memref<80x128xf32, #tpu.memory_space<vmem>>)
    %add3A_64 = arith.constant 320 : i32
    %add3A_65 = arith.addi %mul3A_2, %add3A_64 : i32
    "tpu.region"() ({
      %run_scoped3A = tpu.sem_alloc : memref<!tpu.dma_semaphore, #tpu.memory_space<semaphore_mem>>
      %dma_start3A_241 = arith.constant 0 : i32
      %dma_start3A_242 = tpu.memref_slice %arg4[%add3A_65, %dma_start3A_241] : memref<51200x128xf32, #tpu.memory_space<hbm>> -> memref<80x128xf32, #tpu.memory_space<hbm>>
      %dma_start3A_243 = arith.constant 0 : i32
      %dma_start3A_244 = tpu.memref_slice %arg4[%add3A_65, %dma_start3A_243] : memref<51200x128xf32, #tpu.memory_space<hbm>> -> memref<80x128xf32, #tpu.memory_space<hbm>>
      tpu.enqueue_dma source(%arg6 : memref<80x128xf32, #tpu.memory_space<vmem>>) target(%dma_start3A_244 : memref<80x128xf32, #tpu.memory_space<hbm>>) target_semaphore(%run_scoped3A : memref<!tpu.dma_semaphore, #tpu.memory_space<semaphore_mem>>)
      %dma_wait3A_245 = arith.constant 0 : i32
      %dma_wait3A_246 = tpu.memref_slice %arg4[%add3A_65, %dma_wait3A_245] : memref<51200x128xf32, #tpu.memory_space<hbm>> -> memref<80x128xf32, #tpu.memory_space<hbm>>
      %dma_wait3A_247 = arith.constant 0 : i32
      %dma_wait3A_248 = tpu.memref_slice %arg4[%add3A_65, %dma_wait3A_247] : memref<51200x128xf32, #tpu.memory_space<hbm>> -> memref<80x128xf32, #tpu.memory_space<hbm>>
      tpu.wait_dma2 semaphore(%run_scoped3A : memref<!tpu.dma_semaphore, #tpu.memory_space<semaphore_mem>>) src(%arg6 : memref<80x128xf32, #tpu.memory_space<vmem>>) dst(%dma_wait3A_248 : memref<80x128xf32, #tpu.memory_space<hbm>>)
      tpu.yield
    }) : () -> ()
    %dma_start3A_66 = arith.constant 480 : i32
    %dma_start3A_67 = tpu.memref_slice %arg5[%dma_start3A_66] : memref<1600xi32, #tpu.memory_space<vmem>> -> memref<80xi32, #tpu.memory_space<vmem>>
    %dma_start3A_68 = arith.constant 0 : i32
    %dma_start3A_69 = arith.constant 0 : i32
    %dma_start3A_70 = tpu.memref_slice %arg2[%dma_start3A_68, %dma_start3A_69] : memref<500000x128xf32, #tpu.memory_space<hbm>> -> memref<500000x128xf32, #tpu.memory_space<hbm>>
    tpu.enqueue_indirect_dma source(%dma_start3A_70 : memref<500000x128xf32, #tpu.memory_space<hbm>>) target(%arg6 : memref<80x128xf32, #tpu.memory_space<vmem>>) offsets(%dma_start3A_67 : memref<80xi32, #tpu.memory_space<vmem>>) semaphore(%arg8 : memref<!tpu.dma_semaphore, #tpu.memory_space<semaphore_mem>>)
    %dma_wait3A_71 = arith.constant 400 : i32
    %dma_wait3A_72 = tpu.memref_slice %arg5[%dma_wait3A_71] : memref<1600xi32, #tpu.memory_space<vmem>> -> memref<80xi32, #tpu.memory_space<vmem>>
    %dma_wait3A_73 = arith.constant 0 : i32
    %dma_wait3A_74 = arith.constant 0 : i32
    %dma_wait3A_75 = tpu.memref_slice %arg2[%dma_wait3A_73, %dma_wait3A_74] : memref<500000x128xf32, #tpu.memory_space<hbm>> -> memref<500000x128xf32, #tpu.memory_space<hbm>>
    tpu.wait_indirect_dma semaphore(%arg9 : memref<!tpu.dma_semaphore, #tpu.memory_space<semaphore_mem>>) src(%dma_wait3A_75 : memref<500000x128xf32, #tpu.memory_space<hbm>>) dst(%arg7 : memref<80x128xf32, #tpu.memory_space<vmem>>)
    %add3A_76 = arith.constant 400 : i32
    %add3A_77 = arith.addi %mul3A_2, %add3A_76 : i32
    "tpu.region"() ({
      %run_scoped3A = tpu.sem_alloc : memref<!tpu.dma_semaphore, #tpu.memory_space<semaphore_mem>>
      %dma_start3A_241 = arith.constant 0 : i32
      %dma_start3A_242 = tpu.memref_slice %arg4[%add3A_77, %dma_start3A_241] : memref<51200x128xf32, #tpu.memory_space<hbm>> -> memref<80x128xf32, #tpu.memory_space<hbm>>
      %dma_start3A_243 = arith.constant 0 : i32
      %dma_start3A_244 = tpu.memref_slice %arg4[%add3A_77, %dma_start3A_243] : memref<51200x128xf32, #tpu.memory_space<hbm>> -> memref<80x128xf32, #tpu.memory_space<hbm>>
      tpu.enqueue_dma source(%arg7 : memref<80x128xf32, #tpu.memory_space<vmem>>) target(%dma_start3A_244 : memref<80x128xf32, #tpu.memory_space<hbm>>) target_semaphore(%run_scoped3A : memref<!tpu.dma_semaphore, #tpu.memory_space<semaphore_mem>>)
      %dma_wait3A_245 = arith.constant 0 : i32
      %dma_wait3A_246 = tpu.memref_slice %arg4[%add3A_77, %dma_wait3A_245] : memref<51200x128xf32, #tpu.memory_space<hbm>> -> memref<80x128xf32, #tpu.memory_space<hbm>>
      %dma_wait3A_247 = arith.constant 0 : i32
      %dma_wait3A_248 = tpu.memref_slice %arg4[%add3A_77, %dma_wait3A_247] : memref<51200x128xf32, #tpu.memory_space<hbm>> -> memref<80x128xf32, #tpu.memory_space<hbm>>
      tpu.wait_dma2 semaphore(%run_scoped3A : memref<!tpu.dma_semaphore, #tpu.memory_space<semaphore_mem>>) src(%arg7 : memref<80x128xf32, #tpu.memory_space<vmem>>) dst(%dma_wait3A_248 : memref<80x128xf32, #tpu.memory_space<hbm>>)
      tpu.yield
    }) : () -> ()
    %dma_start3A_78 = arith.constant 560 : i32
    %dma_start3A_79 = tpu.memref_slice %arg5[%dma_start3A_78] : memref<1600xi32, #tpu.memory_space<vmem>> -> memref<80xi32, #tpu.memory_space<vmem>>
    %dma_start3A_80 = arith.constant 0 : i32
    %dma_start3A_81 = arith.constant 0 : i32
    %dma_start3A_82 = tpu.memref_slice %arg2[%dma_start3A_80, %dma_start3A_81] : memref<500000x128xf32, #tpu.memory_space<hbm>> -> memref<500000x128xf32, #tpu.memory_space<hbm>>
    tpu.enqueue_indirect_dma source(%dma_start3A_82 : memref<500000x128xf32, #tpu.memory_space<hbm>>) target(%arg7 : memref<80x128xf32, #tpu.memory_space<vmem>>) offsets(%dma_start3A_79 : memref<80xi32, #tpu.memory_space<vmem>>) semaphore(%arg9 : memref<!tpu.dma_semaphore, #tpu.memory_space<semaphore_mem>>)
    %dma_wait3A_83 = arith.constant 480 : i32
    %dma_wait3A_84 = tpu.memref_slice %arg5[%dma_wait3A_83] : memref<1600xi32, #tpu.memory_space<vmem>> -> memref<80xi32, #tpu.memory_space<vmem>>
    %dma_wait3A_85 = arith.constant 0 : i32
    %dma_wait3A_86 = arith.constant 0 : i32
    %dma_wait3A_87 = tpu.memref_slice %arg2[%dma_wait3A_85, %dma_wait3A_86] : memref<500000x128xf32, #tpu.memory_space<hbm>> -> memref<500000x128xf32, #tpu.memory_space<hbm>>
    tpu.wait_indirect_dma semaphore(%arg8 : memref<!tpu.dma_semaphore, #tpu.memory_space<semaphore_mem>>) src(%dma_wait3A_87 : memref<500000x128xf32, #tpu.memory_space<hbm>>) dst(%arg6 : memref<80x128xf32, #tpu.memory_space<vmem>>)
    %add3A_88 = arith.constant 480 : i32
    %add3A_89 = arith.addi %mul3A_2, %add3A_88 : i32
    "tpu.region"() ({
      %run_scoped3A = tpu.sem_alloc : memref<!tpu.dma_semaphore, #tpu.memory_space<semaphore_mem>>
      %dma_start3A_241 = arith.constant 0 : i32
      %dma_start3A_242 = tpu.memref_slice %arg4[%add3A_89, %dma_start3A_241] : memref<51200x128xf32, #tpu.memory_space<hbm>> -> memref<80x128xf32, #tpu.memory_space<hbm>>
      %dma_start3A_243 = arith.constant 0 : i32
      %dma_start3A_244 = tpu.memref_slice %arg4[%add3A_89, %dma_start3A_243] : memref<51200x128xf32, #tpu.memory_space<hbm>> -> memref<80x128xf32, #tpu.memory_space<hbm>>
      tpu.enqueue_dma source(%arg6 : memref<80x128xf32, #tpu.memory_space<vmem>>) target(%dma_start3A_244 : memref<80x128xf32, #tpu.memory_space<hbm>>) target_semaphore(%run_scoped3A : memref<!tpu.dma_semaphore, #tpu.memory_space<semaphore_mem>>)
      %dma_wait3A_245 = arith.constant 0 : i32
      %dma_wait3A_246 = tpu.memref_slice %arg4[%add3A_89, %dma_wait3A_245] : memref<51200x128xf32, #tpu.memory_space<hbm>> -> memref<80x128xf32, #tpu.memory_space<hbm>>
      %dma_wait3A_247 = arith.constant 0 : i32
      %dma_wait3A_248 = tpu.memref_slice %arg4[%add3A_89, %dma_wait3A_247] : memref<51200x128xf32, #tpu.memory_space<hbm>> -> memref<80x128xf32, #tpu.memory_space<hbm>>
      tpu.wait_dma2 semaphore(%run_scoped3A : memref<!tpu.dma_semaphore, #tpu.memory_space<semaphore_mem>>) src(%arg6 : memref<80x128xf32, #tpu.memory_space<vmem>>) dst(%dma_wait3A_248 : memref<80x128xf32, #tpu.memory_space<hbm>>)
      tpu.yield
    }) : () -> ()
    %dma_start3A_90 = arith.constant 640 : i32
    %dma_start3A_91 = tpu.memref_slice %arg5[%dma_start3A_90] : memref<1600xi32, #tpu.memory_space<vmem>> -> memref<80xi32, #tpu.memory_space<vmem>>
    %dma_start3A_92 = arith.constant 0 : i32
    %dma_start3A_93 = arith.constant 0 : i32
    %dma_start3A_94 = tpu.memref_slice %arg2[%dma_start3A_92, %dma_start3A_93] : memref<500000x128xf32, #tpu.memory_space<hbm>> -> memref<500000x128xf32, #tpu.memory_space<hbm>>
    tpu.enqueue_indirect_dma source(%dma_start3A_94 : memref<500000x128xf32, #tpu.memory_space<hbm>>) target(%arg6 : memref<80x128xf32, #tpu.memory_space<vmem>>) offsets(%dma_start3A_91 : memref<80xi32, #tpu.memory_space<vmem>>) semaphore(%arg8 : memref<!tpu.dma_semaphore, #tpu.memory_space<semaphore_mem>>)
    %dma_wait3A_95 = arith.constant 560 : i32
    %dma_wait3A_96 = tpu.memref_slice %arg5[%dma_wait3A_95] : memref<1600xi32, #tpu.memory_space<vmem>> -> memref<80xi32, #tpu.memory_space<vmem>>
    %dma_wait3A_97 = arith.constant 0 : i32
    %dma_wait3A_98 = arith.constant 0 : i32
    %dma_wait3A_99 = tpu.memref_slice %arg2[%dma_wait3A_97, %dma_wait3A_98] : memref<500000x128xf32, #tpu.memory_space<hbm>> -> memref<500000x128xf32, #tpu.memory_space<hbm>>
    tpu.wait_indirect_dma semaphore(%arg9 : memref<!tpu.dma_semaphore, #tpu.memory_space<semaphore_mem>>) src(%dma_wait3A_99 : memref<500000x128xf32, #tpu.memory_space<hbm>>) dst(%arg7 : memref<80x128xf32, #tpu.memory_space<vmem>>)
    %add3A_100 = arith.constant 560 : i32
    %add3A_101 = arith.addi %mul3A_2, %add3A_100 : i32
    "tpu.region"() ({
      %run_scoped3A = tpu.sem_alloc : memref<!tpu.dma_semaphore, #tpu.memory_space<semaphore_mem>>
      %dma_start3A_241 = arith.constant 0 : i32
      %dma_start3A_242 = tpu.memref_slice %arg4[%add3A_101, %dma_start3A_241] : memref<51200x128xf32, #tpu.memory_space<hbm>> -> memref<80x128xf32, #tpu.memory_space<hbm>>
      %dma_start3A_243 = arith.constant 0 : i32
      %dma_start3A_244 = tpu.memref_slice %arg4[%add3A_101, %dma_start3A_243] : memref<51200x128xf32, #tpu.memory_space<hbm>> -> memref<80x128xf32, #tpu.memory_space<hbm>>
      tpu.enqueue_dma source(%arg7 : memref<80x128xf32, #tpu.memory_space<vmem>>) target(%dma_start3A_244 : memref<80x128xf32, #tpu.memory_space<hbm>>) target_semaphore(%run_scoped3A : memref<!tpu.dma_semaphore, #tpu.memory_space<semaphore_mem>>)
      %dma_wait3A_245 = arith.constant 0 : i32
      %dma_wait3A_246 = tpu.memref_slice %arg4[%add3A_101, %dma_wait3A_245] : memref<51200x128xf32, #tpu.memory_space<hbm>> -> memref<80x128xf32, #tpu.memory_space<hbm>>
      %dma_wait3A_247 = arith.constant 0 : i32
      %dma_wait3A_248 = tpu.memref_slice %arg4[%add3A_101, %dma_wait3A_247] : memref<51200x128xf32, #tpu.memory_space<hbm>> -> memref<80x128xf32, #tpu.memory_space<hbm>>
      tpu.wait_dma2 semaphore(%run_scoped3A : memref<!tpu.dma_semaphore, #tpu.memory_space<semaphore_mem>>) src(%arg7 : memref<80x128xf32, #tpu.memory_space<vmem>>) dst(%dma_wait3A_248 : memref<80x128xf32, #tpu.memory_space<hbm>>)
      tpu.yield
    }) : () -> ()
    %dma_start3A_102 = arith.constant 720 : i32
    %dma_start3A_103 = tpu.memref_slice %arg5[%dma_start3A_102] : memref<1600xi32, #tpu.memory_space<vmem>> -> memref<80xi32, #tpu.memory_space<vmem>>
    %dma_start3A_104 = arith.constant 0 : i32
    %dma_start3A_105 = arith.constant 0 : i32
    %dma_start3A_106 = tpu.memref_slice %arg2[%dma_start3A_104, %dma_start3A_105] : memref<500000x128xf32, #tpu.memory_space<hbm>> -> memref<500000x128xf32, #tpu.memory_space<hbm>>
    tpu.enqueue_indirect_dma source(%dma_start3A_106 : memref<500000x128xf32, #tpu.memory_space<hbm>>) target(%arg7 : memref<80x128xf32, #tpu.memory_space<vmem>>) offsets(%dma_start3A_103 : memref<80xi32, #tpu.memory_space<vmem>>) semaphore(%arg9 : memref<!tpu.dma_semaphore, #tpu.memory_space<semaphore_mem>>)
    %dma_wait3A_107 = arith.constant 640 : i32
    %dma_wait3A_108 = tpu.memref_slice %arg5[%dma_wait3A_107] : memref<1600xi32, #tpu.memory_space<vmem>> -> memref<80xi32, #tpu.memory_space<vmem>>
    %dma_wait3A_109 = arith.constant 0 : i32
    %dma_wait3A_110 = arith.constant 0 : i32
    %dma_wait3A_111 = tpu.memref_slice %arg2[%dma_wait3A_109, %dma_wait3A_110] : memref<500000x128xf32, #tpu.memory_space<hbm>> -> memref<500000x128xf32, #tpu.memory_space<hbm>>
    tpu.wait_indirect_dma semaphore(%arg8 : memref<!tpu.dma_semaphore, #tpu.memory_space<semaphore_mem>>) src(%dma_wait3A_111 : memref<500000x128xf32, #tpu.memory_space<hbm>>) dst(%arg6 : memref<80x128xf32, #tpu.memory_space<vmem>>)
    %add3A_112 = arith.constant 640 : i32
    %add3A_113 = arith.addi %mul3A_2, %add3A_112 : i32
    "tpu.region"() ({
      %run_scoped3A = tpu.sem_alloc : memref<!tpu.dma_semaphore, #tpu.memory_space<semaphore_mem>>
      %dma_start3A_241 = arith.constant 0 : i32
      %dma_start3A_242 = tpu.memref_slice %arg4[%add3A_113, %dma_start3A_241] : memref<51200x128xf32, #tpu.memory_space<hbm>> -> memref<80x128xf32, #tpu.memory_space<hbm>>
      %dma_start3A_243 = arith.constant 0 : i32
      %dma_start3A_244 = tpu.memref_slice %arg4[%add3A_113, %dma_start3A_243] : memref<51200x128xf32, #tpu.memory_space<hbm>> -> memref<80x128xf32, #tpu.memory_space<hbm>>
      tpu.enqueue_dma source(%arg6 : memref<80x128xf32, #tpu.memory_space<vmem>>) target(%dma_start3A_244 : memref<80x128xf32, #tpu.memory_space<hbm>>) target_semaphore(%run_scoped3A : memref<!tpu.dma_semaphore, #tpu.memory_space<semaphore_mem>>)
      %dma_wait3A_245 = arith.constant 0 : i32
      %dma_wait3A_246 = tpu.memref_slice %arg4[%add3A_113, %dma_wait3A_245] : memref<51200x128xf32, #tpu.memory_space<hbm>> -> memref<80x128xf32, #tpu.memory_space<hbm>>
      %dma_wait3A_247 = arith.constant 0 : i32
      %dma_wait3A_248 = tpu.memref_slice %arg4[%add3A_113, %dma_wait3A_247] : memref<51200x128xf32, #tpu.memory_space<hbm>> -> memref<80x128xf32, #tpu.memory_space<hbm>>
      tpu.wait_dma2 semaphore(%run_scoped3A : memref<!tpu.dma_semaphore, #tpu.memory_space<semaphore_mem>>) src(%arg6 : memref<80x128xf32, #tpu.memory_space<vmem>>) dst(%dma_wait3A_248 : memref<80x128xf32, #tpu.memory_space<hbm>>)
      tpu.yield
    }) : () -> ()
    %dma_start3A_114 = arith.constant 800 : i32
    %dma_start3A_115 = tpu.memref_slice %arg5[%dma_start3A_114] : memref<1600xi32, #tpu.memory_space<vmem>> -> memref<80xi32, #tpu.memory_space<vmem>>
    %dma_start3A_116 = arith.constant 0 : i32
    %dma_start3A_117 = arith.constant 0 : i32
    %dma_start3A_118 = tpu.memref_slice %arg2[%dma_start3A_116, %dma_start3A_117] : memref<500000x128xf32, #tpu.memory_space<hbm>> -> memref<500000x128xf32, #tpu.memory_space<hbm>>
    tpu.enqueue_indirect_dma source(%dma_start3A_118 : memref<500000x128xf32, #tpu.memory_space<hbm>>) target(%arg6 : memref<80x128xf32, #tpu.memory_space<vmem>>) offsets(%dma_start3A_115 : memref<80xi32, #tpu.memory_space<vmem>>) semaphore(%arg8 : memref<!tpu.dma_semaphore, #tpu.memory_space<semaphore_mem>>)
    %dma_wait3A_119 = arith.constant 720 : i32
    %dma_wait3A_120 = tpu.memref_slice %arg5[%dma_wait3A_119] : memref<1600xi32, #tpu.memory_space<vmem>> -> memref<80xi32, #tpu.memory_space<vmem>>
    %dma_wait3A_121 = arith.constant 0 : i32
    %dma_wait3A_122 = arith.constant 0 : i32
    %dma_wait3A_123 = tpu.memref_slice %arg2[%dma_wait3A_121, %dma_wait3A_122] : memref<500000x128xf32, #tpu.memory_space<hbm>> -> memref<500000x128xf32, #tpu.memory_space<hbm>>
    tpu.wait_indirect_dma semaphore(%arg9 : memref<!tpu.dma_semaphore, #tpu.memory_space<semaphore_mem>>) src(%dma_wait3A_123 : memref<500000x128xf32, #tpu.memory_space<hbm>>) dst(%arg7 : memref<80x128xf32, #tpu.memory_space<vmem>>)
    %add3A_124 = arith.constant 720 : i32
    %add3A_125 = arith.addi %mul3A_2, %add3A_124 : i32
    "tpu.region"() ({
      %run_scoped3A = tpu.sem_alloc : memref<!tpu.dma_semaphore, #tpu.memory_space<semaphore_mem>>
      %dma_start3A_241 = arith.constant 0 : i32
      %dma_start3A_242 = tpu.memref_slice %arg4[%add3A_125, %dma_start3A_241] : memref<51200x128xf32, #tpu.memory_space<hbm>> -> memref<80x128xf32, #tpu.memory_space<hbm>>
      %dma_start3A_243 = arith.constant 0 : i32
      %dma_start3A_244 = tpu.memref_slice %arg4[%add3A_125, %dma_start3A_243] : memref<51200x128xf32, #tpu.memory_space<hbm>> -> memref<80x128xf32, #tpu.memory_space<hbm>>
      tpu.enqueue_dma source(%arg7 : memref<80x128xf32, #tpu.memory_space<vmem>>) target(%dma_start3A_244 : memref<80x128xf32, #tpu.memory_space<hbm>>) target_semaphore(%run_scoped3A : memref<!tpu.dma_semaphore, #tpu.memory_space<semaphore_mem>>)
      %dma_wait3A_245 = arith.constant 0 : i32
      %dma_wait3A_246 = tpu.memref_slice %arg4[%add3A_125, %dma_wait3A_245] : memref<51200x128xf32, #tpu.memory_space<hbm>> -> memref<80x128xf32, #tpu.memory_space<hbm>>
      %dma_wait3A_247 = arith.constant 0 : i32
      %dma_wait3A_248 = tpu.memref_slice %arg4[%add3A_125, %dma_wait3A_247] : memref<51200x128xf32, #tpu.memory_space<hbm>> -> memref<80x128xf32, #tpu.memory_space<hbm>>
      tpu.wait_dma2 semaphore(%run_scoped3A : memref<!tpu.dma_semaphore, #tpu.memory_space<semaphore_mem>>) src(%arg7 : memref<80x128xf32, #tpu.memory_space<vmem>>) dst(%dma_wait3A_248 : memref<80x128xf32, #tpu.memory_space<hbm>>)
      tpu.yield
    }) : () -> ()
    %dma_start3A_126 = arith.constant 880 : i32
    %dma_start3A_127 = tpu.memref_slice %arg5[%dma_start3A_126] : memref<1600xi32, #tpu.memory_space<vmem>> -> memref<80xi32, #tpu.memory_space<vmem>>
    %dma_start3A_128 = arith.constant 0 : i32
    %dma_start3A_129 = arith.constant 0 : i32
    %dma_start3A_130 = tpu.memref_slice %arg2[%dma_start3A_128, %dma_start3A_129] : memref<500000x128xf32, #tpu.memory_space<hbm>> -> memref<500000x128xf32, #tpu.memory_space<hbm>>
    tpu.enqueue_indirect_dma source(%dma_start3A_130 : memref<500000x128xf32, #tpu.memory_space<hbm>>) target(%arg7 : memref<80x128xf32, #tpu.memory_space<vmem>>) offsets(%dma_start3A_127 : memref<80xi32, #tpu.memory_space<vmem>>) semaphore(%arg9 : memref<!tpu.dma_semaphore, #tpu.memory_space<semaphore_mem>>)
    %dma_wait3A_131 = arith.constant 800 : i32
    %dma_wait3A_132 = tpu.memref_slice %arg5[%dma_wait3A_131] : memref<1600xi32, #tpu.memory_space<vmem>> -> memref<80xi32, #tpu.memory_space<vmem>>
    %dma_wait3A_133 = arith.constant 0 : i32
    %dma_wait3A_134 = arith.constant 0 : i32
    %dma_wait3A_135 = tpu.memref_slice %arg2[%dma_wait3A_133, %dma_wait3A_134] : memref<500000x128xf32, #tpu.memory_space<hbm>> -> memref<500000x128xf32, #tpu.memory_space<hbm>>
    tpu.wait_indirect_dma semaphore(%arg8 : memref<!tpu.dma_semaphore, #tpu.memory_space<semaphore_mem>>) src(%dma_wait3A_135 : memref<500000x128xf32, #tpu.memory_space<hbm>>) dst(%arg6 : memref<80x128xf32, #tpu.memory_space<vmem>>)
    %add3A_136 = arith.constant 800 : i32
    %add3A_137 = arith.addi %mul3A_2, %add3A_136 : i32
    "tpu.region"() ({
      %run_scoped3A = tpu.sem_alloc : memref<!tpu.dma_semaphore, #tpu.memory_space<semaphore_mem>>
      %dma_start3A_241 = arith.constant 0 : i32
      %dma_start3A_242 = tpu.memref_slice %arg4[%add3A_137, %dma_start3A_241] : memref<51200x128xf32, #tpu.memory_space<hbm>> -> memref<80x128xf32, #tpu.memory_space<hbm>>
      %dma_start3A_243 = arith.constant 0 : i32
      %dma_start3A_244 = tpu.memref_slice %arg4[%add3A_137, %dma_start3A_243] : memref<51200x128xf32, #tpu.memory_space<hbm>> -> memref<80x128xf32, #tpu.memory_space<hbm>>
      tpu.enqueue_dma source(%arg6 : memref<80x128xf32, #tpu.memory_space<vmem>>) target(%dma_start3A_244 : memref<80x128xf32, #tpu.memory_space<hbm>>) target_semaphore(%run_scoped3A : memref<!tpu.dma_semaphore, #tpu.memory_space<semaphore_mem>>)
      %dma_wait3A_245 = arith.constant 0 : i32
      %dma_wait3A_246 = tpu.memref_slice %arg4[%add3A_137, %dma_wait3A_245] : memref<51200x128xf32, #tpu.memory_space<hbm>> -> memref<80x128xf32, #tpu.memory_space<hbm>>
      %dma_wait3A_247 = arith.constant 0 : i32
      %dma_wait3A_248 = tpu.memref_slice %arg4[%add3A_137, %dma_wait3A_247] : memref<51200x128xf32, #tpu.memory_space<hbm>> -> memref<80x128xf32, #tpu.memory_space<hbm>>
      tpu.wait_dma2 semaphore(%run_scoped3A : memref<!tpu.dma_semaphore, #tpu.memory_space<semaphore_mem>>) src(%arg6 : memref<80x128xf32, #tpu.memory_space<vmem>>) dst(%dma_wait3A_248 : memref<80x128xf32, #tpu.memory_space<hbm>>)
      tpu.yield
    }) : () -> ()
    %dma_start3A_138 = arith.constant 960 : i32
    %dma_start3A_139 = tpu.memref_slice %arg5[%dma_start3A_138] : memref<1600xi32, #tpu.memory_space<vmem>> -> memref<80xi32, #tpu.memory_space<vmem>>
    %dma_start3A_140 = arith.constant 0 : i32
    %dma_start3A_141 = arith.constant 0 : i32
    %dma_start3A_142 = tpu.memref_slice %arg2[%dma_start3A_140, %dma_start3A_141] : memref<500000x128xf32, #tpu.memory_space<hbm>> -> memref<500000x128xf32, #tpu.memory_space<hbm>>
    tpu.enqueue_indirect_dma source(%dma_start3A_142 : memref<500000x128xf32, #tpu.memory_space<hbm>>) target(%arg6 : memref<80x128xf32, #tpu.memory_space<vmem>>) offsets(%dma_start3A_139 : memref<80xi32, #tpu.memory_space<vmem>>) semaphore(%arg8 : memref<!tpu.dma_semaphore, #tpu.memory_space<semaphore_mem>>)
    %dma_wait3A_143 = arith.constant 880 : i32
    %dma_wait3A_144 = tpu.memref_slice %arg5[%dma_wait3A_143] : memref<1600xi32, #tpu.memory_space<vmem>> -> memref<80xi32, #tpu.memory_space<vmem>>
    %dma_wait3A_145 = arith.constant 0 : i32
    %dma_wait3A_146 = arith.constant 0 : i32
    %dma_wait3A_147 = tpu.memref_slice %arg2[%dma_wait3A_145, %dma_wait3A_146] : memref<500000x128xf32, #tpu.memory_space<hbm>> -> memref<500000x128xf32, #tpu.memory_space<hbm>>
    tpu.wait_indirect_dma semaphore(%arg9 : memref<!tpu.dma_semaphore, #tpu.memory_space<semaphore_mem>>) src(%dma_wait3A_147 : memref<500000x128xf32, #tpu.memory_space<hbm>>) dst(%arg7 : memref<80x128xf32, #tpu.memory_space<vmem>>)
    %add3A_148 = arith.constant 880 : i32
    %add3A_149 = arith.addi %mul3A_2, %add3A_148 : i32
    "tpu.region"() ({
      %run_scoped3A = tpu.sem_alloc : memref<!tpu.dma_semaphore, #tpu.memory_space<semaphore_mem>>
      %dma_start3A_241 = arith.constant 0 : i32
      %dma_start3A_242 = tpu.memref_slice %arg4[%add3A_149, %dma_start3A_241] : memref<51200x128xf32, #tpu.memory_space<hbm>> -> memref<80x128xf32, #tpu.memory_space<hbm>>
      %dma_start3A_243 = arith.constant 0 : i32
      %dma_start3A_244 = tpu.memref_slice %arg4[%add3A_149, %dma_start3A_243] : memref<51200x128xf32, #tpu.memory_space<hbm>> -> memref<80x128xf32, #tpu.memory_space<hbm>>
      tpu.enqueue_dma source(%arg7 : memref<80x128xf32, #tpu.memory_space<vmem>>) target(%dma_start3A_244 : memref<80x128xf32, #tpu.memory_space<hbm>>) target_semaphore(%run_scoped3A : memref<!tpu.dma_semaphore, #tpu.memory_space<semaphore_mem>>)
      %dma_wait3A_245 = arith.constant 0 : i32
      %dma_wait3A_246 = tpu.memref_slice %arg4[%add3A_149, %dma_wait3A_245] : memref<51200x128xf32, #tpu.memory_space<hbm>> -> memref<80x128xf32, #tpu.memory_space<hbm>>
      %dma_wait3A_247 = arith.constant 0 : i32
      %dma_wait3A_248 = tpu.memref_slice %arg4[%add3A_149, %dma_wait3A_247] : memref<51200x128xf32, #tpu.memory_space<hbm>> -> memref<80x128xf32, #tpu.memory_space<hbm>>
      tpu.wait_dma2 semaphore(%run_scoped3A : memref<!tpu.dma_semaphore, #tpu.memory_space<semaphore_mem>>) src(%arg7 : memref<80x128xf32, #tpu.memory_space<vmem>>) dst(%dma_wait3A_248 : memref<80x128xf32, #tpu.memory_space<hbm>>)
      tpu.yield
    }) : () -> ()
    %dma_start3A_150 = arith.constant 1040 : i32
    %dma_start3A_151 = tpu.memref_slice %arg5[%dma_start3A_150] : memref<1600xi32, #tpu.memory_space<vmem>> -> memref<80xi32, #tpu.memory_space<vmem>>
    %dma_start3A_152 = arith.constant 0 : i32
    %dma_start3A_153 = arith.constant 0 : i32
    %dma_start3A_154 = tpu.memref_slice %arg2[%dma_start3A_152, %dma_start3A_153] : memref<500000x128xf32, #tpu.memory_space<hbm>> -> memref<500000x128xf32, #tpu.memory_space<hbm>>
    tpu.enqueue_indirect_dma source(%dma_start3A_154 : memref<500000x128xf32, #tpu.memory_space<hbm>>) target(%arg7 : memref<80x128xf32, #tpu.memory_space<vmem>>) offsets(%dma_start3A_151 : memref<80xi32, #tpu.memory_space<vmem>>) semaphore(%arg9 : memref<!tpu.dma_semaphore, #tpu.memory_space<semaphore_mem>>)
    %dma_wait3A_155 = arith.constant 960 : i32
    %dma_wait3A_156 = tpu.memref_slice %arg5[%dma_wait3A_155] : memref<1600xi32, #tpu.memory_space<vmem>> -> memref<80xi32, #tpu.memory_space<vmem>>
    %dma_wait3A_157 = arith.constant 0 : i32
    %dma_wait3A_158 = arith.constant 0 : i32
    %dma_wait3A_159 = tpu.memref_slice %arg2[%dma_wait3A_157, %dma_wait3A_158] : memref<500000x128xf32, #tpu.memory_space<hbm>> -> memref<500000x128xf32, #tpu.memory_space<hbm>>
    tpu.wait_indirect_dma semaphore(%arg8 : memref<!tpu.dma_semaphore, #tpu.memory_space<semaphore_mem>>) src(%dma_wait3A_159 : memref<500000x128xf32, #tpu.memory_space<hbm>>) dst(%arg6 : memref<80x128xf32, #tpu.memory_space<vmem>>)
    %add3A_160 = arith.constant 960 : i32
    %add3A_161 = arith.addi %mul3A_2, %add3A_160 : i32
    "tpu.region"() ({
      %run_scoped3A = tpu.sem_alloc : memref<!tpu.dma_semaphore, #tpu.memory_space<semaphore_mem>>
      %dma_start3A_241 = arith.constant 0 : i32
      %dma_start3A_242 = tpu.memref_slice %arg4[%add3A_161, %dma_start3A_241] : memref<51200x128xf32, #tpu.memory_space<hbm>> -> memref<80x128xf32, #tpu.memory_space<hbm>>
      %dma_start3A_243 = arith.constant 0 : i32
      %dma_start3A_244 = tpu.memref_slice %arg4[%add3A_161, %dma_start3A_243] : memref<51200x128xf32, #tpu.memory_space<hbm>> -> memref<80x128xf32, #tpu.memory_space<hbm>>
      tpu.enqueue_dma source(%arg6 : memref<80x128xf32, #tpu.memory_space<vmem>>) target(%dma_start3A_244 : memref<80x128xf32, #tpu.memory_space<hbm>>) target_semaphore(%run_scoped3A : memref<!tpu.dma_semaphore, #tpu.memory_space<semaphore_mem>>)
      %dma_wait3A_245 = arith.constant 0 : i32
      %dma_wait3A_246 = tpu.memref_slice %arg4[%add3A_161, %dma_wait3A_245] : memref<51200x128xf32, #tpu.memory_space<hbm>> -> memref<80x128xf32, #tpu.memory_space<hbm>>
      %dma_wait3A_247 = arith.constant 0 : i32
      %dma_wait3A_248 = tpu.memref_slice %arg4[%add3A_161, %dma_wait3A_247] : memref<51200x128xf32, #tpu.memory_space<hbm>> -> memref<80x128xf32, #tpu.memory_space<hbm>>
      tpu.wait_dma2 semaphore(%run_scoped3A : memref<!tpu.dma_semaphore, #tpu.memory_space<semaphore_mem>>) src(%arg6 : memref<80x128xf32, #tpu.memory_space<vmem>>) dst(%dma_wait3A_248 : memref<80x128xf32, #tpu.memory_space<hbm>>)
      tpu.yield
    }) : () -> ()
    %dma_start3A_162 = arith.constant 1120 : i32
    %dma_start3A_163 = tpu.memref_slice %arg5[%dma_start3A_162] : memref<1600xi32, #tpu.memory_space<vmem>> -> memref<80xi32, #tpu.memory_space<vmem>>
    %dma_start3A_164 = arith.constant 0 : i32
    %dma_start3A_165 = arith.constant 0 : i32
    %dma_start3A_166 = tpu.memref_slice %arg2[%dma_start3A_164, %dma_start3A_165] : memref<500000x128xf32, #tpu.memory_space<hbm>> -> memref<500000x128xf32, #tpu.memory_space<hbm>>
    tpu.enqueue_indirect_dma source(%dma_start3A_166 : memref<500000x128xf32, #tpu.memory_space<hbm>>) target(%arg6 : memref<80x128xf32, #tpu.memory_space<vmem>>) offsets(%dma_start3A_163 : memref<80xi32, #tpu.memory_space<vmem>>) semaphore(%arg8 : memref<!tpu.dma_semaphore, #tpu.memory_space<semaphore_mem>>)
    %dma_wait3A_167 = arith.constant 1040 : i32
    %dma_wait3A_168 = tpu.memref_slice %arg5[%dma_wait3A_167] : memref<1600xi32, #tpu.memory_space<vmem>> -> memref<80xi32, #tpu.memory_space<vmem>>
    %dma_wait3A_169 = arith.constant 0 : i32
    %dma_wait3A_170 = arith.constant 0 : i32
    %dma_wait3A_171 = tpu.memref_slice %arg2[%dma_wait3A_169, %dma_wait3A_170] : memref<500000x128xf32, #tpu.memory_space<hbm>> -> memref<500000x128xf32, #tpu.memory_space<hbm>>
    tpu.wait_indirect_dma semaphore(%arg9 : memref<!tpu.dma_semaphore, #tpu.memory_space<semaphore_mem>>) src(%dma_wait3A_171 : memref<500000x128xf32, #tpu.memory_space<hbm>>) dst(%arg7 : memref<80x128xf32, #tpu.memory_space<vmem>>)
    %add3A_172 = arith.constant 1040 : i32
    %add3A_173 = arith.addi %mul3A_2, %add3A_172 : i32
    "tpu.region"() ({
      %run_scoped3A = tpu.sem_alloc : memref<!tpu.dma_semaphore, #tpu.memory_space<semaphore_mem>>
      %dma_start3A_241 = arith.constant 0 : i32
      %dma_start3A_242 = tpu.memref_slice %arg4[%add3A_173, %dma_start3A_241] : memref<51200x128xf32, #tpu.memory_space<hbm>> -> memref<80x128xf32, #tpu.memory_space<hbm>>
      %dma_start3A_243 = arith.constant 0 : i32
      %dma_start3A_244 = tpu.memref_slice %arg4[%add3A_173, %dma_start3A_243] : memref<51200x128xf32, #tpu.memory_space<hbm>> -> memref<80x128xf32, #tpu.memory_space<hbm>>
      tpu.enqueue_dma source(%arg7 : memref<80x128xf32, #tpu.memory_space<vmem>>) target(%dma_start3A_244 : memref<80x128xf32, #tpu.memory_space<hbm>>) target_semaphore(%run_scoped3A : memref<!tpu.dma_semaphore, #tpu.memory_space<semaphore_mem>>)
      %dma_wait3A_245 = arith.constant 0 : i32
      %dma_wait3A_246 = tpu.memref_slice %arg4[%add3A_173, %dma_wait3A_245] : memref<51200x128xf32, #tpu.memory_space<hbm>> -> memref<80x128xf32, #tpu.memory_space<hbm>>
      %dma_wait3A_247 = arith.constant 0 : i32
      %dma_wait3A_248 = tpu.memref_slice %arg4[%add3A_173, %dma_wait3A_247] : memref<51200x128xf32, #tpu.memory_space<hbm>> -> memref<80x128xf32, #tpu.memory_space<hbm>>
      tpu.wait_dma2 semaphore(%run_scoped3A : memref<!tpu.dma_semaphore, #tpu.memory_space<semaphore_mem>>) src(%arg7 : memref<80x128xf32, #tpu.memory_space<vmem>>) dst(%dma_wait3A_248 : memref<80x128xf32, #tpu.memory_space<hbm>>)
      tpu.yield
    }) : () -> ()
    %dma_start3A_174 = arith.constant 1200 : i32
    %dma_start3A_175 = tpu.memref_slice %arg5[%dma_start3A_174] : memref<1600xi32, #tpu.memory_space<vmem>> -> memref<80xi32, #tpu.memory_space<vmem>>
    %dma_start3A_176 = arith.constant 0 : i32
    %dma_start3A_177 = arith.constant 0 : i32
    %dma_start3A_178 = tpu.memref_slice %arg2[%dma_start3A_176, %dma_start3A_177] : memref<500000x128xf32, #tpu.memory_space<hbm>> -> memref<500000x128xf32, #tpu.memory_space<hbm>>
    tpu.enqueue_indirect_dma source(%dma_start3A_178 : memref<500000x128xf32, #tpu.memory_space<hbm>>) target(%arg7 : memref<80x128xf32, #tpu.memory_space<vmem>>) offsets(%dma_start3A_175 : memref<80xi32, #tpu.memory_space<vmem>>) semaphore(%arg9 : memref<!tpu.dma_semaphore, #tpu.memory_space<semaphore_mem>>)
    %dma_wait3A_179 = arith.constant 1120 : i32
    %dma_wait3A_180 = tpu.memref_slice %arg5[%dma_wait3A_179] : memref<1600xi32, #tpu.memory_space<vmem>> -> memref<80xi32, #tpu.memory_space<vmem>>
    %dma_wait3A_181 = arith.constant 0 : i32
    %dma_wait3A_182 = arith.constant 0 : i32
    %dma_wait3A_183 = tpu.memref_slice %arg2[%dma_wait3A_181, %dma_wait3A_182] : memref<500000x128xf32, #tpu.memory_space<hbm>> -> memref<500000x128xf32, #tpu.memory_space<hbm>>
    tpu.wait_indirect_dma semaphore(%arg8 : memref<!tpu.dma_semaphore, #tpu.memory_space<semaphore_mem>>) src(%dma_wait3A_183 : memref<500000x128xf32, #tpu.memory_space<hbm>>) dst(%arg6 : memref<80x128xf32, #tpu.memory_space<vmem>>)
    %add3A_184 = arith.constant 1120 : i32
    %add3A_185 = arith.addi %mul3A_2, %add3A_184 : i32
    "tpu.region"() ({
      %run_scoped3A = tpu.sem_alloc : memref<!tpu.dma_semaphore, #tpu.memory_space<semaphore_mem>>
      %dma_start3A_241 = arith.constant 0 : i32
      %dma_start3A_242 = tpu.memref_slice %arg4[%add3A_185, %dma_start3A_241] : memref<51200x128xf32, #tpu.memory_space<hbm>> -> memref<80x128xf32, #tpu.memory_space<hbm>>
      %dma_start3A_243 = arith.constant 0 : i32
      %dma_start3A_244 = tpu.memref_slice %arg4[%add3A_185, %dma_start3A_243] : memref<51200x128xf32, #tpu.memory_space<hbm>> -> memref<80x128xf32, #tpu.memory_space<hbm>>
      tpu.enqueue_dma source(%arg6 : memref<80x128xf32, #tpu.memory_space<vmem>>) target(%dma_start3A_244 : memref<80x128xf32, #tpu.memory_space<hbm>>) target_semaphore(%run_scoped3A : memref<!tpu.dma_semaphore, #tpu.memory_space<semaphore_mem>>)
      %dma_wait3A_245 = arith.constant 0 : i32
      %dma_wait3A_246 = tpu.memref_slice %arg4[%add3A_185, %dma_wait3A_245] : memref<51200x128xf32, #tpu.memory_space<hbm>> -> memref<80x128xf32, #tpu.memory_space<hbm>>
      %dma_wait3A_247 = arith.constant 0 : i32
      %dma_wait3A_248 = tpu.memref_slice %arg4[%add3A_185, %dma_wait3A_247] : memref<51200x128xf32, #tpu.memory_space<hbm>> -> memref<80x128xf32, #tpu.memory_space<hbm>>
      tpu.wait_dma2 semaphore(%run_scoped3A : memref<!tpu.dma_semaphore, #tpu.memory_space<semaphore_mem>>) src(%arg6 : memref<80x128xf32, #tpu.memory_space<vmem>>) dst(%dma_wait3A_248 : memref<80x128xf32, #tpu.memory_space<hbm>>)
      tpu.yield
    }) : () -> ()
    %dma_start3A_186 = arith.constant 1280 : i32
    %dma_start3A_187 = tpu.memref_slice %arg5[%dma_start3A_186] : memref<1600xi32, #tpu.memory_space<vmem>> -> memref<80xi32, #tpu.memory_space<vmem>>
    %dma_start3A_188 = arith.constant 0 : i32
    %dma_start3A_189 = arith.constant 0 : i32
    %dma_start3A_190 = tpu.memref_slice %arg2[%dma_start3A_188, %dma_start3A_189] : memref<500000x128xf32, #tpu.memory_space<hbm>> -> memref<500000x128xf32, #tpu.memory_space<hbm>>
    tpu.enqueue_indirect_dma source(%dma_start3A_190 : memref<500000x128xf32, #tpu.memory_space<hbm>>) target(%arg6 : memref<80x128xf32, #tpu.memory_space<vmem>>) offsets(%dma_start3A_187 : memref<80xi32, #tpu.memory_space<vmem>>) semaphore(%arg8 : memref<!tpu.dma_semaphore, #tpu.memory_space<semaphore_mem>>)
    %dma_wait3A_191 = arith.constant 1200 : i32
    %dma_wait3A_192 = tpu.memref_slice %arg5[%dma_wait3A_191] : memref<1600xi32, #tpu.memory_space<vmem>> -> memref<80xi32, #tpu.memory_space<vmem>>
    %dma_wait3A_193 = arith.constant 0 : i32
    %dma_wait3A_194 = arith.constant 0 : i32
    %dma_wait3A_195 = tpu.memref_slice %arg2[%dma_wait3A_193, %dma_wait3A_194] : memref<500000x128xf32, #tpu.memory_space<hbm>> -> memref<500000x128xf32, #tpu.memory_space<hbm>>
    tpu.wait_indirect_dma semaphore(%arg9 : memref<!tpu.dma_semaphore, #tpu.memory_space<semaphore_mem>>) src(%dma_wait3A_195 : memref<500000x128xf32, #tpu.memory_space<hbm>>) dst(%arg7 : memref<80x128xf32, #tpu.memory_space<vmem>>)
    %add3A_196 = arith.constant 1200 : i32
    %add3A_197 = arith.addi %mul3A_2, %add3A_196 : i32
    "tpu.region"() ({
      %run_scoped3A = tpu.sem_alloc : memref<!tpu.dma_semaphore, #tpu.memory_space<semaphore_mem>>
      %dma_start3A_241 = arith.constant 0 : i32
      %dma_start3A_242 = tpu.memref_slice %arg4[%add3A_197, %dma_start3A_241] : memref<51200x128xf32, #tpu.memory_space<hbm>> -> memref<80x128xf32, #tpu.memory_space<hbm>>
      %dma_start3A_243 = arith.constant 0 : i32
      %dma_start3A_244 = tpu.memref_slice %arg4[%add3A_197, %dma_start3A_243] : memref<51200x128xf32, #tpu.memory_space<hbm>> -> memref<80x128xf32, #tpu.memory_space<hbm>>
      tpu.enqueue_dma source(%arg7 : memref<80x128xf32, #tpu.memory_space<vmem>>) target(%dma_start3A_244 : memref<80x128xf32, #tpu.memory_space<hbm>>) target_semaphore(%run_scoped3A : memref<!tpu.dma_semaphore, #tpu.memory_space<semaphore_mem>>)
      %dma_wait3A_245 = arith.constant 0 : i32
      %dma_wait3A_246 = tpu.memref_slice %arg4[%add3A_197, %dma_wait3A_245] : memref<51200x128xf32, #tpu.memory_space<hbm>> -> memref<80x128xf32, #tpu.memory_space<hbm>>
      %dma_wait3A_247 = arith.constant 0 : i32
      %dma_wait3A_248 = tpu.memref_slice %arg4[%add3A_197, %dma_wait3A_247] : memref<51200x128xf32, #tpu.memory_space<hbm>> -> memref<80x128xf32, #tpu.memory_space<hbm>>
      tpu.wait_dma2 semaphore(%run_scoped3A : memref<!tpu.dma_semaphore, #tpu.memory_space<semaphore_mem>>) src(%arg7 : memref<80x128xf32, #tpu.memory_space<vmem>>) dst(%dma_wait3A_248 : memref<80x128xf32, #tpu.memory_space<hbm>>)
      tpu.yield
    }) : () -> ()
    %dma_start3A_198 = arith.constant 1360 : i32
    %dma_start3A_199 = tpu.memref_slice %arg5[%dma_start3A_198] : memref<1600xi32, #tpu.memory_space<vmem>> -> memref<80xi32, #tpu.memory_space<vmem>>
    %dma_start3A_200 = arith.constant 0 : i32
    %dma_start3A_201 = arith.constant 0 : i32
    %dma_start3A_202 = tpu.memref_slice %arg2[%dma_start3A_200, %dma_start3A_201] : memref<500000x128xf32, #tpu.memory_space<hbm>> -> memref<500000x128xf32, #tpu.memory_space<hbm>>
    tpu.enqueue_indirect_dma source(%dma_start3A_202 : memref<500000x128xf32, #tpu.memory_space<hbm>>) target(%arg7 : memref<80x128xf32, #tpu.memory_space<vmem>>) offsets(%dma_start3A_199 : memref<80xi32, #tpu.memory_space<vmem>>) semaphore(%arg9 : memref<!tpu.dma_semaphore, #tpu.memory_space<semaphore_mem>>)
    %dma_wait3A_203 = arith.constant 1280 : i32
    %dma_wait3A_204 = tpu.memref_slice %arg5[%dma_wait3A_203] : memref<1600xi32, #tpu.memory_space<vmem>> -> memref<80xi32, #tpu.memory_space<vmem>>
    %dma_wait3A_205 = arith.constant 0 : i32
    %dma_wait3A_206 = arith.constant 0 : i32
    %dma_wait3A_207 = tpu.memref_slice %arg2[%dma_wait3A_205, %dma_wait3A_206] : memref<500000x128xf32, #tpu.memory_space<hbm>> -> memref<500000x128xf32, #tpu.memory_space<hbm>>
    tpu.wait_indirect_dma semaphore(%arg8 : memref<!tpu.dma_semaphore, #tpu.memory_space<semaphore_mem>>) src(%dma_wait3A_207 : memref<500000x128xf32, #tpu.memory_space<hbm>>) dst(%arg6 : memref<80x128xf32, #tpu.memory_space<vmem>>)
    %add3A_208 = arith.constant 1280 : i32
    %add3A_209 = arith.addi %mul3A_2, %add3A_208 : i32
    "tpu.region"() ({
      %run_scoped3A = tpu.sem_alloc : memref<!tpu.dma_semaphore, #tpu.memory_space<semaphore_mem>>
      %dma_start3A_241 = arith.constant 0 : i32
      %dma_start3A_242 = tpu.memref_slice %arg4[%add3A_209, %dma_start3A_241] : memref<51200x128xf32, #tpu.memory_space<hbm>> -> memref<80x128xf32, #tpu.memory_space<hbm>>
      %dma_start3A_243 = arith.constant 0 : i32
      %dma_start3A_244 = tpu.memref_slice %arg4[%add3A_209, %dma_start3A_243] : memref<51200x128xf32, #tpu.memory_space<hbm>> -> memref<80x128xf32, #tpu.memory_space<hbm>>
      tpu.enqueue_dma source(%arg6 : memref<80x128xf32, #tpu.memory_space<vmem>>) target(%dma_start3A_244 : memref<80x128xf32, #tpu.memory_space<hbm>>) target_semaphore(%run_scoped3A : memref<!tpu.dma_semaphore, #tpu.memory_space<semaphore_mem>>)
      %dma_wait3A_245 = arith.constant 0 : i32
      %dma_wait3A_246 = tpu.memref_slice %arg4[%add3A_209, %dma_wait3A_245] : memref<51200x128xf32, #tpu.memory_space<hbm>> -> memref<80x128xf32, #tpu.memory_space<hbm>>
      %dma_wait3A_247 = arith.constant 0 : i32
      %dma_wait3A_248 = tpu.memref_slice %arg4[%add3A_209, %dma_wait3A_247] : memref<51200x128xf32, #tpu.memory_space<hbm>> -> memref<80x128xf32, #tpu.memory_space<hbm>>
      tpu.wait_dma2 semaphore(%run_scoped3A : memref<!tpu.dma_semaphore, #tpu.memory_space<semaphore_mem>>) src(%arg6 : memref<80x128xf32, #tpu.memory_space<vmem>>) dst(%dma_wait3A_248 : memref<80x128xf32, #tpu.memory_space<hbm>>)
      tpu.yield
    }) : () -> ()
    %dma_start3A_210 = arith.constant 1440 : i32
    %dma_start3A_211 = tpu.memref_slice %arg5[%dma_start3A_210] : memref<1600xi32, #tpu.memory_space<vmem>> -> memref<80xi32, #tpu.memory_space<vmem>>
    %dma_start3A_212 = arith.constant 0 : i32
    %dma_start3A_213 = arith.constant 0 : i32
    %dma_start3A_214 = tpu.memref_slice %arg2[%dma_start3A_212, %dma_start3A_213] : memref<500000x128xf32, #tpu.memory_space<hbm>> -> memref<500000x128xf32, #tpu.memory_space<hbm>>
    tpu.enqueue_indirect_dma source(%dma_start3A_214 : memref<500000x128xf32, #tpu.memory_space<hbm>>) target(%arg6 : memref<80x128xf32, #tpu.memory_space<vmem>>) offsets(%dma_start3A_211 : memref<80xi32, #tpu.memory_space<vmem>>) semaphore(%arg8 : memref<!tpu.dma_semaphore, #tpu.memory_space<semaphore_mem>>)
    %dma_wait3A_215 = arith.constant 1360 : i32
    %dma_wait3A_216 = tpu.memref_slice %arg5[%dma_wait3A_215] : memref<1600xi32, #tpu.memory_space<vmem>> -> memref<80xi32, #tpu.memory_space<vmem>>
    %dma_wait3A_217 = arith.constant 0 : i32
    %dma_wait3A_218 = arith.constant 0 : i32
    %dma_wait3A_219 = tpu.memref_slice %arg2[%dma_wait3A_217, %dma_wait3A_218] : memref<500000x128xf32, #tpu.memory_space<hbm>> -> memref<500000x128xf32, #tpu.memory_space<hbm>>
    tpu.wait_indirect_dma semaphore(%arg9 : memref<!tpu.dma_semaphore, #tpu.memory_space<semaphore_mem>>) src(%dma_wait3A_219 : memref<500000x128xf32, #tpu.memory_space<hbm>>) dst(%arg7 : memref<80x128xf32, #tpu.memory_space<vmem>>)
    %add3A_220 = arith.constant 1360 : i32
    %add3A_221 = arith.addi %mul3A_2, %add3A_220 : i32
    "tpu.region"() ({
      %run_scoped3A = tpu.sem_alloc : memref<!tpu.dma_semaphore, #tpu.memory_space<semaphore_mem>>
      %dma_start3A_241 = arith.constant 0 : i32
      %dma_start3A_242 = tpu.memref_slice %arg4[%add3A_221, %dma_start3A_241] : memref<51200x128xf32, #tpu.memory_space<hbm>> -> memref<80x128xf32, #tpu.memory_space<hbm>>
      %dma_start3A_243 = arith.constant 0 : i32
      %dma_start3A_244 = tpu.memref_slice %arg4[%add3A_221, %dma_start3A_243] : memref<51200x128xf32, #tpu.memory_space<hbm>> -> memref<80x128xf32, #tpu.memory_space<hbm>>
      tpu.enqueue_dma source(%arg7 : memref<80x128xf32, #tpu.memory_space<vmem>>) target(%dma_start3A_244 : memref<80x128xf32, #tpu.memory_space<hbm>>) target_semaphore(%run_scoped3A : memref<!tpu.dma_semaphore, #tpu.memory_space<semaphore_mem>>)
      %dma_wait3A_245 = arith.constant 0 : i32
      %dma_wait3A_246 = tpu.memref_slice %arg4[%add3A_221, %dma_wait3A_245] : memref<51200x128xf32, #tpu.memory_space<hbm>> -> memref<80x128xf32, #tpu.memory_space<hbm>>
      %dma_wait3A_247 = arith.constant 0 : i32
      %dma_wait3A_248 = tpu.memref_slice %arg4[%add3A_221, %dma_wait3A_247] : memref<51200x128xf32, #tpu.memory_space<hbm>> -> memref<80x128xf32, #tpu.memory_space<hbm>>
      tpu.wait_dma2 semaphore(%run_scoped3A : memref<!tpu.dma_semaphore, #tpu.memory_space<semaphore_mem>>) src(%arg7 : memref<80x128xf32, #tpu.memory_space<vmem>>) dst(%dma_wait3A_248 : memref<80x128xf32, #tpu.memory_space<hbm>>)
      tpu.yield
    }) : () -> ()
    %dma_start3A_222 = arith.constant 1520 : i32
    %dma_start3A_223 = tpu.memref_slice %arg5[%dma_start3A_222] : memref<1600xi32, #tpu.memory_space<vmem>> -> memref<80xi32, #tpu.memory_space<vmem>>
    %dma_start3A_224 = arith.constant 0 : i32
    %dma_start3A_225 = arith.constant 0 : i32
    %dma_start3A_226 = tpu.memref_slice %arg2[%dma_start3A_224, %dma_start3A_225] : memref<500000x128xf32, #tpu.memory_space<hbm>> -> memref<500000x128xf32, #tpu.memory_space<hbm>>
    tpu.enqueue_indirect_dma source(%dma_start3A_226 : memref<500000x128xf32, #tpu.memory_space<hbm>>) target(%arg7 : memref<80x128xf32, #tpu.memory_space<vmem>>) offsets(%dma_start3A_223 : memref<80xi32, #tpu.memory_space<vmem>>) semaphore(%arg9 : memref<!tpu.dma_semaphore, #tpu.memory_space<semaphore_mem>>)
    %dma_wait3A_227 = arith.constant 1440 : i32
    %dma_wait3A_228 = tpu.memref_slice %arg5[%dma_wait3A_227] : memref<1600xi32, #tpu.memory_space<vmem>> -> memref<80xi32, #tpu.memory_space<vmem>>
    %dma_wait3A_229 = arith.constant 0 : i32
    %dma_wait3A_230 = arith.constant 0 : i32
    %dma_wait3A_231 = tpu.memref_slice %arg2[%dma_wait3A_229, %dma_wait3A_230] : memref<500000x128xf32, #tpu.memory_space<hbm>> -> memref<500000x128xf32, #tpu.memory_space<hbm>>
    tpu.wait_indirect_dma semaphore(%arg8 : memref<!tpu.dma_semaphore, #tpu.memory_space<semaphore_mem>>) src(%dma_wait3A_231 : memref<500000x128xf32, #tpu.memory_space<hbm>>) dst(%arg6 : memref<80x128xf32, #tpu.memory_space<vmem>>)
    %add3A_232 = arith.constant 1440 : i32
    %add3A_233 = arith.addi %mul3A_2, %add3A_232 : i32
    "tpu.region"() ({
      %run_scoped3A = tpu.sem_alloc : memref<!tpu.dma_semaphore, #tpu.memory_space<semaphore_mem>>
      %dma_start3A_241 = arith.constant 0 : i32
      %dma_start3A_242 = tpu.memref_slice %arg4[%add3A_233, %dma_start3A_241] : memref<51200x128xf32, #tpu.memory_space<hbm>> -> memref<80x128xf32, #tpu.memory_space<hbm>>
      %dma_start3A_243 = arith.constant 0 : i32
      %dma_start3A_244 = tpu.memref_slice %arg4[%add3A_233, %dma_start3A_243] : memref<51200x128xf32, #tpu.memory_space<hbm>> -> memref<80x128xf32, #tpu.memory_space<hbm>>
      tpu.enqueue_dma source(%arg6 : memref<80x128xf32, #tpu.memory_space<vmem>>) target(%dma_start3A_244 : memref<80x128xf32, #tpu.memory_space<hbm>>) target_semaphore(%run_scoped3A : memref<!tpu.dma_semaphore, #tpu.memory_space<semaphore_mem>>)
      %dma_wait3A_245 = arith.constant 0 : i32
      %dma_wait3A_246 = tpu.memref_slice %arg4[%add3A_233, %dma_wait3A_245] : memref<51200x128xf32, #tpu.memory_space<hbm>> -> memref<80x128xf32, #tpu.memory_space<hbm>>
      %dma_wait3A_247 = arith.constant 0 : i32
      %dma_wait3A_248 = tpu.memref_slice %arg4[%add3A_233, %dma_wait3A_247] : memref<51200x128xf32, #tpu.memory_space<hbm>> -> memref<80x128xf32, #tpu.memory_space<hbm>>
      tpu.wait_dma2 semaphore(%run_scoped3A : memref<!tpu.dma_semaphore, #tpu.memory_space<semaphore_mem>>) src(%arg6 : memref<80x128xf32, #tpu.memory_space<vmem>>) dst(%dma_wait3A_248 : memref<80x128xf32, #tpu.memory_space<hbm>>)
      tpu.yield
    }) : () -> ()
    %dma_wait3A_234 = arith.constant 1520 : i32
    %dma_wait3A_235 = tpu.memref_slice %arg5[%dma_wait3A_234] : memref<1600xi32, #tpu.memory_space<vmem>> -> memref<80xi32, #tpu.memory_space<vmem>>
    %dma_wait3A_236 = arith.constant 0 : i32
    %dma_wait3A_237 = arith.constant 0 : i32
    %dma_wait3A_238 = tpu.memref_slice %arg2[%dma_wait3A_236, %dma_wait3A_237] : memref<500000x128xf32, #tpu.memory_space<hbm>> -> memref<500000x128xf32, #tpu.memory_space<hbm>>
    tpu.wait_indirect_dma semaphore(%arg9 : memref<!tpu.dma_semaphore, #tpu.memory_space<semaphore_mem>>) src(%dma_wait3A_238 : memref<500000x128xf32, #tpu.memory_space<hbm>>) dst(%arg7 : memref<80x128xf32, #tpu.memory_space<vmem>>)
    %add3A_239 = arith.constant 1520 : i32
    %add3A_240 = arith.addi %mul3A_2, %add3A_239 : i32
    "tpu.region"() ({
      %run_scoped3A = tpu.sem_alloc : memref<!tpu.dma_semaphore, #tpu.memory_space<semaphore_mem>>
      %dma_start3A_241 = arith.constant 0 : i32
      %dma_start3A_242 = tpu.memref_slice %arg4[%add3A_240, %dma_start3A_241] : memref<51200x128xf32, #tpu.memory_space<hbm>> -> memref<80x128xf32, #tpu.memory_space<hbm>>
      %dma_start3A_243 = arith.constant 0 : i32
      %dma_start3A_244 = tpu.memref_slice %arg4[%add3A_240, %dma_start3A_243] : memref<51200x128xf32, #tpu.memory_space<hbm>> -> memref<80x128xf32, #tpu.memory_space<hbm>>
      tpu.enqueue_dma source(%arg7 : memref<80x128xf32, #tpu.memory_space<vmem>>) target(%dma_start3A_244 : memref<80x128xf32, #tpu.memory_space<hbm>>) target_semaphore(%run_scoped3A : memref<!tpu.dma_semaphore, #tpu.memory_space<semaphore_mem>>)
      %dma_wait3A_245 = arith.constant 0 : i32
      %dma_wait3A_246 = tpu.memref_slice %arg4[%add3A_240, %dma_wait3A_245] : memref<51200x128xf32, #tpu.memory_space<hbm>> -> memref<80x128xf32, #tpu.memory_space<hbm>>
      %dma_wait3A_247 = arith.constant 0 : i32
      %dma_wait3A_248 = tpu.memref_slice %arg4[%add3A_240, %dma_wait3A_247] : memref<51200x128xf32, #tpu.memory_space<hbm>> -> memref<80x128xf32, #tpu.memory_space<hbm>>
      tpu.wait_dma2 semaphore(%run_scoped3A : memref<!tpu.dma_semaphore, #tpu.memory_space<semaphore_mem>>) src(%arg7 : memref<80x128xf32, #tpu.memory_space<vmem>>) dst(%dma_wait3A_248 : memref<80x128xf32, #tpu.memory_space<hbm>>)
      tpu.yield
    }) : () -> ()
    return
  }
}

module attributes {stable_mosaic.version = 14 : i64} {
  func.func @body(%arg0: i32, %arg1: memref<1024x64xf32, #tpu.memory_space<vmem>>, %arg2: memref<64x999xbf16, #tpu.memory_space<vmem>>, %arg3: memref<1024x999xf32, #tpu.memory_space<vmem>>) attributes {dimension_semantics = [#tpu.dimension_semantics<arbitrary>], iteration_bounds = array<i64: 50>, scalar_prefetch = 0 : i64, scratch_operands = 0 : i64, tpu.core_type = #tpu.core_type<tc>, window_params = [{transform_indices = @transform_0, window_bounds = array<i64: 1024, 64>}, {pipeline_mode = #tpu.pipeline_mode<synchronous>, transform_indices = @transform_1, window_bounds = array<i64: 64, 999>}, {transform_indices = @transform_2, window_bounds = array<i64: 1024, 999>}]} {
    %get3A = arith.constant 0 : index
    %get3A_0 = arith.constant 0 : index
    %get3A_1 = vector.load %arg1[%get3A, %get3A_0] : memref<1024x64xf32, #tpu.memory_space<vmem>>, vector<1024x64xf32>
    %convert_element_type3A = arith.truncf %get3A_1 : vector<1024x64xf32> to vector<1024x64xbf16>
    %get3A_2 = arith.constant 0 : index
    %get3A_3 = arith.constant 0 : index
    %get3A_4 = vector.load %arg2[%get3A_2, %get3A_3] : memref<64x999xbf16, #tpu.memory_space<vmem>>, vector<64x999xbf16>
    %dot_general3A = arith.constant dense<0.000000e+00> : vector<1024x999xf32>
    %dot_general3A_5 = tpu.matmul %convert_element_type3A, %get3A_4, %dot_general3A {dimension_numbers = #tpu.dot_dimension_numbers<[1], [0], [0], [1], [0, 0, 1, 1], [], []>, transpose_lhs_hint = false} : vector<1024x64xbf16>, vector<64x999xbf16>, vector<1024x999xf32> -> vector<1024x999xf32>
    %swap3A = arith.constant 0 : index
    %swap3A_6 = arith.constant 0 : index
    %swap3A_7 = vector.load %arg3[%swap3A, %swap3A_6] : memref<1024x999xf32, #tpu.memory_space<vmem>>, vector<1024x999xf32>
    tpu.vector_store %arg3[%swap3A, %swap3A_6], %dot_general3A_5 {strides = array<i32>} : memref<1024x999xf32, #tpu.memory_space<vmem>>, vector<1024x999xf32>,
    return
  }
  func.func @transform_0(%arg0: i32) -> (i32, i32) {
    %c0_i32 = arith.constant 0 : i32
    %c0_i32_0 = arith.constant 0 : i32
    return %arg0, %c0_i32 : i32, i32
  }
  func.func @transform_1(%arg0: i32) -> (i32, i32) {
    %c0_i32 = arith.constant 0 : i32
    %c0_i32_0 = arith.constant 0 : i32
    %c0_i32_1 = arith.constant 0 : i32
    return %c0_i32, %c0_i32_0 : i32, i32
  }
  func.func @transform_2(%arg0: i32) -> (i32, i32) {
    %c0_i32 = arith.constant 0 : i32
    %c0_i32_0 = arith.constant 0 : i32
    return %arg0, %c0_i32 : i32, i32
  }
}

</mosaic_0001>

<sc_bundles>
// kernel: kernel.5.cloned.1.call-start
scs
__scs_entry_jumppad:
0x0: {  	(pc) =	sbr.rel $0x88, $3  }
0x1: {  	(tag) =	ssettag $0x0;
	lr =	simm.s32 $0x1  }
0x2: {  	[smem:$0x3F9C] =	sst lr;
	_ =	strace $0xD0000000  }
0x3: {  	_ = 	snop  }
0x4: {  	_ = 	snop  }
0x5: {  	_ = 	snop  }
0x6: {  	_ = 	snop  }
0x7: {  	_ = 	snop  }
__scs_overlays_trampoline_lowered:
0x8: {  	[smem:$0x3FAB] =	sst s0  }
0x9: {  	[smem:$0x3FAC] =	sst s1  }
0xa: {  	[smem:$0x3FAD] =	sst s2  }
0xb: {  	[smem:$0x3FAE] =	sst s3  }
0xc: {  	[smem:$0x3FAF] =	sst s4  }
0xd: {  	[smem:$0x3FB0] =	sst s5  }
0xe: {  	[smem:$0x3FB1] =	sst s6  }
0xf: {  	[smem:$0x3FB2] =	sst s7  }
0x10: {  	[smem:$0x3FB3] =	sst s8  }
0x11: {  	[smem:$0x3FB4] =	sst s9;
	s0 =	simm.s32 @!p0 $0x0  }
0x12: {  	s1 =	sld [smem:$0x3F9A];
	s0 =	simm.s32 @p0 $0x1  }
0x13: {  	[smem:$0x3FB5] =	sst s0;
	s0 =	simm.s32 @!p1 $0x0  }
0x14: {  	s2 =	sld [smem:$0x3F99];
	s0 =	simm.s32 @p1 $0x1  }
0x15: {  	[smem:$0x3FB6] =	sst s0;
	s0 =	simm.s32 @!p2 $0x0  }
0x16: {  	s3 =	sld [smem:$0x3FDB];
	s0 =	simm.s32 @p2 $0x1  }
0x17: {  	s4 =	simm.s32 $0x1BF5;
	[smem:$0x3FB8] =	sst s0  }
0x18: {  	s0 =	sld [smem:$0x3F9B];
	_ =	swait.ge [sflag:s4], $0x0  }
0x19: {  	s7 =	sld [smem:$0x3F9C]  }
0x1a: {  	s8 =	sadd.s32 $0xFFFFE003, lr  }
0x1b: {  	s9 =	sadd.s32 $0xFFFFFEF7, lr;
	s5 =	simm.s32 $0xFFFFFFFF;
	p2 =	slt.u32 s8, $0xFFFFF086  }
0x1c: {  	p1 =	slt.u32 s9, $0xF7A;
	s5 =	simm.s32 @!p2 $0x0  }
0x1d: {  	s5 =	simm.s32 @p1 $0x1;
	p0 =	seq.s32 s7, s2  }
0x1e: {  	s7 =	smul.u32 @!p0 $0xF7A, s2;
	p2 =	seq.s32 @!p0 s5, $0x0  }
0x1f: {  	s9 =	smul.u32 $0xF7A, s1;
	s8 =	simm.s32 @!p0 $0x1BF5;
	p2 =	por !p2, p0  }
0x20: {  	[sflag:s8] =	ssyncset.s32 @!p0 $0xFFFFF086;
	s6 =	sadd.s32 @!p0 s3, s7;
	s7 =	simm.s32 @!p0 $0x108  }
0x21: {  	s3 =	sadd.s32 s3, s9;
	s6 =	sadd.s32 @!p0 $0x88, s6;
	s7 =	simm.s32 @p2 $0x1082  }
0x22: {  	[simem:s7], [sflag:s8] =	dma.local @!p0 [hbm:s6], $0xF7A  }
0x23: {  	s9 =	sor.u32 $0xD0000000, s2;
	s6 =	simm.s32 $0x108;
	_ =	swait.ge @!p0 [sflag:s8], $0x0  }
0x24: {  	s3 =	sadd.s32 $0x88, s3;
	s6 =	simm.s32 @!p1 $0x1082;
	[sflag:s4] =	ssyncset.s32 $0xFFFFF086  }
0x25: {  	[simem:s6], [sflag:s4] =	dma.local [hbm:s3], $0xF7A  }
0x26: {  	[smem:$0x3F9C] =	sst s1;
	(tag) =	ssettag s2;
	_ =	strace s9  }
0x27: {  	s1 =	sld [smem:$0x3FAC]  }
0x28: {  	s2 =	sld [smem:$0x3FAD]  }
0x29: {  	s4 =	sld [smem:$0x3FAF]  }
0x2a: {  	p0 =	seq.s32 s5, $0x0;
	s5 =	sld [smem:$0x3FB0]  }
0x2b: {  	s6 =	sld [smem:$0x3FB1]  }
0x2c: {  	s7 =	sld [smem:$0x3FB2]  }
0x2d: {  	s3 =	simm.s32 $0x108;
	s8 =	sld [smem:$0x3FB3]  }
0x2e: {  	s3 =	simm.s32 @!p0 $0x1082;
	s9 =	sld [smem:$0x3FB4]  }
0x2f: {  	lr =	sadd.s32 s0, s3;
	s0 =	sld [smem:$0x3FAB]  }
0x30: {  	s3 =	sld [smem:$0x3FAE]  }
0x31: {  	[smem:$0x3FB7] =	sst s10  }
0x32: {  	s10 =	sld [smem:$0x3FB5];
	_ =	sdelay $0x3  }
0x33: {  	p0 =	seq.s32 s10, $0x1;
	s10 =	sld [smem:$0x3FB7];
	_ =	sdelay $0x3  }
0x34: {  	[smem:$0x3FB7] =	sst s10  }
0x35: {  	s10 =	sld [smem:$0x3FB6];
	_ =	sdelay $0x3  }
0x36: {  	p1 =	seq.s32 s10, $0x1;
	s10 =	sld [smem:$0x3FB7];
	_ =	sdelay $0x3  }
0x37: {  	[smem:$0x3FB7] =	sst s10  }
0x38: {  	s10 =	sld [smem:$0x3FB8]  }
0x39: {  	_ = 	snop;
	(pc) =	sbr.ind lr, $3  }
0x3a: {  	_ = 	snop  }
0x3b: {  	_ = 	snop  }
0x3c: {  	p2 =	seq.s32 s10, $0x1;
	s10 =	sld [smem:$0x3FB7]  }
0x3d: {  	_ =	shalt  }
0x3e: {  	_ =	shalt  }
0x3f: {  	_ =	shalt  }
0x40: {  	_ =	shalt  }
0x41: {  	_ =	shalt  }
0x42: {  	_ =	shalt  }
0x43: {  	_ =	shalt  }
0x44: {  	_ =	shalt  }
0x45: {  	_ =	shalt  }
0x46: {  	_ =	shalt  }
0x47: {  	_ =	shalt  }
0x48: {  	_ =	shalt  }
0x49: {  	_ =	shalt  }
0x4a: {  	_ =	shalt  }
0x4b: {  	_ =	shalt  }
0x4c: {  	_ =	shalt  }
0x4d: {  	_ =	shalt  }
0x4e: {  	_ =	shalt  }
0x4f: {  	_ =	shalt  }
0x50: {  	_ =	shalt  }
0x51: {  	_ =	shalt  }
0x52: {  	_ =	shalt  }
0x53: {  	_ =	shalt  }
0x54: {  	_ =	shalt  }
0x55: {  	_ =	shalt  }
0x56: {  	_ =	shalt  }
0x57: {  	_ =	shalt  }
0x58: {  	_ =	shalt  }
0x59: {  	_ =	shalt  }
0x5a: {  	_ =	shalt  }
0x5b: {  	_ =	shalt  }
0x5c: {  	_ =	shalt  }
0x5d: {  	_ =	shalt  }
0x5e: {  	_ =	shalt  }
0x5f: {  	_ =	shalt  }
0x60: {  	_ =	shalt  }
0x61: {  	_ =	shalt  }
0x62: {  	_ =	shalt  }
0x63: {  	_ =	shalt  }
0x64: {  	_ =	shalt  }
0x65: {  	_ =	shalt  }
0x66: {  	_ =	shalt  }
0x67: {  	_ =	shalt  }
0x68: {  	_ =	shalt  }
0x69: {  	_ =	shalt  }
0x6a: {  	_ =	shalt  }
0x6b: {  	_ =	shalt  }
0x6c: {  	_ =	shalt  }
0x6d: {  	_ =	shalt  }
0x6e: {  	_ =	shalt  }
0x6f: {  	_ =	shalt  }
0x70: {  	_ =	shalt  }
0x71: {  	_ =	shalt  }
0x72: {  	_ =	shalt  }
0x73: {  	_ =	shalt  }
0x74: {  	_ =	shalt  }
0x75: {  	_ =	shalt  }
0x76: {  	_ =	shalt  }
0x77: {  	_ =	shalt  }
0x78: {  	_ =	shalt  }
0x79: {  	_ =	shalt  }
0x7a: {  	_ =	shalt  }
0x7b: {  	_ =	shalt  }
0x7c: {  	_ =	shalt  }
0x7d: {  	_ =	shalt  }
0x7e: {  	_ =	shalt  }
0x7f: {  	_ =	shalt  }
0x80: {  	_ =	shalt  }
0x81: {  	_ =	shalt  }
0x82: {  	_ =	shalt  }
0x83: {  	_ =	shalt  }
0x84: {  	_ =	shalt  }
0x85: {  	_ =	shalt  }
0x86: {  	_ =	shalt  }
0x87: {  	_ =	shalt  }
.Lfunc_end0:
.L_simem_size_0:
called_computation.1_lowered:
.L_overlay_start_0:
0x88: {  	s2 =	sld [smem:$0x3FD9]  }
0x89: {  	s3 =	sld [smem:$0x3FFE];
	_ =	sdelay $0x1  }
0x8a: {  	s1 =	srdreg.scid  }
0x8b: {  	s0 =	sand.u32 $0x1, s1  }
0x8c: {  	s14 =	sshll.u32 s0, $0xA;
	s2 =	sadd.s32 s3, s2  }
0x8d: {  	s2 =	sadd.s32 s2, s14  }
0x8e: {  	[smem:$0x3FC3] =	sst s2  }
0x8f: {  	_ = 	snop  }
0x90: {  	s2 =	sld [smem:$0x3FD0];
	_ =	sdelay $0x2  }
0x91: {  	s15 =	simm.s32 $0xB;
	s4 =	simm.s32 $0x10  }
0x92: {  	[smem:s4], [sflag:s15] =	dma.local [hbm:s2], $0x1  }
0x93: {  	_ =	swait.eq [sflag:s15], $0x1  }
0x94: {  	[sflag:s15] =	ssyncset.done $0x0  }
0x95: {  	s16 =	sld [smem:$0x11];
	[sflag:s15] =	ssyncadd.s32 $0xFFFFFFFF  }
0x96: {  	s17 =	sld [smem:$0x12];
	(tm) =	ssettm $0x1  }
0x97: {  	s18 =	sld [smem:$0x3FFB];
	_ =	sdelay $0x3  }
0x98: {  	_ =	strace s18  }
0x99: {  	s4 =	sld [smem:$0x3FFC];
	_ =	sdelay $0x3  }
0x9a: {  	_ =	strace s4  }
0x9b: {  	s4 =	sld [smem:$0x3FFD];
	_ =	sdelay $0x3  }
0x9c: {  	_ =	strace s4  }
0x9d: {  	_ =	strace $0x8FFFFFFF  }
0x9e: {  	s19 =	sld [smem:$0x3FDB];
	_ =	sdelay $0x1  }
0x9f: {  	s5 =	simm.s32 $_scs_section_size  }
0xa0: {  	s6 =	simm.s32 $_size__tile_overlayer_lowered;
	s7 =	simm.s32 $_tile_overlayer_lowered  }
0xa1: {  	s22 =	simm.s32 $0x1BFF;
	s21 =	sshll.u32 s7, $0x1;
	s4 =	sadd.s32 s5, s19  }
0xa2: {  	s8 =	simm.s32 $0x0;
	s20 =	sshll.u32 s6, $0x1;
	s6 =	sadd.s32 s21, s4  }
0xa3: {  	[timem:s8], [sflag:s22] =	dma.local [hbm:s6], s20  }
0xa4: {  	_ =	swait.ge [sflag:s22], s20  }
0xa5: {  	s5 =	ssub.s32 $0x0, s20;
	[sflag:s22] =	ssyncset.done $0x0  }
0xa6: {  	[sflag:s22] =	ssyncadd.s32 s5;
	_ =	sdelay $0x1  }
0xa7: {  	s23 =	simm.s32 $0x1B8B  }
0xa8: {  	_ =	swait.ge [sflag:s23], $0x1  }
0xa9: {  	[sflag:s23] =	ssyncset.done $0x0  }
0xaa: {  	s25 =	simm.s32 $0x1B8E;
	s24 =	sld [smem:$0x3FFE];
	[sflag:s23] =	ssyncadd.s32 $0xFFFFFFFF  }
0xab: {  	s26 =	simm.s32 $execute0_lowered;
	[smem:$0x3FD2] =	sst s25  }
0xac: {  	s6 =	sshll.u32 s26, $0x1;
	_ =	strace $0x80000046;
	[dreg:$0x1] =	wrdreg $0xFFFFFFFF  }
0xad: {  	s28 =	simm.s32 $_size_execute0_lowered;
	s4 =	sadd.s32 s4, s6;
	[dreg:$0x0] =	wrdreg $0x0  }
0xae: {  	s6 =	sshll.u32 s28, $0x1;
	[dreg:$0x2] =	wrdreg s4  }
0xaf: {  	[dreg:$0x3] =	wrdreg s6  }
0xb0: {  	[dreg:$0x4] =	wrdreg $0xC0  }
0xb1: {  	_ =	task [dreg:s8], $0x5FFFF  }
0xb2: {  	[dreg:$0x1] =	wrdreg $0xFFFFFFFF  }
0xb3: {  	[dreg:$0x0] =	wrdreg $0x60  }
0xb4: {  	[dreg:$0x2] =	wrdreg s16  }
0xb5: {  	[dreg:$0x3] =	wrdreg s24  }
0xb6: {  	[dreg:$0x4] =	wrdreg s17  }
0xb7: {  	[dreg:$0x5] =	wrdreg $0xA  }
0xb8: {  	_ =	task.clear_ibuf [dreg:s8], $0x6FFFF;
	_ =	strace $0x90000046  }
0xb9: {  	s29 =	simm.s32 $0xA;
	_ =	strace $0x80000048  }
0xba: {  	_ =	swait.ge [sflag:s29], $0x1  }
0xbb: {  	[sflag:s29] =	ssyncadd.s32 $0xFFFFFFFF  }
0xbc: {  	_ =	strace $0x90000048  }
0xbd: {  	_ =	sfence  }
0xbe: {  	s30 =	sld [smem:$0x0];
	_ =	sdelay $0x2  }
0xbf: {  	s31 =	sshll.u32 s1, $0xD;
	s1 =	sshrl.u32 s1, $0x2  }
0xc0: {  	s3 =	sand.u32 $0x4000, s31;
	s1 =	sadd.s32 s1, s30  }
0xc1: {  	s0 =	sor.u32 s3, s0;
	s1 =	sshll.u32 s1, $0x11  }
0xc2: {  	s0 =	sor.u32 s1, s0  }
0xc3: {  	s0 =	sadd.s32 $0x8F2B, s0  }
0xc4: {  	[sflag:s0] =	ssyncadd.remote.s32 $0x1  }
0xc5: {  	_ =	sfence.sel $0xFFFF  }
0xc6: {  	[dreg:$0x0] =	wrdreg $0xFFFFFFFF;
	(pc) =	sbr.abs _section_cstart, $3  }
0xc7: {  	[dreg:$0x1] =	wrdreg $0xFFFFFFFF  }
0xc8: {  	_ =	task.clear_ibuf [dreg:s8], $0x2FFFF;
	_ =	strace $0x9FFFFFFF  }
0xc9: {  	(tm) =	ssettm $0x7FFFFFFF  }
tec
execute0_lowered:
.L_overlay_start_1:
0x0: {  	(tag) =	ssettag $0x1  }
0x1: {  	s0 =	srdreg.scid;
	s1 =	stileid.u32  }
0x2: {  	s0 =	sand.u32 $0x1, s0;
	s1 =	sshll.u32 s1, $0x1  }
0x3: {  	s1 =	sor.u32 s0, s1  }
0x4: {  	s3 =	rddreg [dreg:$0x0];
	s6 =	smul.u32 $0xC8, s1  }
0x5: {  	s4 =	rddreg [dreg:$0x1];
	s2 =	simm.s32 $0x0;
	s7 =	smul.u32 $0x32000, s1  }
0x6: {  	[smem:$0x7FF] =	sst s2;
	s1 =	smul.u32 $0x6400, s1  }
0x7: {  	s5 =	rddreg [dreg:$0x2];
	_ =	strace $0x80000047  }
0x8: {  	s4 =	sadd.s32 s6, s4;
	s8 =	sshrl.u32 s7, $0x3;
	s1 =	sadd.s32 s5, s1  }
0x9: {  	s4 =	sadd.s32 $0x3400, s4;
	s9 =	sadd.s32 s5, s8;
	[dreg:$0x5] =	wrdreg s1  }
0xa: {  	s31 =	simm.s32 $0xA0;
	[dreg:$0x4] =	wrdreg s4;
	s10 =	sadd.s32 $0x500, s9  }
0xb: {  	s30 =	simm.s32 $0xF0;
	s11 =	sadd.s32 $0xA00, s9;
	[dreg:$0x6] =	wrdreg s10  }
0xc: {  	s29 =	simm.s32 $0x140;
	s12 =	sadd.s32 $0xF00, s9;
	[dreg:$0x7] =	wrdreg s11  }
0xd: {  	s28 =	simm.s32 $0x190;
	s13 =	sadd.s32 $0x1400, s9;
	[dreg:$0x8] =	wrdreg s12  }
0xe: {  	p0 =	por $0x0, $0x0;
	s14 =	sadd.s32 $0x1900, s9;
	[dreg:$0x9] =	wrdreg s13  }
0xf: {  	s0 =	ssub.s32 $0x2, s0;
	s15 =	sadd.s32 $0x1E00, s9;
	[dreg:$0xa] =	wrdreg s14  }
0x10: {  	s24 =	sshrl.u32 s0, $0x1;
	s16 =	sadd.s32 $0x2300, s9;
	[dreg:$0xb] =	wrdreg s15  }
0x11: {  	s0 =	ssub.s32 s0, s24;
	s17 =	sadd.s32 $0x2800, s9;
	[dreg:$0xc] =	wrdreg s16  }
0x12: {  	s24 =	simm.s32 $0x280;
	s18 =	sadd.s32 $0x2D00, s9;
	[dreg:$0xd] =	wrdreg s17  }
0x13: {  	s0 =	smax.u32 s0, $0x1;
	s19 =	sadd.s32 $0x3200, s9;
	[dreg:$0xe] =	wrdreg s18  }
0x14: {  	s6 =	simm.s32 $0x2E80;
	s20 =	sadd.s32 $0x3700, s9;
	[dreg:$0xf] =	wrdreg s19  }
0x15: {  	s8 =	simm.s32 $0x2;
	s21 =	sadd.s32 $0x3C00, s9;
	[dreg:$0x10] =	wrdreg s20  }
0x16: {  	p1 =	sne.s32 s0, $0x1;
	s22 =	sadd.s32 $0x4100, s9;
	[dreg:$0x11] =	wrdreg s21  }
0x17: {  	s1 =	sadd.s32 $0xFFFFFFFF, s0;
	s23 =	sadd.s32 $0x4600, s9;
	[dreg:$0x12] =	wrdreg s22  }
0x18: {  	s25 =	sadd.s32 $0x4B00, s9;
	s26 =	sadd.s32 $0x5000, s9;
	[dreg:$0x13] =	wrdreg s23  }
0x19: {  	s7 =	sadd.s32 $0x5A00, s9;
	s5 =	sadd.s32 $0x5F00, s9;
	[dreg:$0x14] =	wrdreg s25  }
0x1a: {  	s4 =	simm.s32 $0x3;
	[dreg:$0x15] =	wrdreg s26;
	s10 =	sadd.s32 $0x5500, s9  }
0x1b: {  	s11 =	simm.s32 $0x50;
	s9 =	simm.s32 $0x680;
	s12 =	simm.s32 $0x1  }
.Ltmp0:
0x1c: {  	s26 =	simm.s32 $0x1E0;
	s25 =	simm.s32 $0x230;
	(pc) =	sbr.rel @!p1 .LBB2_3-.Ltmp0, $4  }
0x1d: {  	s23 =	simm.s32 $0x2D0;
	s22 =	simm.s32 $0x320;
	s21 =	simm.s32 $0x370  }
0x1e: {  	s20 =	simm.s32 $0x3C0;
	s19 =	simm.s32 $0x410;
	s18 =	simm.s32 $0x460  }
0x1f: {  	s17 =	simm.s32 $0x4B0;
	s16 =	simm.s32 $0x500;
	s15 =	simm.s32 $0x550  }
0x20: {  	s14 =	simm.s32 $0x5A0;
	s13 =	simm.s32 $0x5F0;
	s0 =	rddreg [dreg:$0x4]  }
0x21: {  	[tilespmem:s2], [sflag:$0x3] =	stream.linear.gather [hbm4b:s0+s2], $0x640, $0x38;
	[tilespmem:$0x5680] =	vst v63  }
0x22: {  	_ =	swait.ge [sflag:s4], $0x640  }
0x23: {  	[sflag:s4] =	ssyncset.done $0x0  }
0x24: {  	[sflag:s4] =	ssyncadd.s32 $0xFFFFF9C0  }
0x25: {  	[tilespmem:s9], [sflag:$0x1] =	stream.indirect.gather [hbm4b:s3+s11], $0x80, s2, s11, $0xb8;
	[tilespmem:$0x5680] =	vst v63  }
0x26: {  	_ = 	snop  }
0x27: {  	[tilespmem:s6], [sflag:$0x2] =	stream.indirect.gather [hbm4b:s3+s11], $0x80, s11, s11, $0xb8;
	[tilespmem:$0x5680] =	vst v63  }
0x28: {  	_ =	swait.ge [sflag:s12], $0x2800  }
0x29: {  	[sflag:s12] =	ssyncset.done $0x0  }
0x2a: {  	s0 =	rddreg [dreg:$0x5];
	[sflag:s12] =	ssyncadd.s32 $0xFFFFD800  }
0x2b: {  	[hbm4b:s0+s2] =	stream.linear.scatter [tilespmem:s9], [sflag:$0x3], $0x2800, $0x38;
	[tilespmem:$0x5680] =	vst v63  }
0x2c: {  	_ =	swait.ge [sflag:s4], $0x2800  }
0x2d: {  	[sflag:s4] =	ssyncset.done $0x0  }
0x2e: {  	[sflag:s4] =	ssyncadd.s32 $0xFFFFD800  }
0x2f: {  	[tilespmem:s9], [sflag:$0x1] =	stream.indirect.gather [hbm4b:s3+s11], $0x80, s31, s11, $0xb8;
	[tilespmem:$0x5680] =	vst v63  }
0x30: {  	_ =	swait.ge [sflag:s8], $0x2800  }
0x31: {  	[sflag:s8] =	ssyncset.done $0x0  }
0x32: {  	s0 =	rddreg [dreg:$0x6];
	[sflag:s8] =	ssyncadd.s32 $0xFFFFD800  }
0x33: {  	[hbm4b:s0+s2] =	stream.linear.scatter [tilespmem:s6], [sflag:$0x3], $0x2800, $0x38;
	[tilespmem:$0x5680] =	vst v63  }
0x34: {  	_ =	swait.ge [sflag:s4], $0x2800  }
0x35: {  	[sflag:s4] =	ssyncset.done $0x0  }
0x36: {  	[sflag:s4] =	ssyncadd.s32 $0xFFFFD800  }
0x37: {  	[tilespmem:s6], [sflag:$0x2] =	stream.indirect.gather [hbm4b:s3+s11], $0x80, s30, s11, $0xb8;
	[tilespmem:$0x5680] =	vst v63  }
0x38: {  	_ =	swait.ge [sflag:s12], $0x2800  }
0x39: {  	[sflag:s12] =	ssyncset.done $0x0  }
0x3a: {  	s0 =	rddreg [dreg:$0x7];
	[sflag:s12] =	ssyncadd.s32 $0xFFFFD800  }
0x3b: {  	[hbm4b:s0+s2] =	stream.linear.scatter [tilespmem:s9], [sflag:$0x3], $0x2800, $0x38;
	[tilespmem:$0x5680] =	vst v63  }
0x3c: {  	_ =	swait.ge [sflag:s4], $0x2800  }
0x3d: {  	[sflag:s4] =	ssyncset.done $0x0  }
0x3e: {  	[sflag:s4] =	ssyncadd.s32 $0xFFFFD800  }
0x3f: {  	[tilespmem:s9], [sflag:$0x1] =	stream.indirect.gather [hbm4b:s3+s11], $0x80, s29, s11, $0xb8;
	[tilespmem:$0x5680] =	vst v63  }
0x40: {  	_ =	swait.ge [sflag:s8], $0x2800  }
0x41: {  	[sflag:s8] =	ssyncset.done $0x0  }
0x42: {  	s0 =	rddreg [dreg:$0x8];
	[sflag:s8] =	ssyncadd.s32 $0xFFFFD800  }
0x43: {  	[hbm4b:s0+s2] =	stream.linear.scatter [tilespmem:s6], [sflag:$0x3], $0x2800, $0x38;
	[tilespmem:$0x5680] =	vst v63  }
0x44: {  	_ =	swait.ge [sflag:s4], $0x2800  }
0x45: {  	[sflag:s4] =	ssyncset.done $0x0  }
0x46: {  	[sflag:s4] =	ssyncadd.s32 $0xFFFFD800  }
0x47: {  	[tilespmem:s6], [sflag:$0x2] =	stream.indirect.gather [hbm4b:s3+s11], $0x80, s28, s11, $0xb8;
	[tilespmem:$0x5680] =	vst v63  }
0x48: {  	_ =	swait.ge [sflag:s12], $0x2800  }
0x49: {  	[sflag:s12] =	ssyncset.done $0x0  }
0x4a: {  	s0 =	rddreg [dreg:$0x9];
	[sflag:s12] =	ssyncadd.s32 $0xFFFFD800  }
0x4b: {  	[hbm4b:s0+s2] =	stream.linear.scatter [tilespmem:s9], [sflag:$0x3], $0x2800, $0x38;
	[tilespmem:$0x5680] =	vst v63  }
0x4c: {  	_ =	swait.ge [sflag:s4], $0x2800  }
0x4d: {  	[sflag:s4] =	ssyncset.done $0x0  }
0x4e: {  	[sflag:s4] =	ssyncadd.s32 $0xFFFFD800  }
0x4f: {  	[tilespmem:s9], [sflag:$0x1] =	stream.indirect.gather [hbm4b:s3+s11], $0x80, s26, s11, $0xb8;
	[tilespmem:$0x5680] =	vst v63  }
0x50: {  	_ =	swait.ge [sflag:s8], $0x2800  }
0x51: {  	[sflag:s8] =	ssyncset.done $0x0  }
0x52: {  	s0 =	rddreg [dreg:$0xa];
	[sflag:s8] =	ssyncadd.s32 $0xFFFFD800  }
0x53: {  	[hbm4b:s0+s2] =	stream.linear.scatter [tilespmem:s6], [sflag:$0x3], $0x2800, $0x38;
	[tilespmem:$0x5680] =	vst v63  }
0x54: {  	_ =	swait.ge [sflag:s4], $0x2800  }
0x55: {  	[sflag:s4] =	ssyncset.done $0x0  }
0x56: {  	[sflag:s4] =	ssyncadd.s32 $0xFFFFD800  }
0x57: {  	[tilespmem:s6], [sflag:$0x2] =	stream.indirect.gather [hbm4b:s3+s11], $0x80, s25, s11, $0xb8;
	[tilespmem:$0x5680] =	vst v63  }
0x58: {  	_ =	swait.ge [sflag:s12], $0x2800  }
0x59: {  	[sflag:s12] =	ssyncset.done $0x0  }
0x5a: {  	s0 =	rddreg [dreg:$0xb];
	[sflag:s12] =	ssyncadd.s32 $0xFFFFD800  }
0x5b: {  	[hbm4b:s0+s2] =	stream.linear.scatter [tilespmem:s9], [sflag:$0x3], $0x2800, $0x38;
	[tilespmem:$0x5680] =	vst v63  }
0x5c: {  	_ =	swait.ge [sflag:s4], $0x2800  }
0x5d: {  	[sflag:s4] =	ssyncset.done $0x0  }
0x5e: {  	[sflag:s4] =	ssyncadd.s32 $0xFFFFD800  }
0x5f: {  	[tilespmem:s9], [sflag:$0x1] =	stream.indirect.gather [hbm4b:s3+s11], $0x80, s24, s11, $0xb8;
	[tilespmem:$0x5680] =	vst v63  }
0x60: {  	_ =	swait.ge [sflag:s8], $0x2800  }
0x61: {  	[sflag:s8] =	ssyncset.done $0x0  }
0x62: {  	s0 =	rddreg [dreg:$0xc];
	[sflag:s8] =	ssyncadd.s32 $0xFFFFD800  }
0x63: {  	[hbm4b:s0+s2] =	stream.linear.scatter [tilespmem:s6], [sflag:$0x3], $0x2800, $0x38;
	[tilespmem:$0x5680] =	vst v63  }
0x64: {  	_ =	swait.ge [sflag:s4], $0x2800  }
0x65: {  	[sflag:s4] =	ssyncset.done $0x0  }
0x66: {  	[sflag:s4] =	ssyncadd.s32 $0xFFFFD800  }
0x67: {  	[tilespmem:s6], [sflag:$0x2] =	stream.indirect.gather [hbm4b:s3+s11], $0x80, s23, s11, $0xb8;
	[tilespmem:$0x5680] =	vst v63  }
0x68: {  	_ =	swait.ge [sflag:s12], $0x2800  }
0x69: {  	[sflag:s12] =	ssyncset.done $0x0  }
0x6a: {  	s0 =	rddreg [dreg:$0xd];
	[sflag:s12] =	ssyncadd.s32 $0xFFFFD800  }
0x6b: {  	[hbm4b:s0+s2] =	stream.linear.scatter [tilespmem:s9], [sflag:$0x3], $0x2800, $0x38;
	[tilespmem:$0x5680] =	vst v63  }
0x6c: {  	_ =	swait.ge [sflag:s4], $0x2800  }
0x6d: {  	[sflag:s4] =	ssyncset.done $0x0  }
0x6e: {  	[sflag:s4] =	ssyncadd.s32 $0xFFFFD800  }
0x6f: {  	[tilespmem:s9], [sflag:$0x1] =	stream.indirect.gather [hbm4b:s3+s11], $0x80, s22, s11, $0xb8;
	[tilespmem:$0x5680] =	vst v63  }
0x70: {  	_ =	swait.ge [sflag:s8], $0x2800  }
0x71: {  	[sflag:s8] =	ssyncset.done $0x0  }
0x72: {  	s0 =	rddreg [dreg:$0xe];
	[sflag:s8] =	ssyncadd.s32 $0xFFFFD800  }
0x73: {  	[hbm4b:s0+s2] =	stream.linear.scatter [tilespmem:s6], [sflag:$0x3], $0x2800, $0x38;
	[tilespmem:$0x5680] =	vst v63  }
0x74: {  	_ =	swait.ge [sflag:s4], $0x2800  }
0x75: {  	[sflag:s4] =	ssyncset.done $0x0  }
0x76: {  	[sflag:s4] =	ssyncadd.s32 $0xFFFFD800  }
0x77: {  	[tilespmem:s6], [sflag:$0x2] =	stream.indirect.gather [hbm4b:s3+s11], $0x80, s21, s11, $0xb8;
	[tilespmem:$0x5680] =	vst v63  }
0x78: {  	_ =	swait.ge [sflag:s12], $0x2800  }
0x79: {  	[sflag:s12] =	ssyncset.done $0x0  }
0x7a: {  	s0 =	rddreg [dreg:$0xf];
	[sflag:s12] =	ssyncadd.s32 $0xFFFFD800  }
0x7b: {  	[hbm4b:s0+s2] =	stream.linear.scatter [tilespmem:s9], [sflag:$0x3], $0x2800, $0x38;
	[tilespmem:$0x5680] =	vst v63  }
0x7c: {  	_ =	swait.ge [sflag:s4], $0x2800  }
0x7d: {  	[sflag:s4] =	ssyncset.done $0x0  }
0x7e: {  	[sflag:s4] =	ssyncadd.s32 $0xFFFFD800  }
0x7f: {  	[tilespmem:s9], [sflag:$0x1] =	stream.indirect.gather [hbm4b:s3+s11], $0x80, s20, s11, $0xb8;
	[tilespmem:$0x5680] =	vst v63  }
0x80: {  	_ =	swait.ge [sflag:s8], $0x2800  }
0x81: {  	[sflag:s8] =	ssyncset.done $0x0  }
0x82: {  	s0 =	rddreg [dreg:$0x10];
	[sflag:s8] =	ssyncadd.s32 $0xFFFFD800  }
0x83: {  	[hbm4b:s0+s2] =	stream.linear.scatter [tilespmem:s6], [sflag:$0x3], $0x2800, $0x38;
	[tilespmem:$0x5680] =	vst v63  }
0x84: {  	_ =	swait.ge [sflag:s4], $0x2800  }
0x85: {  	[sflag:s4] =	ssyncset.done $0x0  }
0x86: {  	[sflag:s4] =	ssyncadd.s32 $0xFFFFD800  }
0x87: {  	[tilespmem:s6], [sflag:$0x2] =	stream.indirect.gather [hbm4b:s3+s11], $0x80, s19, s11, $0xb8;
	[tilespmem:$0x5680] =	vst v63  }
0x88: {  	_ =	swait.ge [sflag:s12], $0x2800  }
0x89: {  	[sflag:s12] =	ssyncset.done $0x0  }
0x8a: {  	s0 =	rddreg [dreg:$0x11];
	[sflag:s12] =	ssyncadd.s32 $0xFFFFD800  }
0x8b: {  	[hbm4b:s0+s2] =	stream.linear.scatter [tilespmem:s9], [sflag:$0x3], $0x2800, $0x38;
	[tilespmem:$0x5680] =	vst v63  }
0x8c: {  	_ =	swait.ge [sflag:s4], $0x2800  }
0x8d: {  	[sflag:s4] =	ssyncset.done $0x0  }
0x8e: {  	[sflag:s4] =	ssyncadd.s32 $0xFFFFD800  }
0x8f: {  	[tilespmem:s9], [sflag:$0x1] =	stream.indirect.gather [hbm4b:s3+s11], $0x80, s18, s11, $0xb8;
	[tilespmem:$0x5680] =	vst v63  }
0x90: {  	_ =	swait.ge [sflag:s8], $0x2800  }
0x91: {  	[sflag:s8] =	ssyncset.done $0x0  }
0x92: {  	s0 =	rddreg [dreg:$0x12];
	[sflag:s8] =	ssyncadd.s32 $0xFFFFD800  }
0x93: {  	[hbm4b:s0+s2] =	stream.linear.scatter [tilespmem:s6], [sflag:$0x3], $0x2800, $0x38;
	[tilespmem:$0x5680] =	vst v63  }
0x94: {  	_ =	swait.ge [sflag:s4], $0x2800  }
0x95: {  	[sflag:s4] =	ssyncset.done $0x0  }
0x96: {  	[sflag:s4] =	ssyncadd.s32 $0xFFFFD800  }
0x97: {  	[tilespmem:s6], [sflag:$0x2] =	stream.indirect.gather [hbm4b:s3+s11], $0x80, s17, s11, $0xb8;
	[tilespmem:$0x5680] =	vst v63  }
0x98: {  	_ =	swait.ge [sflag:s12], $0x2800  }
0x99: {  	[sflag:s12] =	ssyncset.done $0x0  }
0x9a: {  	s0 =	rddreg [dreg:$0x13];
	[sflag:s12] =	ssyncadd.s32 $0xFFFFD800  }
0x9b: {  	[hbm4b:s0+s2] =	stream.linear.scatter [tilespmem:s9], [sflag:$0x3], $0x2800, $0x38;
	[tilespmem:$0x5680] =	vst v63  }
0x9c: {  	_ =	swait.ge [sflag:s4], $0x2800  }
0x9d: {  	[sflag:s4] =	ssyncset.done $0x0  }
0x9e: {  	[sflag:s4] =	ssyncadd.s32 $0xFFFFD800  }
0x9f: {  	[tilespmem:s9], [sflag:$0x1] =	stream.indirect.gather [hbm4b:s3+s11], $0x80, s16, s11, $0xb8;
	[tilespmem:$0x5680] =	vst v63  }
0xa0: {  	_ =	swait.ge [sflag:s8], $0x2800  }
0xa1: {  	[sflag:s8] =	ssyncset.done $0x0  }
0xa2: {  	s0 =	rddreg [dreg:$0x14];
	[sflag:s8] =	ssyncadd.s32 $0xFFFFD800  }
0xa3: {  	[hbm4b:s0+s2] =	stream.linear.scatter [tilespmem:s6], [sflag:$0x3], $0x2800, $0x38;
	[tilespmem:$0x5680] =	vst v63  }
0xa4: {  	_ =	swait.ge [sflag:s4], $0x2800  }
0xa5: {  	[sflag:s4] =	ssyncset.done $0x0  }
0xa6: {  	[sflag:s4] =	ssyncadd.s32 $0xFFFFD800  }
0xa7: {  	[tilespmem:s6], [sflag:$0x2] =	stream.indirect.gather [hbm4b:s3+s11], $0x80, s15, s11, $0xb8;
	[tilespmem:$0x5680] =	vst v63  }
0xa8: {  	_ =	swait.ge [sflag:s12], $0x2800  }
0xa9: {  	[sflag:s12] =	ssyncset.done $0x0  }
0xaa: {  	s0 =	rddreg [dreg:$0x15];
	[sflag:s12] =	ssyncadd.s32 $0xFFFFD800  }
0xab: {  	[hbm4b:s0+s2] =	stream.linear.scatter [tilespmem:s9], [sflag:$0x3], $0x2800, $0x38;
	[tilespmem:$0x5680] =	vst v63  }
0xac: {  	_ =	swait.ge [sflag:s4], $0x2800  }
0xad: {  	[sflag:s4] =	ssyncset.done $0x0  }
0xae: {  	[sflag:s4] =	ssyncadd.s32 $0xFFFFD800  }
0xaf: {  	[tilespmem:s9], [sflag:$0x1] =	stream.indirect.gather [hbm4b:s3+s11], $0x80, s14, s11, $0xb8;
	[tilespmem:$0x5680] =	vst v63  }
0xb0: {  	_ =	swait.ge [sflag:s8], $0x2800  }
0xb1: {  	[sflag:s8] =	ssyncset.done $0x0  }
0xb2: {  	[sflag:s8] =	ssyncadd.s32 $0xFFFFD800  }
0xb3: {  	[hbm4b:s10+s2] =	stream.linear.scatter [tilespmem:s6], [sflag:$0x3], $0x2800, $0x38;
	[tilespmem:$0x5680] =	vst v63  }
0xb4: {  	_ =	swait.ge [sflag:s4], $0x2800  }
0xb5: {  	[sflag:s4] =	ssyncset.done $0x0  }
0xb6: {  	[sflag:s4] =	ssyncadd.s32 $0xFFFFD800  }
0xb7: {  	[tilespmem:s6], [sflag:$0x2] =	stream.indirect.gather [hbm4b:s3+s11], $0x80, s13, s11, $0xb8;
	[tilespmem:$0x5680] =	vst v63  }
0xb8: {  	_ =	swait.ge [sflag:s12], $0x2800  }
0xb9: {  	[sflag:s12] =	ssyncset.done $0x0  }
0xba: {  	[sflag:s12] =	ssyncadd.s32 $0xFFFFD800  }
0xbb: {  	[hbm4b:s7+s2] =	stream.linear.scatter [tilespmem:s9], [sflag:$0x3], $0x2800, $0x38;
	[tilespmem:$0x5680] =	vst v63  }
0xbc: {  	_ =	swait.ge [sflag:s4], $0x2800  }
0xbd: {  	[sflag:s4] =	ssyncset.done $0x0  }
0xbe: {  	[sflag:s4] =	ssyncadd.s32 $0xFFFFD800  }
0xbf: {  	p1 =	sne.s32 s1, $0x1;
	_ =	swait.ge [sflag:s8], $0x2800  }
.Ltmp1:
0xc0: {  	[sflag:s8] =	ssyncset.done $0x0;
	(pc) =	sbr.rel @!p1 .LBB2_3-.Ltmp1, $4  }
0xc1: {  	[sflag:s8] =	ssyncadd.s32 $0xFFFFD800  }
0xc2: {  	[hbm4b:s5+s2] =	stream.linear.scatter [tilespmem:s6], [sflag:$0x3], $0x2800, $0x38;
	[tilespmem:$0x5680] =	vst v63  }
0xc3: {  	s1 =	sadd.s32 $0xFFFFFFFF, s1;
	_ =	swait.ge [sflag:s4], $0x2800  }
0xc4: {  	p0 =	por $0x1, $0x1;
	s0 =	rddreg [dreg:$0x4];
	[sflag:s4] =	ssyncset.done $0x0  }
.LBB2_2:
0xc5: {  	[sflag:s4] =	ssyncadd.s32 $0xFFFFD800  }
0xc6: {  	[tilespmem:s2], [sflag:$0x3] =	stream.linear.gather [hbm4b:s0+s2], $0x640, $0x38;
	[tilespmem:$0x5680] =	vst v63  }
0xc7: {  	_ =	swait.ge [sflag:s4], $0x640  }
0xc8: {  	[sflag:s4] =	ssyncset.done $0x0  }
0xc9: {  	[sflag:s4] =	ssyncadd.s32 $0xFFFFF9C0  }
0xca: {  	[tilespmem:s9], [sflag:$0x1] =	stream.indirect.gather [hbm4b:s3+s11], $0x80, s2, s11, $0xb8;
	[tilespmem:$0x5680] =	vst v63  }
0xcb: {  	_ = 	snop  }
0xcc: {  	[tilespmem:s6], [sflag:$0x2] =	stream.indirect.gather [hbm4b:s3+s11], $0x80, s11, s11, $0xb8;
	[tilespmem:$0x5680] =	vst v63  }
0xcd: {  	_ =	swait.ge [sflag:s12], $0x2800  }
0xce: {  	[sflag:s12] =	ssyncset.done $0x0  }
0xcf: {  	s0 =	rddreg [dreg:$0x5];
	[sflag:s12] =	ssyncadd.s32 $0xFFFFD800  }
0xd0: {  	[hbm4b:s0+s2] =	stream.linear.scatter [tilespmem:s9], [sflag:$0x3], $0x2800, $0x38;
	[tilespmem:$0x5680] =	vst v63  }
0xd1: {  	_ =	swait.ge [sflag:s4], $0x2800  }
0xd2: {  	[sflag:s4] =	ssyncset.done $0x0  }
0xd3: {  	[sflag:s4] =	ssyncadd.s32 $0xFFFFD800  }
0xd4: {  	[tilespmem:s9], [sflag:$0x1] =	stream.indirect.gather [hbm4b:s3+s11], $0x80, s31, s11, $0xb8;
	[tilespmem:$0x5680] =	vst v63  }
0xd5: {  	_ =	swait.ge [sflag:s8], $0x2800  }
0xd6: {  	[sflag:s8] =	ssyncset.done $0x0  }
0xd7: {  	s0 =	rddreg [dreg:$0x6];
	[sflag:s8] =	ssyncadd.s32 $0xFFFFD800  }
0xd8: {  	[hbm4b:s0+s2] =	stream.linear.scatter [tilespmem:s6], [sflag:$0x3], $0x2800, $0x38;
	[tilespmem:$0x5680] =	vst v63  }
0xd9: {  	_ =	swait.ge [sflag:s4], $0x2800  }
0xda: {  	[sflag:s4] =	ssyncset.done $0x0  }
0xdb: {  	[sflag:s4] =	ssyncadd.s32 $0xFFFFD800  }
0xdc: {  	[tilespmem:s6], [sflag:$0x2] =	stream.indirect.gather [hbm4b:s3+s11], $0x80, s30, s11, $0xb8;
	[tilespmem:$0x5680] =	vst v63  }
0xdd: {  	_ =	swait.ge [sflag:s12], $0x2800  }
0xde: {  	[sflag:s12] =	ssyncset.done $0x0  }
0xdf: {  	s0 =	rddreg [dreg:$0x7];
	[sflag:s12] =	ssyncadd.s32 $0xFFFFD800  }
0xe0: {  	[hbm4b:s0+s2] =	stream.linear.scatter [tilespmem:s9], [sflag:$0x3], $0x2800, $0x38;
	[tilespmem:$0x5680] =	vst v63  }
0xe1: {  	_ =	swait.ge [sflag:s4], $0x2800  }
0xe2: {  	[sflag:s4] =	ssyncset.done $0x0  }
0xe3: {  	[sflag:s4] =	ssyncadd.s32 $0xFFFFD800  }
0xe4: {  	[tilespmem:s9], [sflag:$0x1] =	stream.indirect.gather [hbm4b:s3+s11], $0x80, s29, s11, $0xb8;
	[tilespmem:$0x5680] =	vst v63  }
0xe5: {  	_ =	swait.ge [sflag:s8], $0x2800  }
0xe6: {  	[sflag:s8] =	ssyncset.done $0x0  }
0xe7: {  	s0 =	rddreg [dreg:$0x8];
	[sflag:s8] =	ssyncadd.s32 $0xFFFFD800  }
0xe8: {  	[hbm4b:s0+s2] =	stream.linear.scatter [tilespmem:s6], [sflag:$0x3], $0x2800, $0x38;
	[tilespmem:$0x5680] =	vst v63  }
0xe9: {  	_ =	swait.ge [sflag:s4], $0x2800  }
0xea: {  	[sflag:s4] =	ssyncset.done $0x0  }
0xeb: {  	[sflag:s4] =	ssyncadd.s32 $0xFFFFD800  }
0xec: {  	[tilespmem:s6], [sflag:$0x2] =	stream.indirect.gather [hbm4b:s3+s11], $0x80, s28, s11, $0xb8;
	[tilespmem:$0x5680] =	vst v63  }
0xed: {  	_ =	swait.ge [sflag:s12], $0x2800  }
0xee: {  	[sflag:s12] =	ssyncset.done $0x0  }
0xef: {  	s0 =	rddreg [dreg:$0x9];
	[sflag:s12] =	ssyncadd.s32 $0xFFFFD800  }
0xf0: {  	[hbm4b:s0+s2] =	stream.linear.scatter [tilespmem:s9], [sflag:$0x3], $0x2800, $0x38;
	[tilespmem:$0x5680] =	vst v63  }
0xf1: {  	_ =	swait.ge [sflag:s4], $0x2800  }
0xf2: {  	[sflag:s4] =	ssyncset.done $0x0  }
0xf3: {  	[sflag:s4] =	ssyncadd.s32 $0xFFFFD800  }
0xf4: {  	[tilespmem:s9], [sflag:$0x1] =	stream.indirect.gather [hbm4b:s3+s11], $0x80, s26, s11, $0xb8;
	[tilespmem:$0x5680] =	vst v63  }
0xf5: {  	_ =	swait.ge [sflag:s8], $0x2800  }
0xf6: {  	[sflag:s8] =	ssyncset.done $0x0  }
0xf7: {  	s0 =	rddreg [dreg:$0xa];
	[sflag:s8] =	ssyncadd.s32 $0xFFFFD800  }
0xf8: {  	[hbm4b:s0+s2] =	stream.linear.scatter [tilespmem:s6], [sflag:$0x3], $0x2800, $0x38;
	[tilespmem:$0x5680] =	vst v63  }
0xf9: {  	_ =	swait.ge [sflag:s4], $0x2800  }
0xfa: {  	[sflag:s4] =	ssyncset.done $0x0  }
0xfb: {  	[sflag:s4] =	ssyncadd.s32 $0xFFFFD800  }
0xfc: {  	[tilespmem:s6], [sflag:$0x2] =	stream.indirect.gather [hbm4b:s3+s11], $0x80, s25, s11, $0xb8;
	[tilespmem:$0x5680] =	vst v63  }
0xfd: {  	_ =	swait.ge [sflag:s12], $0x2800  }
0xfe: {  	[sflag:s12] =	ssyncset.done $0x0  }
0xff: {  	s0 =	rddreg [dreg:$0xb];
	[sflag:s12] =	ssyncadd.s32 $0xFFFFD800  }
0x100: {  	[hbm4b:s0+s2] =	stream.linear.scatter [tilespmem:s9], [sflag:$0x3], $0x2800, $0x38;
	[tilespmem:$0x5680] =	vst v63  }
0x101: {  	_ =	swait.ge [sflag:s4], $0x2800  }
0x102: {  	[sflag:s4] =	ssyncset.done $0x0  }
0x103: {  	[sflag:s4] =	ssyncadd.s32 $0xFFFFD800  }
0x104: {  	[tilespmem:s9], [sflag:$0x1] =	stream.indirect.gather [hbm4b:s3+s11], $0x80, s24, s11, $0xb8;
	[tilespmem:$0x5680] =	vst v63  }
0x105: {  	_ =	swait.ge [sflag:s8], $0x2800  }
0x106: {  	[sflag:s8] =	ssyncset.done $0x0  }
0x107: {  	s0 =	rddreg [dreg:$0xc];
	[sflag:s8] =	ssyncadd.s32 $0xFFFFD800  }
0x108: {  	[hbm4b:s0+s2] =	stream.linear.scatter [tilespmem:s6], [sflag:$0x3], $0x2800, $0x38;
	[tilespmem:$0x5680] =	vst v63  }
0x109: {  	_ =	swait.ge [sflag:s4], $0x2800  }
0x10a: {  	[sflag:s4] =	ssyncset.done $0x0  }
0x10b: {  	[sflag:s4] =	ssyncadd.s32 $0xFFFFD800  }
0x10c: {  	[tilespmem:s6], [sflag:$0x2] =	stream.indirect.gather [hbm4b:s3+s11], $0x80, s23, s11, $0xb8;
	[tilespmem:$0x5680] =	vst v63  }
0x10d: {  	_ =	swait.ge [sflag:s12], $0x2800  }
0x10e: {  	[sflag:s12] =	ssyncset.done $0x0  }
0x10f: {  	s0 =	rddreg [dreg:$0xd];
	[sflag:s12] =	ssyncadd.s32 $0xFFFFD800  }
0x110: {  	[hbm4b:s0+s2] =	stream.linear.scatter [tilespmem:s9], [sflag:$0x3], $0x2800, $0x38;
	[tilespmem:$0x5680] =	vst v63  }
0x111: {  	_ =	swait.ge [sflag:s4], $0x2800  }
0x112: {  	[sflag:s4] =	ssyncset.done $0x0  }
0x113: {  	[sflag:s4] =	ssyncadd.s32 $0xFFFFD800  }
0x114: {  	[tilespmem:s9], [sflag:$0x1] =	stream.indirect.gather [hbm4b:s3+s11], $0x80, s22, s11, $0xb8;
	[tilespmem:$0x5680] =	vst v63  }
0x115: {  	_ =	swait.ge [sflag:s8], $0x2800  }
0x116: {  	[sflag:s8] =	ssyncset.done $0x0  }
0x117: {  	s0 =	rddreg [dreg:$0xe];
	[sflag:s8] =	ssyncadd.s32 $0xFFFFD800  }
0x118: {  	[hbm4b:s0+s2] =	stream.linear.scatter [tilespmem:s6], [sflag:$0x3], $0x2800, $0x38;
	[tilespmem:$0x5680] =	vst v63  }
0x119: {  	_ =	swait.ge [sflag:s4], $0x2800  }
0x11a: {  	[sflag:s4] =	ssyncset.done $0x0  }
0x11b: {  	[sflag:s4] =	ssyncadd.s32 $0xFFFFD800  }
0x11c: {  	[tilespmem:s6], [sflag:$0x2] =	stream.indirect.gather [hbm4b:s3+s11], $0x80, s21, s11, $0xb8;
	[tilespmem:$0x5680] =	vst v63  }
0x11d: {  	_ =	swait.ge [sflag:s12], $0x2800  }
0x11e: {  	[sflag:s12] =	ssyncset.done $0x0  }
0x11f: {  	s0 =	rddreg [dreg:$0xf];
	[sflag:s12] =	ssyncadd.s32 $0xFFFFD800  }
0x120: {  	[hbm4b:s0+s2] =	stream.linear.scatter [tilespmem:s9], [sflag:$0x3], $0x2800, $0x38;
	[tilespmem:$0x5680] =	vst v63  }
0x121: {  	_ =	swait.ge [sflag:s4], $0x2800  }
0x122: {  	[sflag:s4] =	ssyncset.done $0x0  }
0x123: {  	[sflag:s4] =	ssyncadd.s32 $0xFFFFD800  }
0x124: {  	[tilespmem:s9], [sflag:$0x1] =	stream.indirect.gather [hbm4b:s3+s11], $0x80, s20, s11, $0xb8;
	[tilespmem:$0x5680] =	vst v63  }
0x125: {  	_ =	swait.ge [sflag:s8], $0x2800  }
0x126: {  	[sflag:s8] =	ssyncset.done $0x0  }
0x127: {  	s0 =	rddreg [dreg:$0x10];
	[sflag:s8] =	ssyncadd.s32 $0xFFFFD800  }
0x128: {  	[hbm4b:s0+s2] =	stream.linear.scatter [tilespmem:s6], [sflag:$0x3], $0x2800, $0x38;
	[tilespmem:$0x5680] =	vst v63  }
0x129: {  	_ =	swait.ge [sflag:s4], $0x2800  }
0x12a: {  	[sflag:s4] =	ssyncset.done $0x0  }
0x12b: {  	[sflag:s4] =	ssyncadd.s32 $0xFFFFD800  }
0x12c: {  	[tilespmem:s6], [sflag:$0x2] =	stream.indirect.gather [hbm4b:s3+s11], $0x80, s19, s11, $0xb8;
	[tilespmem:$0x5680] =	vst v63  }
0x12d: {  	_ =	swait.ge [sflag:s12], $0x2800  }
0x12e: {  	[sflag:s12] =	ssyncset.done $0x0  }
0x12f: {  	s0 =	rddreg [dreg:$0x11];
	[sflag:s12] =	ssyncadd.s32 $0xFFFFD800  }
0x130: {  	[hbm4b:s0+s2] =	stream.linear.scatter [tilespmem:s9], [sflag:$0x3], $0x2800, $0x38;
	[tilespmem:$0x5680] =	vst v63  }
0x131: {  	_ =	swait.ge [sflag:s4], $0x2800  }
0x132: {  	[sflag:s4] =	ssyncset.done $0x0  }
0x133: {  	[sflag:s4] =	ssyncadd.s32 $0xFFFFD800  }
0x134: {  	[tilespmem:s9], [sflag:$0x1] =	stream.indirect.gather [hbm4b:s3+s11], $0x80, s18, s11, $0xb8;
	[tilespmem:$0x5680] =	vst v63  }
0x135: {  	_ =	swait.ge [sflag:s8], $0x2800  }
0x136: {  	[sflag:s8] =	ssyncset.done $0x0  }
0x137: {  	s0 =	rddreg [dreg:$0x12];
	[sflag:s8] =	ssyncadd.s32 $0xFFFFD800  }
0x138: {  	[hbm4b:s0+s2] =	stream.linear.scatter [tilespmem:s6], [sflag:$0x3], $0x2800, $0x38;
	[tilespmem:$0x5680] =	vst v63  }
0x139: {  	_ =	swait.ge [sflag:s4], $0x2800  }
0x13a: {  	[sflag:s4] =	ssyncset.done $0x0  }
0x13b: {  	[sflag:s4] =	ssyncadd.s32 $0xFFFFD800  }
0x13c: {  	[tilespmem:s6], [sflag:$0x2] =	stream.indirect.gather [hbm4b:s3+s11], $0x80, s17, s11, $0xb8;
	[tilespmem:$0x5680] =	vst v63  }
0x13d: {  	_ =	swait.ge [sflag:s12], $0x2800  }
0x13e: {  	[sflag:s12] =	ssyncset.done $0x0  }
0x13f: {  	s0 =	rddreg [dreg:$0x13];
	[sflag:s12] =	ssyncadd.s32 $0xFFFFD800  }
0x140: {  	[hbm4b:s0+s2] =	stream.linear.scatter [tilespmem:s9], [sflag:$0x3], $0x2800, $0x38;
	[tilespmem:$0x5680] =	vst v63  }
0x141: {  	_ =	swait.ge [sflag:s4], $0x2800  }
0x142: {  	[sflag:s4] =	ssyncset.done $0x0  }
0x143: {  	[sflag:s4] =	ssyncadd.s32 $0xFFFFD800  }
0x144: {  	[tilespmem:s9], [sflag:$0x1] =	stream.indirect.gather [hbm4b:s3+s11], $0x80, s16, s11, $0xb8;
	[tilespmem:$0x5680] =	vst v63  }
0x145: {  	_ =	swait.ge [sflag:s8], $0x2800  }
0x146: {  	[sflag:s8] =	ssyncset.done $0x0  }
0x147: {  	s0 =	rddreg [dreg:$0x14];
	[sflag:s8] =	ssyncadd.s32 $0xFFFFD800  }
0x148: {  	[hbm4b:s0+s2] =	stream.linear.scatter [tilespmem:s6], [sflag:$0x3], $0x2800, $0x38;
	[tilespmem:$0x5680] =	vst v63  }
0x149: {  	_ =	swait.ge [sflag:s4], $0x2800  }
0x14a: {  	[sflag:s4] =	ssyncset.done $0x0  }
0x14b: {  	[sflag:s4] =	ssyncadd.s32 $0xFFFFD800  }
0x14c: {  	[tilespmem:s6], [sflag:$0x2] =	stream.indirect.gather [hbm4b:s3+s11], $0x80, s15, s11, $0xb8;
	[tilespmem:$0x5680] =	vst v63  }
0x14d: {  	_ =	swait.ge [sflag:s12], $0x2800  }
0x14e: {  	[sflag:s12] =	ssyncset.done $0x0  }
0x14f: {  	s0 =	rddreg [dreg:$0x15];
	[sflag:s12] =	ssyncadd.s32 $0xFFFFD800  }
0x150: {  	[hbm4b:s0+s2] =	stream.linear.scatter [tilespmem:s9], [sflag:$0x3], $0x2800, $0x38;
	[tilespmem:$0x5680] =	vst v63  }
0x151: {  	_ =	swait.ge [sflag:s4], $0x2800  }
0x152: {  	[sflag:s4] =	ssyncset.done $0x0  }
0x153: {  	[sflag:s4] =	ssyncadd.s32 $0xFFFFD800  }
0x154: {  	[tilespmem:s9], [sflag:$0x1] =	stream.indirect.gather [hbm4b:s3+s11], $0x80, s14, s11, $0xb8;
	[tilespmem:$0x5680] =	vst v63  }
0x155: {  	_ =	swait.ge [sflag:s8], $0x2800  }
0x156: {  	[sflag:s8] =	ssyncset.done $0x0  }
0x157: {  	[sflag:s8] =	ssyncadd.s32 $0xFFFFD800  }
0x158: {  	[hbm4b:s10+s2] =	stream.linear.scatter [tilespmem:s6], [sflag:$0x3], $0x2800, $0x38;
	[tilespmem:$0x5680] =	vst v63  }
0x159: {  	_ =	swait.ge [sflag:s4], $0x2800  }
0x15a: {  	[sflag:s4] =	ssyncset.done $0x0  }
0x15b: {  	[sflag:s4] =	ssyncadd.s32 $0xFFFFD800  }
0x15c: {  	[tilespmem:s6], [sflag:$0x2] =	stream.indirect.gather [hbm4b:s3+s11], $0x80, s13, s11, $0xb8;
	[tilespmem:$0x5680] =	vst v63  }
0x15d: {  	_ =	swait.ge [sflag:s12], $0x2800  }
0x15e: {  	[sflag:s12] =	ssyncset.done $0x0  }
0x15f: {  	[sflag:s12] =	ssyncadd.s32 $0xFFFFD800  }
0x160: {  	[hbm4b:s7+s2] =	stream.linear.scatter [tilespmem:s9], [sflag:$0x3], $0x2800, $0x38;
	[tilespmem:$0x5680] =	vst v63  }
0x161: {  	_ =	swait.ge [sflag:s4], $0x2800  }
0x162: {  	[sflag:s4] =	ssyncset.done $0x0  }
0x163: {  	[sflag:s4] =	ssyncadd.s32 $0xFFFFD800  }
0x164: {  	p1 =	sne.s32 s1, $0x1;
	_ =	swait.ge [sflag:s8], $0x2800  }
.Ltmp2:
0x165: {  	[sflag:s8] =	ssyncset.done $0x0;
	(pc) =	sbr.rel @p1 .LBB2_2-.Ltmp2, $4  }
0x166: {  	[sflag:s8] =	ssyncadd.s32 $0xFFFFD800  }
0x167: {  	[hbm4b:s5+s2] =	stream.linear.scatter [tilespmem:s6], [sflag:$0x3], $0x2800, $0x38;
	[tilespmem:$0x5680] =	vst v63  }
0x168: {  	_ =	swait.ge [sflag:s4], $0x2800  }
0x169: {  	s1 =	sadd.s32 $0xFFFFFFFF, s1;
	s0 =	rddreg [dreg:$0x4];
	[sflag:s4] =	ssyncset.done $0x0  }
.LBB2_3:
0x16a: {  	[sflag:s4] =	ssyncadd.s32 @p0 $0xFFFFD800  }
0x16b: {  	[tilespmem:s2], [sflag:$0x3] =	stream.linear.gather [hbm4b:s0+s2], $0x640, $0x38;
	[tilespmem:$0x5680] =	vst v63  }
0x16c: {  	_ =	swait.ge [sflag:s4], $0x640  }
0x16d: {  	[sflag:s4] =	ssyncset.done $0x0  }
0x16e: {  	[sflag:s4] =	ssyncadd.s32 $0xFFFFF9C0  }
0x16f: {  	[tilespmem:s9], [sflag:$0x1] =	stream.indirect.gather [hbm4b:s3+s11], $0x80, s2, s11, $0xb8;
	[tilespmem:$0x5680] =	vst v63  }
0x170: {  	_ = 	snop  }
0x171: {  	[tilespmem:s6], [sflag:$0x2] =	stream.indirect.gather [hbm4b:s3+s11], $0x80, s11, s11, $0xb8;
	[tilespmem:$0x5680] =	vst v63  }
0x172: {  	_ =	swait.ge [sflag:s12], $0x2800  }
0x173: {  	[sflag:s12] =	ssyncset.done $0x0  }
0x174: {  	s1 =	rddreg [dreg:$0x5];
	[sflag:s12] =	ssyncadd.s32 $0xFFFFD800  }
0x175: {  	[hbm4b:s1+s2] =	stream.linear.scatter [tilespmem:s9], [sflag:$0x3], $0x2800, $0x38;
	[tilespmem:$0x5680] =	vst v63  }
0x176: {  	_ =	swait.ge [sflag:s4], $0x2800  }
0x177: {  	[sflag:s4] =	ssyncset.done $0x0  }
0x178: {  	[sflag:s4] =	ssyncadd.s32 $0xFFFFD800  }
0x179: {  	[tilespmem:s9], [sflag:$0x1] =	stream.indirect.gather [hbm4b:s3+s11], $0x80, s31, s11, $0xb8;
	[tilespmem:$0x5680] =	vst v63  }
0x17a: {  	_ =	swait.ge [sflag:s8], $0x2800  }
0x17b: {  	[sflag:s8] =	ssyncset.done $0x0  }
0x17c: {  	s1 =	rddreg [dreg:$0x6];
	[sflag:s8] =	ssyncadd.s32 $0xFFFFD800  }
0x17d: {  	[hbm4b:s1+s2] =	stream.linear.scatter [tilespmem:s6], [sflag:$0x3], $0x2800, $0x38;
	[tilespmem:$0x5680] =	vst v63  }
0x17e: {  	_ =	swait.ge [sflag:s4], $0x2800  }
0x17f: {  	[sflag:s4] =	ssyncset.done $0x0  }
0x180: {  	[sflag:s4] =	ssyncadd.s32 $0xFFFFD800  }
0x181: {  	[tilespmem:s6], [sflag:$0x2] =	stream.indirect.gather [hbm4b:s3+s11], $0x80, s30, s11, $0xb8;
	[tilespmem:$0x5680] =	vst v63  }
0x182: {  	_ =	swait.ge [sflag:s12], $0x2800  }
0x183: {  	[sflag:s12] =	ssyncset.done $0x0  }
0x184: {  	s31 =	rddreg [dreg:$0x7];
	[sflag:s12] =	ssyncadd.s32 $0xFFFFD800  }
0x185: {  	[hbm4b:s31+s2] =	stream.linear.scatter [tilespmem:s9], [sflag:$0x3], $0x2800, $0x38;
	[tilespmem:$0x5680] =	vst v63  }
0x186: {  	_ =	swait.ge [sflag:s4], $0x2800  }
0x187: {  	[sflag:s4] =	ssyncset.done $0x0  }
0x188: {  	[sflag:s4] =	ssyncadd.s32 $0xFFFFD800  }
0x189: {  	[tilespmem:s9], [sflag:$0x1] =	stream.indirect.gather [hbm4b:s3+s11], $0x80, s29, s11, $0xb8;
	[tilespmem:$0x5680] =	vst v63  }
0x18a: {  	_ =	swait.ge [sflag:s8], $0x2800  }
0x18b: {  	[sflag:s8] =	ssyncset.done $0x0  }
0x18c: {  	s1 =	rddreg [dreg:$0x8];
	[sflag:s8] =	ssyncadd.s32 $0xFFFFD800  }
0x18d: {  	[hbm4b:s1+s2] =	stream.linear.scatter [tilespmem:s6], [sflag:$0x3], $0x2800, $0x38;
	[tilespmem:$0x5680] =	vst v63  }
0x18e: {  	_ =	swait.ge [sflag:s4], $0x2800  }
0x18f: {  	[sflag:s4] =	ssyncset.done $0x0  }
0x190: {  	[sflag:s4] =	ssyncadd.s32 $0xFFFFD800  }
0x191: {  	[tilespmem:s6], [sflag:$0x2] =	stream.indirect.gather [hbm4b:s3+s11], $0x80, s28, s11, $0xb8;
	[tilespmem:$0x5680] =	vst v63  }
0x192: {  	_ =	swait.ge [sflag:s12], $0x2800  }
0x193: {  	[sflag:s12] =	ssyncset.done $0x0  }
0x194: {  	s28 =	rddreg [dreg:$0x9];
	[sflag:s12] =	ssyncadd.s32 $0xFFFFD800  }
0x195: {  	[hbm4b:s28+s2] =	stream.linear.scatter [tilespmem:s9], [sflag:$0x3], $0x2800, $0x38;
	[tilespmem:$0x5680] =	vst v63  }
0x196: {  	_ =	swait.ge [sflag:s4], $0x2800  }
0x197: {  	[sflag:s4] =	ssyncset.done $0x0  }
0x198: {  	[sflag:s4] =	ssyncadd.s32 $0xFFFFD800  }
0x199: {  	[tilespmem:s9], [sflag:$0x1] =	stream.indirect.gather [hbm4b:s3+s11], $0x80, s26, s11, $0xb8;
	[tilespmem:$0x5680] =	vst v63  }
0x19a: {  	_ =	swait.ge [sflag:s8], $0x2800  }
0x19b: {  	[sflag:s8] =	ssyncset.done $0x0  }
0x19c: {  	s29 =	rddreg [dreg:$0xa];
	[sflag:s8] =	ssyncadd.s32 $0xFFFFD800  }
0x19d: {  	[hbm4b:s29+s2] =	stream.linear.scatter [tilespmem:s6], [sflag:$0x3], $0x2800, $0x38;
	[tilespmem:$0x5680] =	vst v63  }
0x19e: {  	_ =	swait.ge [sflag:s4], $0x2800  }
0x19f: {  	[sflag:s4] =	ssyncset.done $0x0  }
0x1a0: {  	[sflag:s4] =	ssyncadd.s32 $0xFFFFD800  }
0x1a1: {  	[tilespmem:s6], [sflag:$0x2] =	stream.indirect.gather [hbm4b:s3+s11], $0x80, s25, s11, $0xb8;
	[tilespmem:$0x5680] =	vst v63  }
0x1a2: {  	_ =	swait.ge [sflag:s12], $0x2800  }
0x1a3: {  	[sflag:s12] =	ssyncset.done $0x0  }
0x1a4: {  	s30 =	rddreg [dreg:$0xb];
	[sflag:s12] =	ssyncadd.s32 $0xFFFFD800  }
0x1a5: {  	[hbm4b:s30+s2] =	stream.linear.scatter [tilespmem:s9], [sflag:$0x3], $0x2800, $0x38;
	[tilespmem:$0x5680] =	vst v63  }
0x1a6: {  	_ =	swait.ge [sflag:s4], $0x2800  }
0x1a7: {  	[sflag:s4] =	ssyncset.done $0x0  }
0x1a8: {  	[sflag:s4] =	ssyncadd.s32 $0xFFFFD800  }
0x1a9: {  	[tilespmem:s9], [sflag:$0x1] =	stream.indirect.gather [hbm4b:s3+s11], $0x80, s24, s11, $0xb8;
	[tilespmem:$0x5680] =	vst v63  }
0x1aa: {  	_ =	swait.ge [sflag:s8], $0x2800  }
0x1ab: {  	[sflag:s8] =	ssyncset.done $0x0  }
0x1ac: {  	s31 =	rddreg [dreg:$0xc];
	[sflag:s8] =	ssyncadd.s32 $0xFFFFD800  }
0x1ad: {  	[hbm4b:s31+s2] =	stream.linear.scatter [tilespmem:s6], [sflag:$0x3], $0x2800, $0x38;
	[tilespmem:$0x5680] =	vst v63  }
0x1ae: {  	_ =	swait.ge [sflag:s4], $0x2800  }
0x1af: {  	[sflag:s4] =	ssyncset.done $0x0  }
0x1b0: {  	[sflag:s4] =	ssyncadd.s32 $0xFFFFD800  }
0x1b1: {  	[tilespmem:s6], [sflag:$0x2] =	stream.indirect.gather [hbm4b:s3+s11], $0x80, s23, s11, $0xb8;
	[tilespmem:$0x5680] =	vst v63  }
0x1b2: {  	_ =	swait.ge [sflag:s12], $0x2800  }
0x1b3: {  	[sflag:s12] =	ssyncset.done $0x0  }
0x1b4: {  	s1 =	rddreg [dreg:$0xd];
	[sflag:s12] =	ssyncadd.s32 $0xFFFFD800  }
0x1b5: {  	[hbm4b:s1+s2] =	stream.linear.scatter [tilespmem:s9], [sflag:$0x3], $0x2800, $0x38;
	[tilespmem:$0x5680] =	vst v63  }
0x1b6: {  	_ =	swait.ge [sflag:s4], $0x2800  }
0x1b7: {  	[sflag:s4] =	ssyncset.done $0x0  }
0x1b8: {  	[sflag:s4] =	ssyncadd.s32 $0xFFFFD800  }
0x1b9: {  	[tilespmem:s9], [sflag:$0x1] =	stream.indirect.gather [hbm4b:s3+s11], $0x80, s22, s11, $0xb8;
	[tilespmem:$0x5680] =	vst v63  }
0x1ba: {  	_ =	swait.ge [sflag:s8], $0x2800  }
0x1bb: {  	[sflag:s8] =	ssyncset.done $0x0  }
0x1bc: {  	s22 =	rddreg [dreg:$0xe];
	[sflag:s8] =	ssyncadd.s32 $0xFFFFD800  }
0x1bd: {  	[hbm4b:s22+s2] =	stream.linear.scatter [tilespmem:s6], [sflag:$0x3], $0x2800, $0x38;
	[tilespmem:$0x5680] =	vst v63  }
0x1be: {  	_ =	swait.ge [sflag:s4], $0x2800  }
0x1bf: {  	[sflag:s4] =	ssyncset.done $0x0  }
0x1c0: {  	[sflag:s4] =	ssyncadd.s32 $0xFFFFD800  }
0x1c1: {  	[tilespmem:s6], [sflag:$0x2] =	stream.indirect.gather [hbm4b:s3+s11], $0x80, s21, s11, $0xb8;
	[tilespmem:$0x5680] =	vst v63  }
0x1c2: {  	_ =	swait.ge [sflag:s12], $0x2800  }
0x1c3: {  	[sflag:s12] =	ssyncset.done $0x0  }
0x1c4: {  	s23 =	rddreg [dreg:$0xf];
	[sflag:s12] =	ssyncadd.s32 $0xFFFFD800  }
0x1c5: {  	[hbm4b:s23+s2] =	stream.linear.scatter [tilespmem:s9], [sflag:$0x3], $0x2800, $0x38;
	[tilespmem:$0x5680] =	vst v63  }
0x1c6: {  	_ =	swait.ge [sflag:s4], $0x2800  }
0x1c7: {  	[sflag:s4] =	ssyncset.done $0x0  }
0x1c8: {  	[sflag:s4] =	ssyncadd.s32 $0xFFFFD800  }
0x1c9: {  	[tilespmem:s9], [sflag:$0x1] =	stream.indirect.gather [hbm4b:s3+s11], $0x80, s20, s11, $0xb8;
	[tilespmem:$0x5680] =	vst v63  }
0x1ca: {  	_ =	swait.ge [sflag:s8], $0x2800  }
0x1cb: {  	[sflag:s8] =	ssyncset.done $0x0  }
0x1cc: {  	s24 =	rddreg [dreg:$0x10];
	[sflag:s8] =	ssyncadd.s32 $0xFFFFD800  }
0x1cd: {  	[hbm4b:s24+s2] =	stream.linear.scatter [tilespmem:s6], [sflag:$0x3], $0x2800, $0x38;
	[tilespmem:$0x5680] =	vst v63  }
0x1ce: {  	_ =	swait.ge [sflag:s4], $0x2800  }
0x1cf: {  	[sflag:s4] =	ssyncset.done $0x0  }
0x1d0: {  	[sflag:s4] =	ssyncadd.s32 $0xFFFFD800  }
0x1d1: {  	[tilespmem:s6], [sflag:$0x2] =	stream.indirect.gather [hbm4b:s3+s11], $0x80, s19, s11, $0xb8;
	[tilespmem:$0x5680] =	vst v63  }
0x1d2: {  	_ =	swait.ge [sflag:s12], $0x2800  }
0x1d3: {  	[sflag:s12] =	ssyncset.done $0x0  }
0x1d4: {  	s25 =	rddreg [dreg:$0x11];
	[sflag:s12] =	ssyncadd.s32 $0xFFFFD800  }
0x1d5: {  	[hbm4b:s25+s2] =	stream.linear.scatter [tilespmem:s9], [sflag:$0x3], $0x2800, $0x38;
	[tilespmem:$0x5680] =	vst v63  }
0x1d6: {  	_ =	swait.ge [sflag:s4], $0x2800  }
0x1d7: {  	[sflag:s4] =	ssyncset.done $0x0  }
0x1d8: {  	[sflag:s4] =	ssyncadd.s32 $0xFFFFD800  }
0x1d9: {  	[tilespmem:s9], [sflag:$0x1] =	stream.indirect.gather [hbm4b:s3+s11], $0x80, s18, s11, $0xb8;
	[tilespmem:$0x5680] =	vst v63  }
0x1da: {  	_ =	swait.ge [sflag:s8], $0x2800  }
0x1db: {  	[sflag:s8] =	ssyncset.done $0x0  }
0x1dc: {  	s26 =	rddreg [dreg:$0x12];
	[sflag:s8] =	ssyncadd.s32 $0xFFFFD800  }
0x1dd: {  	[hbm4b:s26+s2] =	stream.linear.scatter [tilespmem:s6], [sflag:$0x3], $0x2800, $0x38;
	[tilespmem:$0x5680] =	vst v63  }
0x1de: {  	_ =	swait.ge [sflag:s4], $0x2800  }
0x1df: {  	[sflag:s4] =	ssyncset.done $0x0  }
0x1e0: {  	[sflag:s4] =	ssyncadd.s32 $0xFFFFD800  }
0x1e1: {  	[tilespmem:s6], [sflag:$0x2] =	stream.indirect.gather [hbm4b:s3+s11], $0x80, s17, s11, $0xb8;
	[tilespmem:$0x5680] =	vst v63  }
0x1e2: {  	_ =	swait.ge [sflag:s12], $0x2800  }
0x1e3: {  	[sflag:s12] =	ssyncset.done $0x0  }
0x1e4: {  	s28 =	rddreg [dreg:$0x13];
	[sflag:s12] =	ssyncadd.s32 $0xFFFFD800  }
0x1e5: {  	[hbm4b:s28+s2] =	stream.linear.scatter [tilespmem:s9], [sflag:$0x3], $0x2800, $0x38;
	[tilespmem:$0x5680] =	vst v63  }
0x1e6: {  	_ =	swait.ge [sflag:s4], $0x2800  }
0x1e7: {  	[sflag:s4] =	ssyncset.done $0x0  }
0x1e8: {  	[sflag:s4] =	ssyncadd.s32 $0xFFFFD800  }
0x1e9: {  	[tilespmem:s9], [sflag:$0x1] =	stream.indirect.gather [hbm4b:s3+s11], $0x80, s16, s11, $0xb8;
	[tilespmem:$0x5680] =	vst v63  }
0x1ea: {  	_ =	swait.ge [sflag:s8], $0x2800  }
0x1eb: {  	[sflag:s8] =	ssyncset.done $0x0  }
0x1ec: {  	s29 =	rddreg [dreg:$0x14];
	[sflag:s8] =	ssyncadd.s32 $0xFFFFD800  }
0x1ed: {  	[hbm4b:s29+s2] =	stream.linear.scatter [tilespmem:s6], [sflag:$0x3], $0x2800, $0x38;
	[tilespmem:$0x5680] =	vst v63  }
0x1ee: {  	_ =	swait.ge [sflag:s4], $0x2800  }
0x1ef: {  	[sflag:s4] =	ssyncset.done $0x0  }
0x1f0: {  	[sflag:s4] =	ssyncadd.s32 $0xFFFFD800  }
0x1f1: {  	[tilespmem:s6], [sflag:$0x2] =	stream.indirect.gather [hbm4b:s3+s11], $0x80, s15, s11, $0xb8;
	[tilespmem:$0x5680] =	vst v63  }
0x1f2: {  	_ =	swait.ge [sflag:s12], $0x2800  }
0x1f3: {  	[sflag:s12] =	ssyncset.done $0x0  }
0x1f4: {  	s30 =	rddreg [dreg:$0x15];
	[sflag:s12] =	ssyncadd.s32 $0xFFFFD800  }
0x1f5: {  	[hbm4b:s30+s2] =	stream.linear.scatter [tilespmem:s9], [sflag:$0x3], $0x2800, $0x38;
	[tilespmem:$0x5680] =	vst v63  }
0x1f6: {  	_ =	swait.ge [sflag:s4], $0x2800  }
0x1f7: {  	[sflag:s4] =	ssyncset.done $0x0  }
0x1f8: {  	[sflag:s4] =	ssyncadd.s32 $0xFFFFD800  }
0x1f9: {  	[tilespmem:s9], [sflag:$0x1] =	stream.indirect.gather [hbm4b:s3+s11], $0x80, s14, s11, $0xb8;
	[tilespmem:$0x5680] =	vst v63  }
0x1fa: {  	_ =	swait.ge [sflag:s8], $0x2800  }
0x1fb: {  	[sflag:s8] =	ssyncset.done $0x0  }
0x1fc: {  	[sflag:s8] =	ssyncadd.s32 $0xFFFFD800  }
0x1fd: {  	[hbm4b:s10+s2] =	stream.linear.scatter [tilespmem:s6], [sflag:$0x3], $0x2800, $0x38;
	[tilespmem:$0x5680] =	vst v63  }
0x1fe: {  	_ =	swait.ge [sflag:s4], $0x2800  }
0x1ff: {  	[sflag:s4] =	ssyncset.done $0x0  }
0x200: {  	[sflag:s4] =	ssyncadd.s32 $0xFFFFD800  }
0x201: {  	[tilespmem:s6], [sflag:$0x2] =	stream.indirect.gather [hbm4b:s3+s11], $0x80, s13, s11, $0xb8;
	[tilespmem:$0x5680] =	vst v63  }
0x202: {  	_ =	swait.ge [sflag:s12], $0x2800  }
0x203: {  	[sflag:s12] =	ssyncset.done $0x0  }
0x204: {  	[sflag:s12] =	ssyncadd.s32 $0xFFFFD800  }
0x205: {  	[hbm4b:s7+s2] =	stream.linear.scatter [tilespmem:s9], [sflag:$0x3], $0x2800, $0x38;
	[tilespmem:$0x5680] =	vst v63  }
0x206: {  	_ =	swait.ge [sflag:s4], $0x2800  }
0x207: {  	[sflag:s4] =	ssyncset.done $0x0  }
0x208: {  	[sflag:s4] =	ssyncadd.s32 $0xFFFFD800  }
0x209: {  	_ =	swait.ge [sflag:s8], $0x2800  }
0x20a: {  	[sflag:s8] =	ssyncset.done $0x0  }
0x20b: {  	[sflag:s8] =	ssyncadd.s32 $0xFFFFD800  }
0x20c: {  	[hbm4b:s5+s2] =	stream.linear.scatter [tilespmem:s6], [sflag:$0x3], $0x2800, $0x38;
	[tilespmem:$0x5680] =	vst v63  }
0x20d: {  	_ =	swait.ge [sflag:s4], $0x2800  }
0x20e: {  	[sflag:s4] =	ssyncset.done $0x0  }
0x20f: {  	[sflag:s4] =	ssyncadd.s32 $0xFFFFD800  }
0x210: {  	_ =	sfence.sel $0x180000  }
0x211: {  	[bflag:$0x0] =	sbarrier.arrive $0xFFFF  }
0x212: {  	_ =	strace $0x90000047  }
0x213: {  	s31 =	stileid.u32;
	[bflag:$0x2] =	sbarrier.arrive $0xFFFF  }
0x214: {  	p0 =	sne.s32 s31, $0x0;
	s0 =	rddreg [dreg:$0x3]  }
0x215: {  	s0 =	sadd.s32 @!p0 $0x100000, s0  }
0x216: {  	[sflag:s0] =	ssyncadd.tile.s32 @!p0 $0x1;
	_ =	shalt  }
.Lfunc_end2:
_tile_overlayer_lowered:
.L_overlay_start_2:
0x217: {  	(tag) =	ssettag $0x2  }
0x218: {  	s0 =	rddreg [dreg:$0x0];
	s2 =	stileid.u32  }
0x219: {  	s1 =	rddreg [dreg:$0x1];
	p0 =	sne.s32 s2, $0x0  }
0x21a: {  	s3 =	rddreg [dreg:$0x2];
	[bflag:$0x3] =	sbarrier.arrive $0xFFFF;
	s2 =	simm.s32 @!p0 $0x1C03  }
0x21b: {  	[timem:s3], [sflag:s2] =	dma.local @!p0 [hbm:s0], s1  }
0x21c: {  	s0 =	simm.s32 @!p0 $0x3  }
0x21d: {  	_ =	swait.ge @!p0 [sflag:s0], s1  }
0x21e: {  	s1 =	ssub.s32 @!p0 $0x0, s1;
	[sflag:s0] =	ssyncset.done @!p0 $0x0  }
0x21f: {  	[sflag:s0] =	ssyncadd.s32 @!p0 s1  }
0x220: {  	[bflag:$0x3] =	sbarrier.arrive $0xFFFF  }
0x221: {  	_ =	shalt  }

// kernel: kernel.8.cloned.1.call-start
scs
__scs_entry_jumppad:
0x0: {  	(pc) =	sbr.rel $0x88, $3  }
0x1: {  	(tag) =	ssettag $0x0;
	lr =	simm.s32 $0x1  }
0x2: {  	[smem:$0x3F9C] =	sst lr;
	_ =	strace $0xD0000000  }
0x3: {  	_ = 	snop  }
0x4: {  	_ = 	snop  }
0x5: {  	_ = 	snop  }
0x6: {  	_ = 	snop  }
0x7: {  	_ = 	snop  }
__scs_overlays_trampoline_lowered:
0x8: {  	[smem:$0x3FAB] =	sst s0  }
0x9: {  	[smem:$0x3FAC] =	sst s1  }
0xa: {  	[smem:$0x3FAD] =	sst s2  }
0xb: {  	[smem:$0x3FAE] =	sst s3  }
0xc: {  	[smem:$0x3FAF] =	sst s4  }
0xd: {  	[smem:$0x3FB0] =	sst s5  }
0xe: {  	[smem:$0x3FB1] =	sst s6  }
0xf: {  	[smem:$0x3FB2] =	sst s7  }
0x10: {  	[smem:$0x3FB3] =	sst s8  }
0x11: {  	[smem:$0x3FB4] =	sst s9;
	s0 =	simm.s32 @!p0 $0x0  }
0x12: {  	s1 =	sld [smem:$0x3F9A];
	s0 =	simm.s32 @p0 $0x1  }
0x13: {  	[smem:$0x3FB5] =	sst s0;
	s0 =	simm.s32 @!p1 $0x0  }
0x14: {  	s2 =	sld [smem:$0x3F99];
	s0 =	simm.s32 @p1 $0x1  }
0x15: {  	[smem:$0x3FB6] =	sst s0;
	s0 =	simm.s32 @!p2 $0x0  }
0x16: {  	s3 =	sld [smem:$0x3FDB];
	s0 =	simm.s32 @p2 $0x1  }
0x17: {  	s4 =	simm.s32 $0x1BF5;
	[smem:$0x3FB8] =	sst s0  }
0x18: {  	s0 =	sld [smem:$0x3F9B];
	_ =	swait.ge [sflag:s4], $0x0  }
0x19: {  	s7 =	sld [smem:$0x3F9C]  }
0x1a: {  	s8 =	sadd.s32 $0xFFFFE003, lr  }
0x1b: {  	s9 =	sadd.s32 $0xFFFFFEF7, lr;
	s5 =	simm.s32 $0xFFFFFFFF;
	p2 =	slt.u32 s8, $0xFFFFF086  }
0x1c: {  	p1 =	slt.u32 s9, $0xF7A;
	s5 =	simm.s32 @!p2 $0x0  }
0x1d: {  	s5 =	simm.s32 @p1 $0x1;
	p0 =	seq.s32 s7, s2  }
0x1e: {  	s7 =	smul.u32 @!p0 $0xF7A, s2;
	p2 =	seq.s32 @!p0 s5, $0x0  }
0x1f: {  	s9 =	smul.u32 $0xF7A, s1;
	s8 =	simm.s32 @!p0 $0x1BF5;
	p2 =	por !p2, p0  }
0x20: {  	[sflag:s8] =	ssyncset.s32 @!p0 $0xFFFFF086;
	s6 =	sadd.s32 @!p0 s3, s7;
	s7 =	simm.s32 @!p0 $0x108  }
0x21: {  	s3 =	sadd.s32 s3, s9;
	s6 =	sadd.s32 @!p0 $0x88, s6;
	s7 =	simm.s32 @p2 $0x1082  }
0x22: {  	[simem:s7], [sflag:s8] =	dma.local @!p0 [hbm:s6], $0xF7A  }
0x23: {  	s9 =	sor.u32 $0xD0000000, s2;
	s6 =	simm.s32 $0x108;
	_ =	swait.ge @!p0 [sflag:s8], $0x0  }
0x24: {  	s3 =	sadd.s32 $0x88, s3;
	s6 =	simm.s32 @!p1 $0x1082;
	[sflag:s4] =	ssyncset.s32 $0xFFFFF086  }
0x25: {  	[simem:s6], [sflag:s4] =	dma.local [hbm:s3], $0xF7A  }
0x26: {  	[smem:$0x3F9C] =	sst s1;
	(tag) =	ssettag s2;
	_ =	strace s9  }
0x27: {  	s1 =	sld [smem:$0x3FAC]  }
0x28: {  	s2 =	sld [smem:$0x3FAD]  }
0x29: {  	s4 =	sld [smem:$0x3FAF]  }
0x2a: {  	p0 =	seq.s32 s5, $0x0;
	s5 =	sld [smem:$0x3FB0]  }
0x2b: {  	s6 =	sld [smem:$0x3FB1]  }
0x2c: {  	s7 =	sld [smem:$0x3FB2]  }
0x2d: {  	s3 =	simm.s32 $0x108;
	s8 =	sld [smem:$0x3FB3]  }
0x2e: {  	s3 =	simm.s32 @!p0 $0x1082;
	s9 =	sld [smem:$0x3FB4]  }
0x2f: {  	lr =	sadd.s32 s0, s3;
	s0 =	sld [smem:$0x3FAB]  }
0x30: {  	s3 =	sld [smem:$0x3FAE]  }
0x31: {  	[smem:$0x3FB7] =	sst s10  }
0x32: {  	s10 =	sld [smem:$0x3FB5];
	_ =	sdelay $0x3  }
0x33: {  	p0 =	seq.s32 s10, $0x1;
	s10 =	sld [smem:$0x3FB7];
	_ =	sdelay $0x3  }
0x34: {  	[smem:$0x3FB7] =	sst s10  }
0x35: {  	s10 =	sld [smem:$0x3FB6];
	_ =	sdelay $0x3  }
0x36: {  	p1 =	seq.s32 s10, $0x1;
	s10 =	sld [smem:$0x3FB7];
	_ =	sdelay $0x3  }
0x37: {  	[smem:$0x3FB7] =	sst s10  }
0x38: {  	s10 =	sld [smem:$0x3FB8]  }
0x39: {  	_ = 	snop;
	(pc) =	sbr.ind lr, $3  }
0x3a: {  	_ = 	snop  }
0x3b: {  	_ = 	snop  }
0x3c: {  	p2 =	seq.s32 s10, $0x1;
	s10 =	sld [smem:$0x3FB7]  }
0x3d: {  	_ =	shalt  }
0x3e: {  	_ =	shalt  }
0x3f: {  	_ =	shalt  }
0x40: {  	_ =	shalt  }
0x41: {  	_ =	shalt  }
0x42: {  	_ =	shalt  }
0x43: {  	_ =	shalt  }
0x44: {  	_ =	shalt  }
0x45: {  	_ =	shalt  }
0x46: {  	_ =	shalt  }
0x47: {  	_ =	shalt  }
0x48: {  	_ =	shalt  }
0x49: {  	_ =	shalt  }
0x4a: {  	_ =	shalt  }
0x4b: {  	_ =	shalt  }
0x4c: {  	_ =	shalt  }
0x4d: {  	_ =	shalt  }
0x4e: {  	_ =	shalt  }
0x4f: {  	_ =	shalt  }
0x50: {  	_ =	shalt  }
0x51: {  	_ =	shalt  }
0x52: {  	_ =	shalt  }
0x53: {  	_ =	shalt  }
0x54: {  	_ =	shalt  }
0x55: {  	_ =	shalt  }
0x56: {  	_ =	shalt  }
0x57: {  	_ =	shalt  }
0x58: {  	_ =	shalt  }
0x59: {  	_ =	shalt  }
0x5a: {  	_ =	shalt  }
0x5b: {  	_ =	shalt  }
0x5c: {  	_ =	shalt  }
0x5d: {  	_ =	shalt  }
0x5e: {  	_ =	shalt  }
0x5f: {  	_ =	shalt  }
0x60: {  	_ =	shalt  }
0x61: {  	_ =	shalt  }
0x62: {  	_ =	shalt  }
0x63: {  	_ =	shalt  }
0x64: {  	_ =	shalt  }
0x65: {  	_ =	shalt  }
0x66: {  	_ =	shalt  }
0x67: {  	_ =	shalt  }
0x68: {  	_ =	shalt  }
0x69: {  	_ =	shalt  }
0x6a: {  	_ =	shalt  }
0x6b: {  	_ =	shalt  }
0x6c: {  	_ =	shalt  }
0x6d: {  	_ =	shalt  }
0x6e: {  	_ =	shalt  }
0x6f: {  	_ =	shalt  }
0x70: {  	_ =	shalt  }
0x71: {  	_ =	shalt  }
0x72: {  	_ =	shalt  }
0x73: {  	_ =	shalt  }
0x74: {  	_ =	shalt  }
0x75: {  	_ =	shalt  }
0x76: {  	_ =	shalt  }
0x77: {  	_ =	shalt  }
0x78: {  	_ =	shalt  }
0x79: {  	_ =	shalt  }
0x7a: {  	_ =	shalt  }
0x7b: {  	_ =	shalt  }
0x7c: {  	_ =	shalt  }
0x7d: {  	_ =	shalt  }
0x7e: {  	_ =	shalt  }
0x7f: {  	_ =	shalt  }
0x80: {  	_ =	shalt  }
0x81: {  	_ =	shalt  }
0x82: {  	_ =	shalt  }
0x83: {  	_ =	shalt  }
0x84: {  	_ =	shalt  }
0x85: {  	_ =	shalt  }
0x86: {  	_ =	shalt  }
0x87: {  	_ =	shalt  }
.Lfunc_end0:
.L_simem_size_0:
called_computation.2_lowered:
.L_overlay_start_0:
0x88: {  	s2 =	sld [smem:$0x3FD9]  }
0x89: {  	s3 =	sld [smem:$0x3FFE];
	_ =	sdelay $0x1  }
0x8a: {  	s1 =	srdreg.scid  }
0x8b: {  	s0 =	sand.u32 $0x1, s1  }
0x8c: {  	s15 =	sshll.u32 s0, $0xA;
	s2 =	sadd.s32 s3, s2  }
0x8d: {  	s2 =	sadd.s32 s2, s15  }
0x8e: {  	[smem:$0x3FC3] =	sst s2  }
0x8f: {  	_ = 	snop  }
0x90: {  	s2 =	sld [smem:$0x3FD0];
	_ =	sdelay $0x2  }
0x91: {  	s16 =	simm.s32 $0xB;
	s4 =	simm.s32 $0x10  }
0x92: {  	[smem:s4], [sflag:s16] =	dma.local [hbm:s2], $0x1  }
0x93: {  	_ =	swait.eq [sflag:s16], $0x1  }
0x94: {  	[sflag:s16] =	ssyncset.done $0x0  }
0x95: {  	[sflag:s16] =	ssyncadd.s32 $0xFFFFFFFF  }
0x96: {  	s17 =	sld [smem:$0x10];
	(tm) =	ssettm $0x1  }
0x97: {  	s18 =	sld [smem:$0x3FFB];
	_ =	sdelay $0x3  }
0x98: {  	_ =	strace s18  }
0x99: {  	s2 =	sld [smem:$0x3FFC];
	_ =	sdelay $0x3  }
0x9a: {  	_ =	strace s2  }
0x9b: {  	s2 =	sld [smem:$0x3FFD];
	_ =	sdelay $0x3  }
0x9c: {  	_ =	strace s2  }
0x9d: {  	_ =	strace $0x8FFFFFFF  }
0x9e: {  	s19 =	sld [smem:$0x3FDB];
	_ =	sdelay $0x1  }
0x9f: {  	s20 =	simm.s32 $_scs_section_size  }
0xa0: {  	s5 =	simm.s32 $_size__tile_overlayer_lowered;
	s6 =	simm.s32 $_tile_overlayer_lowered  }
0xa1: {  	s7 =	simm.s32 $0x1BFF;
	s21 =	sshll.u32 s6, $0x1;
	s4 =	sadd.s32 s20, s19  }
0xa2: {  	s22 =	simm.s32 $0x0;
	s5 =	sshll.u32 s5, $0x1;
	s6 =	sadd.s32 s21, s4  }
0xa3: {  	[timem:s22], [sflag:s7] =	dma.local [hbm:s6], s5  }
0xa4: {  	_ =	swait.ge [sflag:s7], s5  }
0xa5: {  	s5 =	ssub.s32 $0x0, s5;
	[sflag:s7] =	ssyncset.done $0x0  }
0xa6: {  	[sflag:s7] =	ssyncadd.s32 s5;
	_ =	sdelay $0x1  }
0xa7: {  	s23 =	simm.s32 $0x1B8B  }
0xa8: {  	_ =	swait.ge [sflag:s23], $0x1  }
0xa9: {  	[sflag:s23] =	ssyncset.done $0x0  }
0xaa: {  	[sflag:s23] =	ssyncadd.s32 $0xFFFFFFFF  }
0xab: {  	s5 =	sld [smem:$0x0]  }
0xac: {  	s6 =	sand.u32 $0xFFFFFFFE, s1  }
0xad: {  	p0 =	sne.s32 s1, s6  }
0xae: {  	s6 =	sshll.u32 @p0 s6, $0xE  }
0xaf: {  	s6 =	sadd.s32 @p0 $0x11B8D, s6;
	s7 =	sshll.u32 @p0 s5, $0x11  }
0xb0: {  	s6 =	sor.u32 @p0 s7, s6  }
0xb1: {  	[sflag:s6] =	ssyncadd.remote.s32 @p0 $0x1;
	_ =	sdelay $0x1  }
0xb2: {  	s6 =	simm.s32 @p0 $0x1B8D  }
0xb3: {  	_ =	swait.eq @p0 [sflag:s6], $0x1  }
0xb4: {  	[sflag:s6] =	ssyncadd.s32 @p0 $0xFFFFFFFF  }
0xb5: {  	s7 =	sshll.u32 @!p0 s1, $0xE  }
0xb6: {  	s7 =	sor.u32 @!p0 $0x4000, s7;
	s6 =	simm.s32 @!p0 $0x1B8D  }
0xb7: {  	s5 =	sshll.u32 @!p0 s5, $0x11;
	s7 =	sadd.s32 @!p0 $0x11B8D, s7;
	_ =	swait.eq @!p0 [sflag:s6], $0x1  }
0xb8: {  	s5 =	sor.u32 @!p0 s5, s7;
	[sflag:s6] =	ssyncadd.s32 @!p0 $0xFFFFFFFF  }
0xb9: {  	s25 =	simm.s32 $0x1B8E;
	s24 =	sld [smem:$0x3FFE];
	[sflag:s5] =	ssyncadd.remote.s32 @!p0 $0x1  }
0xba: {  	s26 =	simm.s32 $execute0_lowered;
	[smem:$0x3FD2] =	sst s25  }
0xbb: {  	s6 =	sshll.u32 s26, $0x1;
	_ =	strace $0x80000049;
	[dreg:$0x1] =	wrdreg $0xFFFFFFFF  }
0xbc: {  	s28 =	simm.s32 $_size_execute0_lowered;
	s4 =	sadd.s32 s4, s6;
	[dreg:$0x0] =	wrdreg $0x0  }
0xbd: {  	s6 =	sshll.u32 s28, $0x1;
	[dreg:$0x2] =	wrdreg s4  }
0xbe: {  	[dreg:$0x3] =	wrdreg s6  }
0xbf: {  	[dreg:$0x4] =	wrdreg $0xC0  }
0xc0: {  	_ =	task [dreg:s22], $0x5FFFF  }
0xc1: {  	[dreg:$0x1] =	wrdreg $0xFFFFFFFF  }
0xc2: {  	[dreg:$0x0] =	wrdreg $0x60  }
0xc3: {  	[dreg:$0x2] =	wrdreg s24  }
0xc4: {  	[dreg:$0x3] =	wrdreg s17  }
0xc5: {  	[dreg:$0x4] =	wrdreg $0x9  }
0xc6: {  	_ =	task.clear_ibuf [dreg:s22], $0x5FFFF;
	_ =	strace $0x90000049  }
0xc7: {  	s29 =	simm.s32 $0x9;
	_ =	strace $0x8000004B  }
0xc8: {  	_ =	swait.ge [sflag:s29], $0x1  }
0xc9: {  	[sflag:s29] =	ssyncadd.s32 $0xFFFFFFFF  }
0xca: {  	_ =	strace $0x9000004B  }
0xcb: {  	_ =	sfence  }
0xcc: {  	s30 =	sld [smem:$0x0];
	_ =	sdelay $0x2  }
0xcd: {  	s31 =	sshll.u32 s1, $0xD;
	s1 =	sshrl.u32 s1, $0x2  }
0xce: {  	s4 =	sand.u32 $0x4000, s31;
	s1 =	sadd.s32 s1, s30  }
0xcf: {  	s0 =	sor.u32 s4, s0;
	s1 =	sshll.u32 s1, $0x11  }
0xd0: {  	s0 =	sor.u32 s1, s0  }
0xd1: {  	s0 =	sadd.s32 $0x8F2B, s0  }
0xd2: {  	[sflag:s0] =	ssyncadd.remote.s32 $0x1  }
0xd3: {  	_ =	sfence.sel $0xFFFF  }
0xd4: {  	[dreg:$0x0] =	wrdreg $0xFFFFFFFF;
	(pc) =	sbr.abs _section_cstart, $3  }
0xd5: {  	[dreg:$0x1] =	wrdreg $0xFFFFFFFF  }
0xd6: {  	_ =	task.clear_ibuf [dreg:s22], $0x2FFFF;
	_ =	strace $0x9FFFFFFF  }
0xd7: {  	(tm) =	ssettm $0x7FFFFFFF  }
tec
execute0_lowered:
.L_overlay_start_1:
0x0: {  	(tag) =	ssettag $0x1  }
0x1: {  	s0 =	srdreg.scid;
	s2 =	stileid.u32  }
0x2: {  	s0 =	sand.u32 $0x1, s0;
	s2 =	sshll.u32 s2, $0x1  }
0x3: {  	s1 =	rddreg [dreg:$0x0];
	s4 =	sor.u32 s0, s2  }
0x4: {  	s3 =	rddreg [dreg:$0x1];
	s5 =	smul.u32 $0xC8, s4  }
0x5: {  	s2 =	simm.s32 $0x0;
	s0 =	ssub.s32 $0x2, s0;
	s6 =	smul.u32 $0x32000, s4  }
0x6: {  	[smem:$0x7FF] =	sst s2;
	s4 =	smul.u32 $0x6400, s4;
	s24 =	sshrl.u32 s0, $0x1  }
0x7: {  	s7 =	sadd.s32 $0x4E00, s1;
	_ =	strace $0x8000004A;
	s0 =	ssub.s32 s0, s24  }
0x8: {  	s3 =	sadd.s32 s3, s5;
	s6 =	sshrl.u32 s6, $0x3;
	s8 =	sadd.s32 s7, s4  }
0x9: {  	s0 =	smax.u32 s0, $0x1;
	[dreg:$0x3] =	wrdreg s3;
	s9 =	sadd.s32 s7, s6  }
0xa: {  	[dreg:$0x4] =	wrdreg s8;
	s3 =	sadd.s32 $0xF47200, s1;
	p1 =	sne.s32 s0, $0x1  }
0xb: {  	s1 =	sadd.s32 $0xFFFFFFFF, s0;
	s11 =	sadd.s32 $0x500, s9;
	s0 =	rddreg [dreg:$0x3]  }
0xc: {  	s12 =	sadd.s32 $0xA00, s9;
	[dreg:$0x5] =	wrdreg s11  }
0xd: {  	s13 =	sadd.s32 $0xF00, s9;
	[dreg:$0x6] =	wrdreg s12  }
0xe: {  	s14 =	sadd.s32 $0x1400, s9;
	[dreg:$0x7] =	wrdreg s13  }
0xf: {  	s15 =	sadd.s32 $0x1900, s9;
	[dreg:$0x8] =	wrdreg s14  }
0x10: {  	s16 =	sadd.s32 $0x1E00, s9;
	[dreg:$0x9] =	wrdreg s15  }
0x11: {  	s17 =	sadd.s32 $0x2300, s9;
	[dreg:$0xa] =	wrdreg s16  }
0x12: {  	s31 =	simm.s32 $0xA0;
	s18 =	sadd.s32 $0x2800, s9;
	[dreg:$0xb] =	wrdreg s17  }
0x13: {  	s30 =	simm.s32 $0xF0;
	s19 =	sadd.s32 $0x2D00, s9;
	[dreg:$0xc] =	wrdreg s18  }
0x14: {  	s29 =	simm.s32 $0x140;
	s20 =	sadd.s32 $0x3200, s9;
	[dreg:$0xd] =	wrdreg s19  }
0x15: {  	s28 =	simm.s32 $0x190;
	s21 =	sadd.s32 $0x3700, s9;
	[dreg:$0xe] =	wrdreg s20  }
0x16: {  	p0 =	por $0x0, $0x0;
	s5 =	sadd.s32 $0x3C00, s9;
	[dreg:$0xf] =	wrdreg s21  }
0x17: {  	s24 =	simm.s32 $0x280;
	s22 =	sadd.s32 $0x4100, s9;
	[dreg:$0x10] =	wrdreg s5  }
0x18: {  	s4 =	simm.s32 $0x3;
	s23 =	sadd.s32 $0x4600, s9;
	[dreg:$0x11] =	wrdreg s22  }
0x19: {  	s6 =	simm.s32 $0x2E80;
	s25 =	sadd.s32 $0x4B00, s9;
	[dreg:$0x12] =	wrdreg s23  }
0x1a: {  	s8 =	simm.s32 $0x2;
	s26 =	sadd.s32 $0x5000, s9;
	[dreg:$0x13] =	wrdreg s25  }
0x1b: {  	s10 =	sadd.s32 $0x5500, s9;
	s7 =	sadd.s32 $0x5A00, s9;
	[dreg:$0x14] =	wrdreg s26  }
0x1c: {  	s5 =	sadd.s32 $0x5F00, s9;
	s11 =	simm.s32 $0x50;
	s9 =	simm.s32 $0x680  }
.Ltmp0:
0x1d: {  	s12 =	simm.s32 $0x1;
	s26 =	simm.s32 $0x1E0;
	(pc) =	sbr.rel @!p1 .LBB2_3-.Ltmp0, $4  }
0x1e: {  	s25 =	simm.s32 $0x230;
	s23 =	simm.s32 $0x2D0;
	s22 =	simm.s32 $0x320  }
0x1f: {  	s21 =	simm.s32 $0x370;
	s20 =	simm.s32 $0x3C0;
	s19 =	simm.s32 $0x410  }
0x20: {  	s18 =	simm.s32 $0x460;
	s17 =	simm.s32 $0x4B0;
	s16 =	simm.s32 $0x500  }
0x21: {  	s15 =	simm.s32 $0x550;
	s14 =	simm.s32 $0x5A0;
	s13 =	simm.s32 $0x5F0  }
0x22: {  	[tilespmem:s2], [sflag:$0x3] =	stream.linear.gather [hbm4b:s0+s2], $0x640, $0x38;
	[tilespmem:$0x5680] =	vst v63  }
0x23: {  	_ =	swait.ge [sflag:s4], $0x640  }
0x24: {  	[sflag:s4] =	ssyncset.done $0x0  }
0x25: {  	[sflag:s4] =	ssyncadd.s32 $0xFFFFF9C0  }
0x26: {  	[tilespmem:s9], [sflag:$0x1] =	stream.indirect.gather [hbm4b:s3+s11], $0x80, s2, s11, $0xb8;
	[tilespmem:$0x5680] =	vst v63  }
0x27: {  	_ = 	snop  }
0x28: {  	[tilespmem:s6], [sflag:$0x2] =	stream.indirect.gather [hbm4b:s3+s11], $0x80, s11, s11, $0xb8;
	[tilespmem:$0x5680] =	vst v63  }
0x29: {  	_ =	swait.ge [sflag:s12], $0x2800  }
0x2a: {  	[sflag:s12] =	ssyncset.done $0x0  }
0x2b: {  	s0 =	rddreg [dreg:$0x4];
	[sflag:s12] =	ssyncadd.s32 $0xFFFFD800  }
0x2c: {  	[hbm4b:s0+s2] =	stream.linear.scatter [tilespmem:s9], [sflag:$0x3], $0x2800, $0x38;
	[tilespmem:$0x5680] =	vst v63  }
0x2d: {  	_ =	swait.ge [sflag:s4], $0x2800  }
0x2e: {  	[sflag:s4] =	ssyncset.done $0x0  }
0x2f: {  	[sflag:s4] =	ssyncadd.s32 $0xFFFFD800  }
0x30: {  	[tilespmem:s9], [sflag:$0x1] =	stream.indirect.gather [hbm4b:s3+s11], $0x80, s31, s11, $0xb8;
	[tilespmem:$0x5680] =	vst v63  }
0x31: {  	_ =	swait.ge [sflag:s8], $0x2800  }
0x32: {  	[sflag:s8] =	ssyncset.done $0x0  }
0x33: {  	s0 =	rddreg [dreg:$0x5];
	[sflag:s8] =	ssyncadd.s32 $0xFFFFD800  }
0x34: {  	[hbm4b:s0+s2] =	stream.linear.scatter [tilespmem:s6], [sflag:$0x3], $0x2800, $0x38;
	[tilespmem:$0x5680] =	vst v63  }
0x35: {  	_ =	swait.ge [sflag:s4], $0x2800  }
0x36: {  	[sflag:s4] =	ssyncset.done $0x0  }
0x37: {  	[sflag:s4] =	ssyncadd.s32 $0xFFFFD800  }
0x38: {  	[tilespmem:s6], [sflag:$0x2] =	stream.indirect.gather [hbm4b:s3+s11], $0x80, s30, s11, $0xb8;
	[tilespmem:$0x5680] =	vst v63  }
0x39: {  	_ =	swait.ge [sflag:s12], $0x2800  }
0x3a: {  	[sflag:s12] =	ssyncset.done $0x0  }
0x3b: {  	s0 =	rddreg [dreg:$0x6];
	[sflag:s12] =	ssyncadd.s32 $0xFFFFD800  }
0x3c: {  	[hbm4b:s0+s2] =	stream.linear.scatter [tilespmem:s9], [sflag:$0x3], $0x2800, $0x38;
	[tilespmem:$0x5680] =	vst v63  }
0x3d: {  	_ =	swait.ge [sflag:s4], $0x2800  }
0x3e: {  	[sflag:s4] =	ssyncset.done $0x0  }
0x3f: {  	[sflag:s4] =	ssyncadd.s32 $0xFFFFD800  }
0x40: {  	[tilespmem:s9], [sflag:$0x1] =	stream.indirect.gather [hbm4b:s3+s11], $0x80, s29, s11, $0xb8;
	[tilespmem:$0x5680] =	vst v63  }
0x41: {  	_ =	swait.ge [sflag:s8], $0x2800  }
0x42: {  	[sflag:s8] =	ssyncset.done $0x0  }
0x43: {  	s0 =	rddreg [dreg:$0x7];
	[sflag:s8] =	ssyncadd.s32 $0xFFFFD800  }
0x44: {  	[hbm4b:s0+s2] =	stream.linear.scatter [tilespmem:s6], [sflag:$0x3], $0x2800, $0x38;
	[tilespmem:$0x5680] =	vst v63  }
0x45: {  	_ =	swait.ge [sflag:s4], $0x2800  }
0x46: {  	[sflag:s4] =	ssyncset.done $0x0  }
0x47: {  	[sflag:s4] =	ssyncadd.s32 $0xFFFFD800  }
0x48: {  	[tilespmem:s6], [sflag:$0x2] =	stream.indirect.gather [hbm4b:s3+s11], $0x80, s28, s11, $0xb8;
	[tilespmem:$0x5680] =	vst v63  }
0x49: {  	_ =	swait.ge [sflag:s12], $0x2800  }
0x4a: {  	[sflag:s12] =	ssyncset.done $0x0  }
0x4b: {  	s0 =	rddreg [dreg:$0x8];
	[sflag:s12] =	ssyncadd.s32 $0xFFFFD800  }
0x4c: {  	[hbm4b:s0+s2] =	stream.linear.scatter [tilespmem:s9], [sflag:$0x3], $0x2800, $0x38;
	[tilespmem:$0x5680] =	vst v63  }
0x4d: {  	_ =	swait.ge [sflag:s4], $0x2800  }
0x4e: {  	[sflag:s4] =	ssyncset.done $0x0  }
0x4f: {  	[sflag:s4] =	ssyncadd.s32 $0xFFFFD800  }
0x50: {  	[tilespmem:s9], [sflag:$0x1] =	stream.indirect.gather [hbm4b:s3+s11], $0x80, s26, s11, $0xb8;
	[tilespmem:$0x5680] =	vst v63  }
0x51: {  	_ =	swait.ge [sflag:s8], $0x2800  }
0x52: {  	[sflag:s8] =	ssyncset.done $0x0  }
0x53: {  	s0 =	rddreg [dreg:$0x9];
	[sflag:s8] =	ssyncadd.s32 $0xFFFFD800  }
0x54: {  	[hbm4b:s0+s2] =	stream.linear.scatter [tilespmem:s6], [sflag:$0x3], $0x2800, $0x38;
	[tilespmem:$0x5680] =	vst v63  }
0x55: {  	_ =	swait.ge [sflag:s4], $0x2800  }
0x56: {  	[sflag:s4] =	ssyncset.done $0x0  }
0x57: {  	[sflag:s4] =	ssyncadd.s32 $0xFFFFD800  }
0x58: {  	[tilespmem:s6], [sflag:$0x2] =	stream.indirect.gather [hbm4b:s3+s11], $0x80, s25, s11, $0xb8;
	[tilespmem:$0x5680] =	vst v63  }
0x59: {  	_ =	swait.ge [sflag:s12], $0x2800  }
0x5a: {  	[sflag:s12] =	ssyncset.done $0x0  }
0x5b: {  	s0 =	rddreg [dreg:$0xa];
	[sflag:s12] =	ssyncadd.s32 $0xFFFFD800  }
0x5c: {  	[hbm4b:s0+s2] =	stream.linear.scatter [tilespmem:s9], [sflag:$0x3], $0x2800, $0x38;
	[tilespmem:$0x5680] =	vst v63  }
0x5d: {  	_ =	swait.ge [sflag:s4], $0x2800  }
0x5e: {  	[sflag:s4] =	ssyncset.done $0x0  }
0x5f: {  	[sflag:s4] =	ssyncadd.s32 $0xFFFFD800  }
0x60: {  	[tilespmem:s9], [sflag:$0x1] =	stream.indirect.gather [hbm4b:s3+s11], $0x80, s24, s11, $0xb8;
	[tilespmem:$0x5680] =	vst v63  }
0x61: {  	_ =	swait.ge [sflag:s8], $0x2800  }
0x62: {  	[sflag:s8] =	ssyncset.done $0x0  }
0x63: {  	s0 =	rddreg [dreg:$0xb];
	[sflag:s8] =	ssyncadd.s32 $0xFFFFD800  }
0x64: {  	[hbm4b:s0+s2] =	stream.linear.scatter [tilespmem:s6], [sflag:$0x3], $0x2800, $0x38;
	[tilespmem:$0x5680] =	vst v63  }
0x65: {  	_ =	swait.ge [sflag:s4], $0x2800  }
0x66: {  	[sflag:s4] =	ssyncset.done $0x0  }
0x67: {  	[sflag:s4] =	ssyncadd.s32 $0xFFFFD800  }
0x68: {  	[tilespmem:s6], [sflag:$0x2] =	stream.indirect.gather [hbm4b:s3+s11], $0x80, s23, s11, $0xb8;
	[tilespmem:$0x5680] =	vst v63  }
0x69: {  	_ =	swait.ge [sflag:s12], $0x2800  }
0x6a: {  	[sflag:s12] =	ssyncset.done $0x0  }
0x6b: {  	s0 =	rddreg [dreg:$0xc];
	[sflag:s12] =	ssyncadd.s32 $0xFFFFD800  }
0x6c: {  	[hbm4b:s0+s2] =	stream.linear.scatter [tilespmem:s9], [sflag:$0x3], $0x2800, $0x38;
	[tilespmem:$0x5680] =	vst v63  }
0x6d: {  	_ =	swait.ge [sflag:s4], $0x2800  }
0x6e: {  	[sflag:s4] =	ssyncset.done $0x0  }
0x6f: {  	[sflag:s4] =	ssyncadd.s32 $0xFFFFD800  }
0x70: {  	[tilespmem:s9], [sflag:$0x1] =	stream.indirect.gather [hbm4b:s3+s11], $0x80, s22, s11, $0xb8;
	[tilespmem:$0x5680] =	vst v63  }
0x71: {  	_ =	swait.ge [sflag:s8], $0x2800  }
0x72: {  	[sflag:s8] =	ssyncset.done $0x0  }
0x73: {  	s0 =	rddreg [dreg:$0xd];
	[sflag:s8] =	ssyncadd.s32 $0xFFFFD800  }
0x74: {  	[hbm4b:s0+s2] =	stream.linear.scatter [tilespmem:s6], [sflag:$0x3], $0x2800, $0x38;
	[tilespmem:$0x5680] =	vst v63  }
0x75: {  	_ =	swait.ge [sflag:s4], $0x2800  }
0x76: {  	[sflag:s4] =	ssyncset.done $0x0  }
0x77: {  	[sflag:s4] =	ssyncadd.s32 $0xFFFFD800  }
0x78: {  	[tilespmem:s6], [sflag:$0x2] =	stream.indirect.gather [hbm4b:s3+s11], $0x80, s21, s11, $0xb8;
	[tilespmem:$0x5680] =	vst v63  }
0x79: {  	_ =	swait.ge [sflag:s12], $0x2800  }
0x7a: {  	[sflag:s12] =	ssyncset.done $0x0  }
0x7b: {  	s0 =	rddreg [dreg:$0xe];
	[sflag:s12] =	ssyncadd.s32 $0xFFFFD800  }
0x7c: {  	[hbm4b:s0+s2] =	stream.linear.scatter [tilespmem:s9], [sflag:$0x3], $0x2800, $0x38;
	[tilespmem:$0x5680] =	vst v63  }
0x7d: {  	_ =	swait.ge [sflag:s4], $0x2800  }
0x7e: {  	[sflag:s4] =	ssyncset.done $0x0  }
0x7f: {  	[sflag:s4] =	ssyncadd.s32 $0xFFFFD800  }
0x80: {  	[tilespmem:s9], [sflag:$0x1] =	stream.indirect.gather [hbm4b:s3+s11], $0x80, s20, s11, $0xb8;
	[tilespmem:$0x5680] =	vst v63  }
0x81: {  	_ =	swait.ge [sflag:s8], $0x2800  }
0x82: {  	[sflag:s8] =	ssyncset.done $0x0  }
0x83: {  	s0 =	rddreg [dreg:$0xf];
	[sflag:s8] =	ssyncadd.s32 $0xFFFFD800  }
0x84: {  	[hbm4b:s0+s2] =	stream.linear.scatter [tilespmem:s6], [sflag:$0x3], $0x2800, $0x38;
	[tilespmem:$0x5680] =	vst v63  }
0x85: {  	_ =	swait.ge [sflag:s4], $0x2800  }
0x86: {  	[sflag:s4] =	ssyncset.done $0x0  }
0x87: {  	[sflag:s4] =	ssyncadd.s32 $0xFFFFD800  }
0x88: {  	[tilespmem:s6], [sflag:$0x2] =	stream.indirect.gather [hbm4b:s3+s11], $0x80, s19, s11, $0xb8;
	[tilespmem:$0x5680] =	vst v63  }
0x89: {  	_ =	swait.ge [sflag:s12], $0x2800  }
0x8a: {  	[sflag:s12] =	ssyncset.done $0x0  }
0x8b: {  	s0 =	rddreg [dreg:$0x10];
	[sflag:s12] =	ssyncadd.s32 $0xFFFFD800  }
0x8c: {  	[hbm4b:s0+s2] =	stream.linear.scatter [tilespmem:s9], [sflag:$0x3], $0x2800, $0x38;
	[tilespmem:$0x5680] =	vst v63  }
0x8d: {  	_ =	swait.ge [sflag:s4], $0x2800  }
0x8e: {  	[sflag:s4] =	ssyncset.done $0x0  }
0x8f: {  	[sflag:s4] =	ssyncadd.s32 $0xFFFFD800  }
0x90: {  	[tilespmem:s9], [sflag:$0x1] =	stream.indirect.gather [hbm4b:s3+s11], $0x80, s18, s11, $0xb8;
	[tilespmem:$0x5680] =	vst v63  }
0x91: {  	_ =	swait.ge [sflag:s8], $0x2800  }
0x92: {  	[sflag:s8] =	ssyncset.done $0x0  }
0x93: {  	s0 =	rddreg [dreg:$0x11];
	[sflag:s8] =	ssyncadd.s32 $0xFFFFD800  }
0x94: {  	[hbm4b:s0+s2] =	stream.linear.scatter [tilespmem:s6], [sflag:$0x3], $0x2800, $0x38;
	[tilespmem:$0x5680] =	vst v63  }
0x95: {  	_ =	swait.ge [sflag:s4], $0x2800  }
0x96: {  	[sflag:s4] =	ssyncset.done $0x0  }
0x97: {  	[sflag:s4] =	ssyncadd.s32 $0xFFFFD800  }
0x98: {  	[tilespmem:s6], [sflag:$0x2] =	stream.indirect.gather [hbm4b:s3+s11], $0x80, s17, s11, $0xb8;
	[tilespmem:$0x5680] =	vst v63  }
0x99: {  	_ =	swait.ge [sflag:s12], $0x2800  }
0x9a: {  	[sflag:s12] =	ssyncset.done $0x0  }
0x9b: {  	s0 =	rddreg [dreg:$0x12];
	[sflag:s12] =	ssyncadd.s32 $0xFFFFD800  }
0x9c: {  	[hbm4b:s0+s2] =	stream.linear.scatter [tilespmem:s9], [sflag:$0x3], $0x2800, $0x38;
	[tilespmem:$0x5680] =	vst v63  }
0x9d: {  	_ =	swait.ge [sflag:s4], $0x2800  }
0x9e: {  	[sflag:s4] =	ssyncset.done $0x0  }
0x9f: {  	[sflag:s4] =	ssyncadd.s32 $0xFFFFD800  }
0xa0: {  	[tilespmem:s9], [sflag:$0x1] =	stream.indirect.gather [hbm4b:s3+s11], $0x80, s16, s11, $0xb8;
	[tilespmem:$0x5680] =	vst v63  }
0xa1: {  	_ =	swait.ge [sflag:s8], $0x2800  }
0xa2: {  	[sflag:s8] =	ssyncset.done $0x0  }
0xa3: {  	s0 =	rddreg [dreg:$0x13];
	[sflag:s8] =	ssyncadd.s32 $0xFFFFD800  }
0xa4: {  	[hbm4b:s0+s2] =	stream.linear.scatter [tilespmem:s6], [sflag:$0x3], $0x2800, $0x38;
	[tilespmem:$0x5680] =	vst v63  }
0xa5: {  	_ =	swait.ge [sflag:s4], $0x2800  }
0xa6: {  	[sflag:s4] =	ssyncset.done $0x0  }
0xa7: {  	[sflag:s4] =	ssyncadd.s32 $0xFFFFD800  }
0xa8: {  	[tilespmem:s6], [sflag:$0x2] =	stream.indirect.gather [hbm4b:s3+s11], $0x80, s15, s11, $0xb8;
	[tilespmem:$0x5680] =	vst v63  }
0xa9: {  	_ =	swait.ge [sflag:s12], $0x2800  }
0xaa: {  	[sflag:s12] =	ssyncset.done $0x0  }
0xab: {  	s0 =	rddreg [dreg:$0x14];
	[sflag:s12] =	ssyncadd.s32 $0xFFFFD800  }
0xac: {  	[hbm4b:s0+s2] =	stream.linear.scatter [tilespmem:s9], [sflag:$0x3], $0x2800, $0x38;
	[tilespmem:$0x5680] =	vst v63  }
0xad: {  	_ =	swait.ge [sflag:s4], $0x2800  }
0xae: {  	[sflag:s4] =	ssyncset.done $0x0  }
0xaf: {  	[sflag:s4] =	ssyncadd.s32 $0xFFFFD800  }
0xb0: {  	[tilespmem:s9], [sflag:$0x1] =	stream.indirect.gather [hbm4b:s3+s11], $0x80, s14, s11, $0xb8;
	[tilespmem:$0x5680] =	vst v63  }
0xb1: {  	_ =	swait.ge [sflag:s8], $0x2800  }
0xb2: {  	[sflag:s8] =	ssyncset.done $0x0  }
0xb3: {  	[sflag:s8] =	ssyncadd.s32 $0xFFFFD800  }
0xb4: {  	[hbm4b:s10+s2] =	stream.linear.scatter [tilespmem:s6], [sflag:$0x3], $0x2800, $0x38;
	[tilespmem:$0x5680] =	vst v63  }
0xb5: {  	_ =	swait.ge [sflag:s4], $0x2800  }
0xb6: {  	[sflag:s4] =	ssyncset.done $0x0  }
0xb7: {  	[sflag:s4] =	ssyncadd.s32 $0xFFFFD800  }
0xb8: {  	[tilespmem:s6], [sflag:$0x2] =	stream.indirect.gather [hbm4b:s3+s11], $0x80, s13, s11, $0xb8;
	[tilespmem:$0x5680] =	vst v63  }
0xb9: {  	_ =	swait.ge [sflag:s12], $0x2800  }
0xba: {  	[sflag:s12] =	ssyncset.done $0x0  }
0xbb: {  	[sflag:s12] =	ssyncadd.s32 $0xFFFFD800  }
0xbc: {  	[hbm4b:s7+s2] =	stream.linear.scatter [tilespmem:s9], [sflag:$0x3], $0x2800, $0x38;
	[tilespmem:$0x5680] =	vst v63  }
0xbd: {  	_ =	swait.ge [sflag:s4], $0x2800  }
0xbe: {  	[sflag:s4] =	ssyncset.done $0x0  }
0xbf: {  	[sflag:s4] =	ssyncadd.s32 $0xFFFFD800  }
0xc0: {  	p1 =	sne.s32 s1, $0x1;
	_ =	swait.ge [sflag:s8], $0x2800  }
.Ltmp1:
0xc1: {  	[sflag:s8] =	ssyncset.done $0x0;
	(pc) =	sbr.rel @!p1 .LBB2_3-.Ltmp1, $4  }
0xc2: {  	[sflag:s8] =	ssyncadd.s32 $0xFFFFD800  }
0xc3: {  	[hbm4b:s5+s2] =	stream.linear.scatter [tilespmem:s6], [sflag:$0x3], $0x2800, $0x38;
	[tilespmem:$0x5680] =	vst v63  }
0xc4: {  	s1 =	sadd.s32 $0xFFFFFFFF, s1;
	_ =	swait.ge [sflag:s4], $0x2800  }
0xc5: {  	p0 =	por $0x1, $0x1;
	s0 =	rddreg [dreg:$0x3];
	[sflag:s4] =	ssyncset.done $0x0  }
.LBB2_2:
0xc6: {  	[sflag:s4] =	ssyncadd.s32 $0xFFFFD800  }
0xc7: {  	[tilespmem:s2], [sflag:$0x3] =	stream.linear.gather [hbm4b:s0+s2], $0x640, $0x38;
	[tilespmem:$0x5680] =	vst v63  }
0xc8: {  	_ =	swait.ge [sflag:s4], $0x640  }
0xc9: {  	[sflag:s4] =	ssyncset.done $0x0  }
0xca: {  	[sflag:s4] =	ssyncadd.s32 $0xFFFFF9C0  }
0xcb: {  	[tilespmem:s9], [sflag:$0x1] =	stream.indirect.gather [hbm4b:s3+s11], $0x80, s2, s11, $0xb8;
	[tilespmem:$0x5680] =	vst v63  }
0xcc: {  	_ = 	snop  }
0xcd: {  	[tilespmem:s6], [sflag:$0x2] =	stream.indirect.gather [hbm4b:s3+s11], $0x80, s11, s11, $0xb8;
	[tilespmem:$0x5680] =	vst v63  }
0xce: {  	_ =	swait.ge [sflag:s12], $0x2800  }
0xcf: {  	[sflag:s12] =	ssyncset.done $0x0  }
0xd0: {  	s0 =	rddreg [dreg:$0x4];
	[sflag:s12] =	ssyncadd.s32 $0xFFFFD800  }
0xd1: {  	[hbm4b:s0+s2] =	stream.linear.scatter [tilespmem:s9], [sflag:$0x3], $0x2800, $0x38;
	[tilespmem:$0x5680] =	vst v63  }
0xd2: {  	_ =	swait.ge [sflag:s4], $0x2800  }
0xd3: {  	[sflag:s4] =	ssyncset.done $0x0  }
0xd4: {  	[sflag:s4] =	ssyncadd.s32 $0xFFFFD800  }
0xd5: {  	[tilespmem:s9], [sflag:$0x1] =	stream.indirect.gather [hbm4b:s3+s11], $0x80, s31, s11, $0xb8;
	[tilespmem:$0x5680] =	vst v63  }
0xd6: {  	_ =	swait.ge [sflag:s8], $0x2800  }
0xd7: {  	[sflag:s8] =	ssyncset.done $0x0  }
0xd8: {  	s0 =	rddreg [dreg:$0x5];
	[sflag:s8] =	ssyncadd.s32 $0xFFFFD800  }
0xd9: {  	[hbm4b:s0+s2] =	stream.linear.scatter [tilespmem:s6], [sflag:$0x3], $0x2800, $0x38;
	[tilespmem:$0x5680] =	vst v63  }
0xda: {  	_ =	swait.ge [sflag:s4], $0x2800  }
0xdb: {  	[sflag:s4] =	ssyncset.done $0x0  }
0xdc: {  	[sflag:s4] =	ssyncadd.s32 $0xFFFFD800  }
0xdd: {  	[tilespmem:s6], [sflag:$0x2] =	stream.indirect.gather [hbm4b:s3+s11], $0x80, s30, s11, $0xb8;
	[tilespmem:$0x5680] =	vst v63  }
0xde: {  	_ =	swait.ge [sflag:s12], $0x2800  }
0xdf: {  	[sflag:s12] =	ssyncset.done $0x0  }
0xe0: {  	s0 =	rddreg [dreg:$0x6];
	[sflag:s12] =	ssyncadd.s32 $0xFFFFD800  }
0xe1: {  	[hbm4b:s0+s2] =	stream.linear.scatter [tilespmem:s9], [sflag:$0x3], $0x2800, $0x38;
	[tilespmem:$0x5680] =	vst v63  }
0xe2: {  	_ =	swait.ge [sflag:s4], $0x2800  }
0xe3: {  	[sflag:s4] =	ssyncset.done $0x0  }
0xe4: {  	[sflag:s4] =	ssyncadd.s32 $0xFFFFD800  }
0xe5: {  	[tilespmem:s9], [sflag:$0x1] =	stream.indirect.gather [hbm4b:s3+s11], $0x80, s29, s11, $0xb8;
	[tilespmem:$0x5680] =	vst v63  }
0xe6: {  	_ =	swait.ge [sflag:s8], $0x2800  }
0xe7: {  	[sflag:s8] =	ssyncset.done $0x0  }
0xe8: {  	s0 =	rddreg [dreg:$0x7];
	[sflag:s8] =	ssyncadd.s32 $0xFFFFD800  }
0xe9: {  	[hbm4b:s0+s2] =	stream.linear.scatter [tilespmem:s6], [sflag:$0x3], $0x2800, $0x38;
	[tilespmem:$0x5680] =	vst v63  }
0xea: {  	_ =	swait.ge [sflag:s4], $0x2800  }
0xeb: {  	[sflag:s4] =	ssyncset.done $0x0  }
0xec: {  	[sflag:s4] =	ssyncadd.s32 $0xFFFFD800  }
0xed: {  	[tilespmem:s6], [sflag:$0x2] =	stream.indirect.gather [hbm4b:s3+s11], $0x80, s28, s11, $0xb8;
	[tilespmem:$0x5680] =	vst v63  }
0xee: {  	_ =	swait.ge [sflag:s12], $0x2800  }
0xef: {  	[sflag:s12] =	ssyncset.done $0x0  }
0xf0: {  	s0 =	rddreg [dreg:$0x8];
	[sflag:s12] =	ssyncadd.s32 $0xFFFFD800  }
0xf1: {  	[hbm4b:s0+s2] =	stream.linear.scatter [tilespmem:s9], [sflag:$0x3], $0x2800, $0x38;
	[tilespmem:$0x5680] =	vst v63  }
0xf2: {  	_ =	swait.ge [sflag:s4], $0x2800  }
0xf3: {  	[sflag:s4] =	ssyncset.done $0x0  }
0xf4: {  	[sflag:s4] =	ssyncadd.s32 $0xFFFFD800  }
0xf5: {  	[tilespmem:s9], [sflag:$0x1] =	stream.indirect.gather [hbm4b:s3+s11], $0x80, s26, s11, $0xb8;
	[tilespmem:$0x5680] =	vst v63  }
0xf6: {  	_ =	swait.ge [sflag:s8], $0x2800  }
0xf7: {  	[sflag:s8] =	ssyncset.done $0x0  }
0xf8: {  	s0 =	rddreg [dreg:$0x9];
	[sflag:s8] =	ssyncadd.s32 $0xFFFFD800  }
0xf9: {  	[hbm4b:s0+s2] =	stream.linear.scatter [tilespmem:s6], [sflag:$0x3], $0x2800, $0x38;
	[tilespmem:$0x5680] =	vst v63  }
0xfa: {  	_ =	swait.ge [sflag:s4], $0x2800  }
0xfb: {  	[sflag:s4] =	ssyncset.done $0x0  }
0xfc: {  	[sflag:s4] =	ssyncadd.s32 $0xFFFFD800  }
0xfd: {  	[tilespmem:s6], [sflag:$0x2] =	stream.indirect.gather [hbm4b:s3+s11], $0x80, s25, s11, $0xb8;
	[tilespmem:$0x5680] =	vst v63  }
0xfe: {  	_ =	swait.ge [sflag:s12], $0x2800  }
0xff: {  	[sflag:s12] =	ssyncset.done $0x0  }
0x100: {  	s0 =	rddreg [dreg:$0xa];
	[sflag:s12] =	ssyncadd.s32 $0xFFFFD800  }
0x101: {  	[hbm4b:s0+s2] =	stream.linear.scatter [tilespmem:s9], [sflag:$0x3], $0x2800, $0x38;
	[tilespmem:$0x5680] =	vst v63  }
0x102: {  	_ =	swait.ge [sflag:s4], $0x2800  }
0x103: {  	[sflag:s4] =	ssyncset.done $0x0  }
0x104: {  	[sflag:s4] =	ssyncadd.s32 $0xFFFFD800  }
0x105: {  	[tilespmem:s9], [sflag:$0x1] =	stream.indirect.gather [hbm4b:s3+s11], $0x80, s24, s11, $0xb8;
	[tilespmem:$0x5680] =	vst v63  }
0x106: {  	_ =	swait.ge [sflag:s8], $0x2800  }
0x107: {  	[sflag:s8] =	ssyncset.done $0x0  }
0x108: {  	s0 =	rddreg [dreg:$0xb];
	[sflag:s8] =	ssyncadd.s32 $0xFFFFD800  }
0x109: {  	[hbm4b:s0+s2] =	stream.linear.scatter [tilespmem:s6], [sflag:$0x3], $0x2800, $0x38;
	[tilespmem:$0x5680] =	vst v63  }
0x10a: {  	_ =	swait.ge [sflag:s4], $0x2800  }
0x10b: {  	[sflag:s4] =	ssyncset.done $0x0  }
0x10c: {  	[sflag:s4] =	ssyncadd.s32 $0xFFFFD800  }
0x10d: {  	[tilespmem:s6], [sflag:$0x2] =	stream.indirect.gather [hbm4b:s3+s11], $0x80, s23, s11, $0xb8;
	[tilespmem:$0x5680] =	vst v63  }
0x10e: {  	_ =	swait.ge [sflag:s12], $0x2800  }
0x10f: {  	[sflag:s12] =	ssyncset.done $0x0  }
0x110: {  	s0 =	rddreg [dreg:$0xc];
	[sflag:s12] =	ssyncadd.s32 $0xFFFFD800  }
0x111: {  	[hbm4b:s0+s2] =	stream.linear.scatter [tilespmem:s9], [sflag:$0x3], $0x2800, $0x38;
	[tilespmem:$0x5680] =	vst v63  }
0x112: {  	_ =	swait.ge [sflag:s4], $0x2800  }
0x113: {  	[sflag:s4] =	ssyncset.done $0x0  }
0x114: {  	[sflag:s4] =	ssyncadd.s32 $0xFFFFD800  }
0x115: {  	[tilespmem:s9], [sflag:$0x1] =	stream.indirect.gather [hbm4b:s3+s11], $0x80, s22, s11, $0xb8;
	[tilespmem:$0x5680] =	vst v63  }
0x116: {  	_ =	swait.ge [sflag:s8], $0x2800  }
0x117: {  	[sflag:s8] =	ssyncset.done $0x0  }
0x118: {  	s0 =	rddreg [dreg:$0xd];
	[sflag:s8] =	ssyncadd.s32 $0xFFFFD800  }
0x119: {  	[hbm4b:s0+s2] =	stream.linear.scatter [tilespmem:s6], [sflag:$0x3], $0x2800, $0x38;
	[tilespmem:$0x5680] =	vst v63  }
0x11a: {  	_ =	swait.ge [sflag:s4], $0x2800  }
0x11b: {  	[sflag:s4] =	ssyncset.done $0x0  }
0x11c: {  	[sflag:s4] =	ssyncadd.s32 $0xFFFFD800  }
0x11d: {  	[tilespmem:s6], [sflag:$0x2] =	stream.indirect.gather [hbm4b:s3+s11], $0x80, s21, s11, $0xb8;
	[tilespmem:$0x5680] =	vst v63  }
0x11e: {  	_ =	swait.ge [sflag:s12], $0x2800  }
0x11f: {  	[sflag:s12] =	ssyncset.done $0x0  }
0x120: {  	s0 =	rddreg [dreg:$0xe];
	[sflag:s12] =	ssyncadd.s32 $0xFFFFD800  }
0x121: {  	[hbm4b:s0+s2] =	stream.linear.scatter [tilespmem:s9], [sflag:$0x3], $0x2800, $0x38;
	[tilespmem:$0x5680] =	vst v63  }
0x122: {  	_ =	swait.ge [sflag:s4], $0x2800  }
0x123: {  	[sflag:s4] =	ssyncset.done $0x0  }
0x124: {  	[sflag:s4] =	ssyncadd.s32 $0xFFFFD800  }
0x125: {  	[tilespmem:s9], [sflag:$0x1] =	stream.indirect.gather [hbm4b:s3+s11], $0x80, s20, s11, $0xb8;
	[tilespmem:$0x5680] =	vst v63  }
0x126: {  	_ =	swait.ge [sflag:s8], $0x2800  }
0x127: {  	[sflag:s8] =	ssyncset.done $0x0  }
0x128: {  	s0 =	rddreg [dreg:$0xf];
	[sflag:s8] =	ssyncadd.s32 $0xFFFFD800  }
0x129: {  	[hbm4b:s0+s2] =	stream.linear.scatter [tilespmem:s6], [sflag:$0x3], $0x2800, $0x38;
	[tilespmem:$0x5680] =	vst v63  }
0x12a: {  	_ =	swait.ge [sflag:s4], $0x2800  }
0x12b: {  	[sflag:s4] =	ssyncset.done $0x0  }
0x12c: {  	[sflag:s4] =	ssyncadd.s32 $0xFFFFD800  }
0x12d: {  	[tilespmem:s6], [sflag:$0x2] =	stream.indirect.gather [hbm4b:s3+s11], $0x80, s19, s11, $0xb8;
	[tilespmem:$0x5680] =	vst v63  }
0x12e: {  	_ =	swait.ge [sflag:s12], $0x2800  }
0x12f: {  	[sflag:s12] =	ssyncset.done $0x0  }
0x130: {  	s0 =	rddreg [dreg:$0x10];
	[sflag:s12] =	ssyncadd.s32 $0xFFFFD800  }
0x131: {  	[hbm4b:s0+s2] =	stream.linear.scatter [tilespmem:s9], [sflag:$0x3], $0x2800, $0x38;
	[tilespmem:$0x5680] =	vst v63  }
0x132: {  	_ =	swait.ge [sflag:s4], $0x2800  }
0x133: {  	[sflag:s4] =	ssyncset.done $0x0  }
0x134: {  	[sflag:s4] =	ssyncadd.s32 $0xFFFFD800  }
0x135: {  	[tilespmem:s9], [sflag:$0x1] =	stream.indirect.gather [hbm4b:s3+s11], $0x80, s18, s11, $0xb8;
	[tilespmem:$0x5680] =	vst v63  }
0x136: {  	_ =	swait.ge [sflag:s8], $0x2800  }
0x137: {  	[sflag:s8] =	ssyncset.done $0x0  }
0x138: {  	s0 =	rddreg [dreg:$0x11];
	[sflag:s8] =	ssyncadd.s32 $0xFFFFD800  }
0x139: {  	[hbm4b:s0+s2] =	stream.linear.scatter [tilespmem:s6], [sflag:$0x3], $0x2800, $0x38;
	[tilespmem:$0x5680] =	vst v63  }
0x13a: {  	_ =	swait.ge [sflag:s4], $0x2800  }
0x13b: {  	[sflag:s4] =	ssyncset.done $0x0  }
0x13c: {  	[sflag:s4] =	ssyncadd.s32 $0xFFFFD800  }
0x13d: {  	[tilespmem:s6], [sflag:$0x2] =	stream.indirect.gather [hbm4b:s3+s11], $0x80, s17, s11, $0xb8;
	[tilespmem:$0x5680] =	vst v63  }
0x13e: {  	_ =	swait.ge [sflag:s12], $0x2800  }
0x13f: {  	[sflag:s12] =	ssyncset.done $0x0  }
0x140: {  	s0 =	rddreg [dreg:$0x12];
	[sflag:s12] =	ssyncadd.s32 $0xFFFFD800  }
0x141: {  	[hbm4b:s0+s2] =	stream.linear.scatter [tilespmem:s9], [sflag:$0x3], $0x2800, $0x38;
	[tilespmem:$0x5680] =	vst v63  }
0x142: {  	_ =	swait.ge [sflag:s4], $0x2800  }
0x143: {  	[sflag:s4] =	ssyncset.done $0x0  }
0x144: {  	[sflag:s4] =	ssyncadd.s32 $0xFFFFD800  }
0x145: {  	[tilespmem:s9], [sflag:$0x1] =	stream.indirect.gather [hbm4b:s3+s11], $0x80, s16, s11, $0xb8;
	[tilespmem:$0x5680] =	vst v63  }
0x146: {  	_ =	swait.ge [sflag:s8], $0x2800  }
0x147: {  	[sflag:s8] =	ssyncset.done $0x0  }
0x148: {  	s0 =	rddreg [dreg:$0x13];
	[sflag:s8] =	ssyncadd.s32 $0xFFFFD800  }
0x149: {  	[hbm4b:s0+s2] =	stream.linear.scatter [tilespmem:s6], [sflag:$0x3], $0x2800, $0x38;
	[tilespmem:$0x5680] =	vst v63  }
0x14a: {  	_ =	swait.ge [sflag:s4], $0x2800  }
0x14b: {  	[sflag:s4] =	ssyncset.done $0x0  }
0x14c: {  	[sflag:s4] =	ssyncadd.s32 $0xFFFFD800  }
0x14d: {  	[tilespmem:s6], [sflag:$0x2] =	stream.indirect.gather [hbm4b:s3+s11], $0x80, s15, s11, $0xb8;
	[tilespmem:$0x5680] =	vst v63  }
0x14e: {  	_ =	swait.ge [sflag:s12], $0x2800  }
0x14f: {  	[sflag:s12] =	ssyncset.done $0x0  }
0x150: {  	s0 =	rddreg [dreg:$0x14];
	[sflag:s12] =	ssyncadd.s32 $0xFFFFD800  }
0x151: {  	[hbm4b:s0+s2] =	stream.linear.scatter [tilespmem:s9], [sflag:$0x3], $0x2800, $0x38;
	[tilespmem:$0x5680] =	vst v63  }
0x152: {  	_ =	swait.ge [sflag:s4], $0x2800  }
0x153: {  	[sflag:s4] =	ssyncset.done $0x0  }
0x154: {  	[sflag:s4] =	ssyncadd.s32 $0xFFFFD800  }
0x155: {  	[tilespmem:s9], [sflag:$0x1] =	stream.indirect.gather [hbm4b:s3+s11], $0x80, s14, s11, $0xb8;
	[tilespmem:$0x5680] =	vst v63  }
0x156: {  	_ =	swait.ge [sflag:s8], $0x2800  }
0x157: {  	[sflag:s8] =	ssyncset.done $0x0  }
0x158: {  	[sflag:s8] =	ssyncadd.s32 $0xFFFFD800  }
0x159: {  	[hbm4b:s10+s2] =	stream.linear.scatter [tilespmem:s6], [sflag:$0x3], $0x2800, $0x38;
	[tilespmem:$0x5680] =	vst v63  }
0x15a: {  	_ =	swait.ge [sflag:s4], $0x2800  }
0x15b: {  	[sflag:s4] =	ssyncset.done $0x0  }
0x15c: {  	[sflag:s4] =	ssyncadd.s32 $0xFFFFD800  }
0x15d: {  	[tilespmem:s6], [sflag:$0x2] =	stream.indirect.gather [hbm4b:s3+s11], $0x80, s13, s11, $0xb8;
	[tilespmem:$0x5680] =	vst v63  }
0x15e: {  	_ =	swait.ge [sflag:s12], $0x2800  }
0x15f: {  	[sflag:s12] =	ssyncset.done $0x0  }
0x160: {  	[sflag:s12] =	ssyncadd.s32 $0xFFFFD800  }
0x161: {  	[hbm4b:s7+s2] =	stream.linear.scatter [tilespmem:s9], [sflag:$0x3], $0x2800, $0x38;
	[tilespmem:$0x5680] =	vst v63  }
0x162: {  	_ =	swait.ge [sflag:s4], $0x2800  }
0x163: {  	[sflag:s4] =	ssyncset.done $0x0  }
0x164: {  	[sflag:s4] =	ssyncadd.s32 $0xFFFFD800  }
0x165: {  	p1 =	sne.s32 s1, $0x1;
	_ =	swait.ge [sflag:s8], $0x2800  }
.Ltmp2:
0x166: {  	[sflag:s8] =	ssyncset.done $0x0;
	(pc) =	sbr.rel @p1 .LBB2_2-.Ltmp2, $4  }
0x167: {  	[sflag:s8] =	ssyncadd.s32 $0xFFFFD800  }
0x168: {  	[hbm4b:s5+s2] =	stream.linear.scatter [tilespmem:s6], [sflag:$0x3], $0x2800, $0x38;
	[tilespmem:$0x5680] =	vst v63  }
0x169: {  	_ =	swait.ge [sflag:s4], $0x2800  }
0x16a: {  	s1 =	sadd.s32 $0xFFFFFFFF, s1;
	s0 =	rddreg [dreg:$0x3];
	[sflag:s4] =	ssyncset.done $0x0  }
.LBB2_3:
0x16b: {  	[sflag:s4] =	ssyncadd.s32 @p0 $0xFFFFD800  }
0x16c: {  	[tilespmem:s2], [sflag:$0x3] =	stream.linear.gather [hbm4b:s0+s2], $0x640, $0x38;
	[tilespmem:$0x5680] =	vst v63  }
0x16d: {  	_ =	swait.ge [sflag:s4], $0x640  }
0x16e: {  	[sflag:s4] =	ssyncset.done $0x0  }
0x16f: {  	[sflag:s4] =	ssyncadd.s32 $0xFFFFF9C0  }
0x170: {  	[tilespmem:s9], [sflag:$0x1] =	stream.indirect.gather [hbm4b:s3+s11], $0x80, s2, s11, $0xb8;
	[tilespmem:$0x5680] =	vst v63  }
0x171: {  	_ = 	snop  }
0x172: {  	[tilespmem:s6], [sflag:$0x2] =	stream.indirect.gather [hbm4b:s3+s11], $0x80, s11, s11, $0xb8;
	[tilespmem:$0x5680] =	vst v63  }
0x173: {  	_ =	swait.ge [sflag:s12], $0x2800  }
0x174: {  	[sflag:s12] =	ssyncset.done $0x0  }
0x175: {  	s1 =	rddreg [dreg:$0x4];
	[sflag:s12] =	ssyncadd.s32 $0xFFFFD800  }
0x176: {  	[hbm4b:s1+s2] =	stream.linear.scatter [tilespmem:s9], [sflag:$0x3], $0x2800, $0x38;
	[tilespmem:$0x5680] =	vst v63  }
0x177: {  	_ =	swait.ge [sflag:s4], $0x2800  }
0x178: {  	[sflag:s4] =	ssyncset.done $0x0  }
0x179: {  	[sflag:s4] =	ssyncadd.s32 $0xFFFFD800  }
0x17a: {  	[tilespmem:s9], [sflag:$0x1] =	stream.indirect.gather [hbm4b:s3+s11], $0x80, s31, s11, $0xb8;
	[tilespmem:$0x5680] =	vst v63  }
0x17b: {  	_ =	swait.ge [sflag:s8], $0x2800  }
0x17c: {  	[sflag:s8] =	ssyncset.done $0x0  }
0x17d: {  	s1 =	rddreg [dreg:$0x5];
	[sflag:s8] =	ssyncadd.s32 $0xFFFFD800  }
0x17e: {  	[hbm4b:s1+s2] =	stream.linear.scatter [tilespmem:s6], [sflag:$0x3], $0x2800, $0x38;
	[tilespmem:$0x5680] =	vst v63  }
0x17f: {  	_ =	swait.ge [sflag:s4], $0x2800  }
0x180: {  	[sflag:s4] =	ssyncset.done $0x0  }
0x181: {  	[sflag:s4] =	ssyncadd.s32 $0xFFFFD800  }
0x182: {  	[tilespmem:s6], [sflag:$0x2] =	stream.indirect.gather [hbm4b:s3+s11], $0x80, s30, s11, $0xb8;
	[tilespmem:$0x5680] =	vst v63  }
0x183: {  	_ =	swait.ge [sflag:s12], $0x2800  }
0x184: {  	[sflag:s12] =	ssyncset.done $0x0  }
0x185: {  	s31 =	rddreg [dreg:$0x6];
	[sflag:s12] =	ssyncadd.s32 $0xFFFFD800  }
0x186: {  	[hbm4b:s31+s2] =	stream.linear.scatter [tilespmem:s9], [sflag:$0x3], $0x2800, $0x38;
	[tilespmem:$0x5680] =	vst v63  }
0x187: {  	_ =	swait.ge [sflag:s4], $0x2800  }
0x188: {  	[sflag:s4] =	ssyncset.done $0x0  }
0x189: {  	[sflag:s4] =	ssyncadd.s32 $0xFFFFD800  }
0x18a: {  	[tilespmem:s9], [sflag:$0x1] =	stream.indirect.gather [hbm4b:s3+s11], $0x80, s29, s11, $0xb8;
	[tilespmem:$0x5680] =	vst v63  }
0x18b: {  	_ =	swait.ge [sflag:s8], $0x2800  }
0x18c: {  	[sflag:s8] =	ssyncset.done $0x0  }
0x18d: {  	s1 =	rddreg [dreg:$0x7];
	[sflag:s8] =	ssyncadd.s32 $0xFFFFD800  }
0x18e: {  	[hbm4b:s1+s2] =	stream.linear.scatter [tilespmem:s6], [sflag:$0x3], $0x2800, $0x38;
	[tilespmem:$0x5680] =	vst v63  }
0x18f: {  	_ =	swait.ge [sflag:s4], $0x2800  }
0x190: {  	[sflag:s4] =	ssyncset.done $0x0  }
0x191: {  	[sflag:s4] =	ssyncadd.s32 $0xFFFFD800  }
0x192: {  	[tilespmem:s6], [sflag:$0x2] =	stream.indirect.gather [hbm4b:s3+s11], $0x80, s28, s11, $0xb8;
	[tilespmem:$0x5680] =	vst v63  }
0x193: {  	_ =	swait.ge [sflag:s12], $0x2800  }
0x194: {  	[sflag:s12] =	ssyncset.done $0x0  }
0x195: {  	s28 =	rddreg [dreg:$0x8];
	[sflag:s12] =	ssyncadd.s32 $0xFFFFD800  }
0x196: {  	[hbm4b:s28+s2] =	stream.linear.scatter [tilespmem:s9], [sflag:$0x3], $0x2800, $0x38;
	[tilespmem:$0x5680] =	vst v63  }
0x197: {  	_ =	swait.ge [sflag:s4], $0x2800  }
0x198: {  	[sflag:s4] =	ssyncset.done $0x0  }
0x199: {  	[sflag:s4] =	ssyncadd.s32 $0xFFFFD800  }
0x19a: {  	[tilespmem:s9], [sflag:$0x1] =	stream.indirect.gather [hbm4b:s3+s11], $0x80, s26, s11, $0xb8;
	[tilespmem:$0x5680] =	vst v63  }
0x19b: {  	_ =	swait.ge [sflag:s8], $0x2800  }
0x19c: {  	[sflag:s8] =	ssyncset.done $0x0  }
0x19d: {  	s29 =	rddreg [dreg:$0x9];
	[sflag:s8] =	ssyncadd.s32 $0xFFFFD800  }
0x19e: {  	[hbm4b:s29+s2] =	stream.linear.scatter [tilespmem:s6], [sflag:$0x3], $0x2800, $0x38;
	[tilespmem:$0x5680] =	vst v63  }
0x19f: {  	_ =	swait.ge [sflag:s4], $0x2800  }
0x1a0: {  	[sflag:s4] =	ssyncset.done $0x0  }
0x1a1: {  	[sflag:s4] =	ssyncadd.s32 $0xFFFFD800  }
0x1a2: {  	[tilespmem:s6], [sflag:$0x2] =	stream.indirect.gather [hbm4b:s3+s11], $0x80, s25, s11, $0xb8;
	[tilespmem:$0x5680] =	vst v63  }
0x1a3: {  	_ =	swait.ge [sflag:s12], $0x2800  }
0x1a4: {  	[sflag:s12] =	ssyncset.done $0x0  }
0x1a5: {  	s30 =	rddreg [dreg:$0xa];
	[sflag:s12] =	ssyncadd.s32 $0xFFFFD800  }
0x1a6: {  	[hbm4b:s30+s2] =	stream.linear.scatter [tilespmem:s9], [sflag:$0x3], $0x2800, $0x38;
	[tilespmem:$0x5680] =	vst v63  }
0x1a7: {  	_ =	swait.ge [sflag:s4], $0x2800  }
0x1a8: {  	[sflag:s4] =	ssyncset.done $0x0  }
0x1a9: {  	[sflag:s4] =	ssyncadd.s32 $0xFFFFD800  }
0x1aa: {  	[tilespmem:s9], [sflag:$0x1] =	stream.indirect.gather [hbm4b:s3+s11], $0x80, s24, s11, $0xb8;
	[tilespmem:$0x5680] =	vst v63  }
0x1ab: {  	_ =	swait.ge [sflag:s8], $0x2800  }
0x1ac: {  	[sflag:s8] =	ssyncset.done $0x0  }
0x1ad: {  	s31 =	rddreg [dreg:$0xb];
	[sflag:s8] =	ssyncadd.s32 $0xFFFFD800  }
0x1ae: {  	[hbm4b:s31+s2] =	stream.linear.scatter [tilespmem:s6], [sflag:$0x3], $0x2800, $0x38;
	[tilespmem:$0x5680] =	vst v63  }
0x1af: {  	_ =	swait.ge [sflag:s4], $0x2800  }
0x1b0: {  	[sflag:s4] =	ssyncset.done $0x0  }
0x1b1: {  	[sflag:s4] =	ssyncadd.s32 $0xFFFFD800  }
0x1b2: {  	[tilespmem:s6], [sflag:$0x2] =	stream.indirect.gather [hbm4b:s3+s11], $0x80, s23, s11, $0xb8;
	[tilespmem:$0x5680] =	vst v63  }
0x1b3: {  	_ =	swait.ge [sflag:s12], $0x2800  }
0x1b4: {  	[sflag:s12] =	ssyncset.done $0x0  }
0x1b5: {  	s1 =	rddreg [dreg:$0xc];
	[sflag:s12] =	ssyncadd.s32 $0xFFFFD800  }
0x1b6: {  	[hbm4b:s1+s2] =	stream.linear.scatter [tilespmem:s9], [sflag:$0x3], $0x2800, $0x38;
	[tilespmem:$0x5680] =	vst v63  }
0x1b7: {  	_ =	swait.ge [sflag:s4], $0x2800  }
0x1b8: {  	[sflag:s4] =	ssyncset.done $0x0  }
0x1b9: {  	[sflag:s4] =	ssyncadd.s32 $0xFFFFD800  }
0x1ba: {  	[tilespmem:s9], [sflag:$0x1] =	stream.indirect.gather [hbm4b:s3+s11], $0x80, s22, s11, $0xb8;
	[tilespmem:$0x5680] =	vst v63  }
0x1bb: {  	_ =	swait.ge [sflag:s8], $0x2800  }
0x1bc: {  	[sflag:s8] =	ssyncset.done $0x0  }
0x1bd: {  	s22 =	rddreg [dreg:$0xd];
	[sflag:s8] =	ssyncadd.s32 $0xFFFFD800  }
0x1be: {  	[hbm4b:s22+s2] =	stream.linear.scatter [tilespmem:s6], [sflag:$0x3], $0x2800, $0x38;
	[tilespmem:$0x5680] =	vst v63  }
0x1bf: {  	_ =	swait.ge [sflag:s4], $0x2800  }
0x1c0: {  	[sflag:s4] =	ssyncset.done $0x0  }
0x1c1: {  	[sflag:s4] =	ssyncadd.s32 $0xFFFFD800  }
0x1c2: {  	[tilespmem:s6], [sflag:$0x2] =	stream.indirect.gather [hbm4b:s3+s11], $0x80, s21, s11, $0xb8;
	[tilespmem:$0x5680] =	vst v63  }
0x1c3: {  	_ =	swait.ge [sflag:s12], $0x2800  }
0x1c4: {  	[sflag:s12] =	ssyncset.done $0x0  }
0x1c5: {  	s23 =	rddreg [dreg:$0xe];
	[sflag:s12] =	ssyncadd.s32 $0xFFFFD800  }
0x1c6: {  	[hbm4b:s23+s2] =	stream.linear.scatter [tilespmem:s9], [sflag:$0x3], $0x2800, $0x38;
	[tilespmem:$0x5680] =	vst v63  }
0x1c7: {  	_ =	swait.ge [sflag:s4], $0x2800  }
0x1c8: {  	[sflag:s4] =	ssyncset.done $0x0  }
0x1c9: {  	[sflag:s4] =	ssyncadd.s32 $0xFFFFD800  }
0x1ca: {  	[tilespmem:s9], [sflag:$0x1] =	stream.indirect.gather [hbm4b:s3+s11], $0x80, s20, s11, $0xb8;
	[tilespmem:$0x5680] =	vst v63  }
0x1cb: {  	_ =	swait.ge [sflag:s8], $0x2800  }
0x1cc: {  	[sflag:s8] =	ssyncset.done $0x0  }
0x1cd: {  	s24 =	rddreg [dreg:$0xf];
	[sflag:s8] =	ssyncadd.s32 $0xFFFFD800  }
0x1ce: {  	[hbm4b:s24+s2] =	stream.linear.scatter [tilespmem:s6], [sflag:$0x3], $0x2800, $0x38;
	[tilespmem:$0x5680] =	vst v63  }
0x1cf: {  	_ =	swait.ge [sflag:s4], $0x2800  }
0x1d0: {  	[sflag:s4] =	ssyncset.done $0x0  }
0x1d1: {  	[sflag:s4] =	ssyncadd.s32 $0xFFFFD800  }
0x1d2: {  	[tilespmem:s6], [sflag:$0x2] =	stream.indirect.gather [hbm4b:s3+s11], $0x80, s19, s11, $0xb8;
	[tilespmem:$0x5680] =	vst v63  }
0x1d3: {  	_ =	swait.ge [sflag:s12], $0x2800  }
0x1d4: {  	[sflag:s12] =	ssyncset.done $0x0  }
0x1d5: {  	s25 =	rddreg [dreg:$0x10];
	[sflag:s12] =	ssyncadd.s32 $0xFFFFD800  }
0x1d6: {  	[hbm4b:s25+s2] =	stream.linear.scatter [tilespmem:s9], [sflag:$0x3], $0x2800, $0x38;
	[tilespmem:$0x5680] =	vst v63  }
0x1d7: {  	_ =	swait.ge [sflag:s4], $0x2800  }
0x1d8: {  	[sflag:s4] =	ssyncset.done $0x0  }
0x1d9: {  	[sflag:s4] =	ssyncadd.s32 $0xFFFFD800  }
0x1da: {  	[tilespmem:s9], [sflag:$0x1] =	stream.indirect.gather [hbm4b:s3+s11], $0x80, s18, s11, $0xb8;
	[tilespmem:$0x5680] =	vst v63  }
0x1db: {  	_ =	swait.ge [sflag:s8], $0x2800  }
0x1dc: {  	[sflag:s8] =	ssyncset.done $0x0  }
0x1dd: {  	s26 =	rddreg [dreg:$0x11];
	[sflag:s8] =	ssyncadd.s32 $0xFFFFD800  }
0x1de: {  	[hbm4b:s26+s2] =	stream.linear.scatter [tilespmem:s6], [sflag:$0x3], $0x2800, $0x38;
	[tilespmem:$0x5680] =	vst v63  }
0x1df: {  	_ =	swait.ge [sflag:s4], $0x2800  }
0x1e0: {  	[sflag:s4] =	ssyncset.done $0x0  }
0x1e1: {  	[sflag:s4] =	ssyncadd.s32 $0xFFFFD800  }
0x1e2: {  	[tilespmem:s6], [sflag:$0x2] =	stream.indirect.gather [hbm4b:s3+s11], $0x80, s17, s11, $0xb8;
	[tilespmem:$0x5680] =	vst v63  }
0x1e3: {  	_ =	swait.ge [sflag:s12], $0x2800  }
0x1e4: {  	[sflag:s12] =	ssyncset.done $0x0  }
0x1e5: {  	s28 =	rddreg [dreg:$0x12];
	[sflag:s12] =	ssyncadd.s32 $0xFFFFD800  }
0x1e6: {  	[hbm4b:s28+s2] =	stream.linear.scatter [tilespmem:s9], [sflag:$0x3], $0x2800, $0x38;
	[tilespmem:$0x5680] =	vst v63  }
0x1e7: {  	_ =	swait.ge [sflag:s4], $0x2800  }
0x1e8: {  	[sflag:s4] =	ssyncset.done $0x0  }
0x1e9: {  	[sflag:s4] =	ssyncadd.s32 $0xFFFFD800  }
0x1ea: {  	[tilespmem:s9], [sflag:$0x1] =	stream.indirect.gather [hbm4b:s3+s11], $0x80, s16, s11, $0xb8;
	[tilespmem:$0x5680] =	vst v63  }
0x1eb: {  	_ =	swait.ge [sflag:s8], $0x2800  }
0x1ec: {  	[sflag:s8] =	ssyncset.done $0x0  }
0x1ed: {  	s29 =	rddreg [dreg:$0x13];
	[sflag:s8] =	ssyncadd.s32 $0xFFFFD800  }
0x1ee: {  	[hbm4b:s29+s2] =	stream.linear.scatter [tilespmem:s6], [sflag:$0x3], $0x2800, $0x38;
	[tilespmem:$0x5680] =	vst v63  }
0x1ef: {  	_ =	swait.ge [sflag:s4], $0x2800  }
0x1f0: {  	[sflag:s4] =	ssyncset.done $0x0  }
0x1f1: {  	[sflag:s4] =	ssyncadd.s32 $0xFFFFD800  }
0x1f2: {  	[tilespmem:s6], [sflag:$0x2] =	stream.indirect.gather [hbm4b:s3+s11], $0x80, s15, s11, $0xb8;
	[tilespmem:$0x5680] =	vst v63  }
0x1f3: {  	_ =	swait.ge [sflag:s12], $0x2800  }
0x1f4: {  	[sflag:s12] =	ssyncset.done $0x0  }
0x1f5: {  	s30 =	rddreg [dreg:$0x14];
	[sflag:s12] =	ssyncadd.s32 $0xFFFFD800  }
0x1f6: {  	[hbm4b:s30+s2] =	stream.linear.scatter [tilespmem:s9], [sflag:$0x3], $0x2800, $0x38;
	[tilespmem:$0x5680] =	vst v63  }
0x1f7: {  	_ =	swait.ge [sflag:s4], $0x2800  }
0x1f8: {  	[sflag:s4] =	ssyncset.done $0x0  }
0x1f9: {  	[sflag:s4] =	ssyncadd.s32 $0xFFFFD800  }
0x1fa: {  	[tilespmem:s9], [sflag:$0x1] =	stream.indirect.gather [hbm4b:s3+s11], $0x80, s14, s11, $0xb8;
	[tilespmem:$0x5680] =	vst v63  }
0x1fb: {  	_ =	swait.ge [sflag:s8], $0x2800  }
0x1fc: {  	[sflag:s8] =	ssyncset.done $0x0  }
0x1fd: {  	[sflag:s8] =	ssyncadd.s32 $0xFFFFD800  }
0x1fe: {  	[hbm4b:s10+s2] =	stream.linear.scatter [tilespmem:s6], [sflag:$0x3], $0x2800, $0x38;
	[tilespmem:$0x5680] =	vst v63  }
0x1ff: {  	_ =	swait.ge [sflag:s4], $0x2800  }
0x200: {  	[sflag:s4] =	ssyncset.done $0x0  }
0x201: {  	[sflag:s4] =	ssyncadd.s32 $0xFFFFD800  }
0x202: {  	[tilespmem:s6], [sflag:$0x2] =	stream.indirect.gather [hbm4b:s3+s11], $0x80, s13, s11, $0xb8;
	[tilespmem:$0x5680] =	vst v63  }
0x203: {  	_ =	swait.ge [sflag:s12], $0x2800  }
0x204: {  	[sflag:s12] =	ssyncset.done $0x0  }
0x205: {  	[sflag:s12] =	ssyncadd.s32 $0xFFFFD800  }
0x206: {  	[hbm4b:s7+s2] =	stream.linear.scatter [tilespmem:s9], [sflag:$0x3], $0x2800, $0x38;
	[tilespmem:$0x5680] =	vst v63  }
0x207: {  	_ =	swait.ge [sflag:s4], $0x2800  }
0x208: {  	[sflag:s4] =	ssyncset.done $0x0  }
0x209: {  	[sflag:s4] =	ssyncadd.s32 $0xFFFFD800  }
0x20a: {  	_ =	swait.ge [sflag:s8], $0x2800  }
0x20b: {  	[sflag:s8] =	ssyncset.done $0x0  }
0x20c: {  	[sflag:s8] =	ssyncadd.s32 $0xFFFFD800  }
0x20d: {  	[hbm4b:s5+s2] =	stream.linear.scatter [tilespmem:s6], [sflag:$0x3], $0x2800, $0x38;
	[tilespmem:$0x5680] =	vst v63  }
0x20e: {  	_ =	swait.ge [sflag:s4], $0x2800  }
0x20f: {  	[sflag:s4] =	ssyncset.done $0x0  }
0x210: {  	[sflag:s4] =	ssyncadd.s32 $0xFFFFD800  }
0x211: {  	_ =	sfence.sel $0x180000  }
0x212: {  	[bflag:$0x0] =	sbarrier.arrive $0xFFFF  }
0x213: {  	_ =	strace $0x9000004A  }
0x214: {  	s31 =	stileid.u32;
	[bflag:$0x2] =	sbarrier.arrive $0xFFFF  }
0x215: {  	p0 =	sne.s32 s31, $0x0;
	s0 =	rddreg [dreg:$0x2]  }
0x216: {  	s0 =	sadd.s32 @!p0 $0x100000, s0  }
0x217: {  	[sflag:s0] =	ssyncadd.tile.s32 @!p0 $0x1;
	_ =	shalt  }
.Lfunc_end2:
_tile_overlayer_lowered:
.L_overlay_start_2:
0x218: {  	(tag) =	ssettag $0x2  }
0x219: {  	s0 =	rddreg [dreg:$0x0];
	s2 =	stileid.u32  }
0x21a: {  	s1 =	rddreg [dreg:$0x1];
	p0 =	sne.s32 s2, $0x0  }
0x21b: {  	s3 =	rddreg [dreg:$0x2];
	[bflag:$0x3] =	sbarrier.arrive $0xFFFF;
	s2 =	simm.s32 @!p0 $0x1C03  }
0x21c: {  	[timem:s3], [sflag:s2] =	dma.local @!p0 [hbm:s0], s1  }
0x21d: {  	s0 =	simm.s32 @!p0 $0x3  }
0x21e: {  	_ =	swait.ge @!p0 [sflag:s0], s1  }
0x21f: {  	s1 =	ssub.s32 @!p0 $0x0, s1;
	[sflag:s0] =	ssyncset.done @!p0 $0x0  }
0x220: {  	[sflag:s0] =	ssyncadd.s32 @!p0 s1  }
0x221: {  	[bflag:$0x3] =	sbarrier.arrive $0xFFFF  }
0x222: {  	_ =	shalt  }

// kernel: sparse-core-data-format-call.cloned.1.call-start
scs
called_computation_lowered:
.L_overlay_start_0:
0x0: {  	s2 =	sld [smem:$0x3FD9]  }
0x1: {  	s3 =	sld [smem:$0x3FFE];
	_ =	sdelay $0x1  }
0x2: {  	s1 =	srdreg.scid  }
0x3: {  	s0 =	sand.u32 $0x1, s1  }
0x4: {  	s16 =	sshll.u32 s0, $0xA;
	s2 =	sadd.s32 s3, s2  }
0x5: {  	s2 =	sadd.s32 s2, s16  }
0x6: {  	[smem:$0x3FC3] =	sst s2  }
0x7: {  	_ = 	snop  }
0x8: {  	s2 =	sld [smem:$0x3FD0];
	_ =	sdelay $0x2  }
0x9: {  	s17 =	simm.s32 $0xB;
	s4 =	simm.s32 $0x10  }
0xa: {  	[smem:s4], [sflag:s17] =	dma.local [hbm:s2], $0x1  }
0xb: {  	_ =	swait.eq [sflag:s17], $0x1  }
0xc: {  	[sflag:s17] =	ssyncset.done $0x0  }
0xd: {  	[sflag:s17] =	ssyncadd.s32 $0xFFFFFFFF  }
0xe: {  	s18 =	sld [smem:$0x12];
	(tm) =	ssettm $0x1  }
0xf: {  	s19 =	sld [smem:$0x3FFB];
	_ =	sdelay $0x3  }
0x10: {  	_ =	strace s19  }
0x11: {  	s2 =	sld [smem:$0x3FFC];
	_ =	sdelay $0x3  }
0x12: {  	_ =	strace s2  }
0x13: {  	s2 =	sld [smem:$0x3FFD];
	_ =	sdelay $0x3  }
0x14: {  	_ =	strace s2  }
0x15: {  	_ =	strace $0x8FFFFFFF  }
0x16: {  	s20 =	sld [smem:$0x3FDB];
	_ =	sdelay $0x1  }
0x17: {  	s21 =	simm.s32 $_scs_section_size  }
0x18: {  	s5 =	simm.s32 $_size__tile_overlayer_lowered;
	s6 =	simm.s32 $_tile_overlayer_lowered  }
0x19: {  	s7 =	simm.s32 $0x1BFF;
	s22 =	sshll.u32 s6, $0x1;
	s4 =	sadd.s32 s21, s20  }
0x1a: {  	s23 =	simm.s32 $0x0;
	s5 =	sshll.u32 s5, $0x1;
	s6 =	sadd.s32 s22, s4  }
0x1b: {  	[timem:s23], [sflag:s7] =	dma.local [hbm:s6], s5  }
0x1c: {  	_ =	swait.ge [sflag:s7], s5  }
0x1d: {  	s5 =	ssub.s32 $0x0, s5;
	[sflag:s7] =	ssyncset.done $0x0  }
0x1e: {  	[sflag:s7] =	ssyncadd.s32 s5;
	_ =	sdelay $0x1  }
0x1f: {  	s24 =	simm.s32 $0x1B8B  }
0x20: {  	_ =	swait.ge [sflag:s24], $0x1  }
0x21: {  	[sflag:s24] =	ssyncset.done $0x0  }
0x22: {  	[sflag:s24] =	ssyncadd.s32 $0xFFFFFFFF  }
0x23: {  	s5 =	sld [smem:$0x0]  }
0x24: {  	s6 =	sand.u32 $0xFFFFFFFE, s1  }
0x25: {  	p0 =	sne.s32 s1, s6  }
0x26: {  	s6 =	sshll.u32 @p0 s6, $0xE  }
0x27: {  	s6 =	sadd.s32 @p0 $0x11B8D, s6;
	s7 =	sshll.u32 @p0 s5, $0x11  }
0x28: {  	s6 =	sor.u32 @p0 s7, s6  }
0x29: {  	[sflag:s6] =	ssyncadd.remote.s32 @p0 $0x1;
	_ =	sdelay $0x1  }
0x2a: {  	s6 =	simm.s32 @p0 $0x1B8D  }
0x2b: {  	_ =	swait.eq @p0 [sflag:s6], $0x1  }
0x2c: {  	[sflag:s6] =	ssyncadd.s32 @p0 $0xFFFFFFFF  }
0x2d: {  	s7 =	sshll.u32 @!p0 s1, $0xE  }
0x2e: {  	s7 =	sor.u32 @!p0 $0x4000, s7;
	s6 =	simm.s32 @!p0 $0x1B8D  }
0x2f: {  	s5 =	sshll.u32 @!p0 s5, $0x11;
	s7 =	sadd.s32 @!p0 $0x11B8D, s7;
	_ =	swait.eq @!p0 [sflag:s6], $0x1  }
0x30: {  	s5 =	sor.u32 @!p0 s5, s7;
	[sflag:s6] =	ssyncadd.s32 @!p0 $0xFFFFFFFF  }
0x31: {  	s26 =	simm.s32 $0x1B8E;
	s25 =	sld [smem:$0x3FFE];
	[sflag:s5] =	ssyncadd.remote.s32 @!p0 $0x1  }
0x32: {  	s27 =	simm.s32 $execute0_lowered;
	[smem:$0x3FD2] =	sst s26  }
0x33: {  	s6 =	sshll.u32 s27, $0x1;
	_ =	strace $0x8000004C;
	[dreg:$0x1] =	wrdreg $0xFFFFFFFF  }
0x34: {  	s28 =	simm.s32 $_size_execute0_lowered;
	s4 =	sadd.s32 s4, s6;
	[dreg:$0x0] =	wrdreg $0x0  }
0x35: {  	s6 =	sshll.u32 s28, $0x1;
	[dreg:$0x2] =	wrdreg s4  }
0x36: {  	[dreg:$0x3] =	wrdreg s6  }
0x37: {  	[dreg:$0x4] =	wrdreg $0xC0  }
0x38: {  	_ =	task [dreg:s23], $0x5FFFF  }
0x39: {  	[dreg:$0x1] =	wrdreg $0xFFFFFFFF  }
0x3a: {  	[dreg:$0x0] =	wrdreg $0x60  }
0x3b: {  	[dreg:$0x2] =	wrdreg s25  }
0x3c: {  	[dreg:$0x3] =	wrdreg s18  }
0x3d: {  	[dreg:$0x4] =	wrdreg $0xA  }
0x3e: {  	_ =	task.clear_ibuf [dreg:s23], $0x5FFFF;
	_ =	strace $0x9000004C  }
0x3f: {  	s29 =	simm.s32 $0xA;
	_ =	strace $0x8000004E  }
0x40: {  	_ =	swait.ge [sflag:s29], $0x1  }
0x41: {  	[sflag:s29] =	ssyncadd.s32 $0xFFFFFFFF  }
0x42: {  	_ =	strace $0x9000004E  }
0x43: {  	_ =	sfence  }
0x44: {  	s30 =	sld [smem:$0x0];
	_ =	sdelay $0x2  }
0x45: {  	s31 =	sshll.u32 s1, $0xD;
	s1 =	sshrl.u32 s1, $0x2  }
0x46: {  	s4 =	sand.u32 $0x4000, s31;
	s1 =	sadd.s32 s1, s30  }
0x47: {  	s0 =	sor.u32 s4, s0;
	s1 =	sshll.u32 s1, $0x11  }
0x48: {  	s0 =	sor.u32 s1, s0  }
0x49: {  	s0 =	sadd.s32 $0x8F2B, s0  }
0x4a: {  	[sflag:s0] =	ssyncadd.remote.s32 $0x1  }
0x4b: {  	_ =	sfence.sel $0xFFFF  }
0x4c: {  	[dreg:$0x0] =	wrdreg $0xFFFFFFFF;
	(pc) =	sbr.abs _section_cstart, $3  }
0x4d: {  	[dreg:$0x1] =	wrdreg $0xFFFFFFFF  }
0x4e: {  	_ =	task.clear_ibuf [dreg:s23], $0x2FFFF;
	_ =	strace $0x9FFFFFFF  }
0x4f: {  	(tm) =	ssettm $0x7FFFFFFF  }
tec
execute0_lowered:
.L_overlay_start_1:
0x0: {  	(tag) =	ssettag $0x1  }
0x1: {  	s4 =	rddreg [dreg:$0x0]  }
0x2: {  	s0 =	stileid.u32;
	s2 =	rddreg [dreg:$0x1]  }
0x3: {  	s7 =	srdreg.scid;
	s31 =	simm.s32 $0x2;
	s17 =	simm.s32 $0x0  }
0x4: {  	s9 =	simm.s32 $0x2000;
	s19 =	simm.s32 $0x0;
	s18 =	simm.s32 $0x0  }
0x5: {  	s10 =	simm.s32 $0x0;
	s11 =	simm.s32 $0x0;
	s1 =	sshll.u32 s0, $0x7  }
0x6: {  	s12 =	simm.s32 $0x0;
	s14 =	simm.s32 $0x0;
	s3 =	sand.u32 $0x380, s1  }
0x7: {  	s16 =	simm.s32 $0x0;
	s4 =	sadd.s32 $0x7ED600, s4;
	s5 =	ssub.s32 $0x400, s3  }
0x8: {  	s8 =	sshll.u32 s0, $0x4;
	s7 =	sshll.u32 s7, $0x8;
	s6 =	sand.u32 $0x380, s5  }
0x9: {  	s1 =	rddreg [dreg:$0x2];
	p0 =	sne.s32 s6, $0x0;
	s6 =	simm.s32 $0x1  }
.Ltmp0:
0xa: {  	s5 =	sshrl.u32 s5, $0xA;
	s6 =	simm.s32 @!p0 $0x0;
	(pc) =	sbr.rel .LBB1_1-.Ltmp0, $4  }
0xb: {  	_ =	strace $0x8000004D;
	s7 =	sor.u32 s8, s7;
	s6 =	sadd.s32 s6, s5  }
0xc: {  	s7 =	sand.u32 $0x180, s7;
	s5 =	simm.s32 $0x1;
	s6 =	smul.u32 $0x64, s6  }
0xd: {  	s15 =	smov.u32 s3;
	s13 =	smov.u32 s7;
	[sflag:s5] =	ssyncpa.u1 $0x0  }
0xe: {  	p0 =	por $0x0, $0x0;
	[sflag:s31] =	ssyncpa.u1 $0x0;
	s8 =	sor.u32 $0x1, s6  }
.LBB1_4:
0xf: {  	s25 =	sshll.u32 s10, $0xA;
	s24 =	sshra.s32 s24, $0x2;
	s26 =	sshll.u32 s12, $0x3  }
0x10: {  	p1 =	sgt.s32 s11, $0x31;
	s27 =	smov.u32 s11;
	s28 =	sshra.s32 s11, $0x1F  }
0x11: {  	p2 =	sgt.s32 s12, $0x380;
	s31 =	sshra.s32 s12, $0x1F;
	s25 =	sand.u32 $0xFFFFE000, s25  }
0x12: {  	s26 =	sand.u32 $0xFFFFFC00, s26;
	s27 =	simm.s32 @!p1 $0x31;
	s28 =	sand.u32 s28, s11  }
0x13: {  	[tilespmem:s22+$0x2040 ss:$0x81] =	vst.msk $0xffff, v4;
	s23 =	sadd.s32 s24, s23;
	s29 =	sadd.s32 s26, s25;
	s25 =	ssub.s32 s27, s28  }
0x14: {  	[tilespmem:s22+$0x2850 ss:$0x81] =	vst.msk $0xffff, v3;
	s27 =	smov.u32 s12;
	s28 =	smov.u32 s10;
	s26 =	sand.u32 s31, s12  }
0x15: {  	[tilespmem:s22+$0x3060 ss:$0x81] =	vst.msk $0xffff, v2;
	s24 =	sshrl.u32 s29, $0xA;
	s30 =	sadd.s32 $0xFFFFFFCF, s25;
	s27 =	simm.s32 @!p2 $0x380  }
0x16: {  	v5 =	vld [tilespmem:s21+$0xFFFFFFD0];
	[tilespmem:s22+$0x0 ss:$0x81] =	vst.msk $0xffff, v1;
	p2 =	sgt.s32 s10, $0x368;
	s29 =	sshra.s32 s10, $0x1F;
	s22 =	ssub.s32 $0x32, s25  }
0x17: {  	v58 =	vld [tilespmem:s21+$0xFFFFFFE0];
	p1 =	sgt.s32 s30, $0x0;
	s28 =	simm.s32 @!p2 $0x368;
	s29 =	sand.u32 s29, s10  }
0x18: {  	v59 =	vld [tilespmem:s21+$0xFFFFFFF0];
	s26 =	ssub.s32 s27, s26;
	s27 =	smulhi.u32 $0x418938, s24;
	s28 =	ssub.s32 s28, s29  }
0x19: {  	v60 =	vld [tilespmem:s21+$0x0];
	s30 =	sadd.s32 $0xFFFFFC80, s26;
	s25 =	ssub.s32 $0x400, s26;
	s22 =	simm.s32 @p1 $0x0  }
0x1a: {  	v61 =	vld [tilespmem:s21+$0x10];
	[tilespmem:s23+$0x3870 ss:$0x81] =	vst.msk $0xffff, v0;
	s29 =	sand.u32 $0x78, s12;
	p2 =	sgt.s32 s30, $0x7F;
	s31 =	sadd.s32 $0xFFFFFC98, s28  }
0x1b: {  	v62 =	vld [tilespmem:s21+$0x20];
	[tilespmem:s23+$0x810 ss:$0x81] =	vst.msk $0xffff, v5;
	s27 =	smul.u32 $0x3E8, s27;
	s30 =	sshll.u32 s10, $0x7;
	s28 =	ssub.s32 $0x3E8, s28  }
0x1c: {  	v63 =	vld [tilespmem:s21+$0xFFFFFFC0];
	[tilespmem:s23+$0x1020 ss:$0x81] =	vst.msk $0xffff, v58;
	s25 =	simm.s32 @p2 $0x0;
	p1 =	sgt.s32 s31, $0x7F;
	s31 =	smul.u32 $0x1F400, s11  }
0x1d: {  	[tilespmem:s23+$0x1830 ss:$0x81] =	vst.msk $0xffff, v59;
	s21 =	sand.u32 $0x380, s30;
	s22 =	smul.u32 s25, s22;
	s28 =	simm.s32 @p1 $0x0  }
0x1e: {  	[tilespmem:s23+$0x2040 ss:$0x81] =	vst.msk $0xffff, v60;
	s21 =	sor.u32 s29, s21;
	s24 =	ssub.s32 s24, s27;
	s29 =	sand.u32 $0x7, s12  }
0x1f: {  	[tilespmem:s23+$0x2850 ss:$0x81] =	vst.msk $0xffff, v61;
	s21 =	sshrl.u32 s21, $0x3;
	s25 =	sadd.s32 s2, s31;
	s22 =	smul.u32 s28, s22  }
0x20: {  	[tilespmem:s23+$0x3060 ss:$0x81] =	vst.msk $0xffff, v62;
	s24 =	sshll.u32 s24, $0x7;
	s30 =	sshll.u32 s29, $0x12;
	s21 =	sadd.s32 s21, s25  }
0x21: {  	[tilespmem:s23+$0x0 ss:$0x81] =	vst.msk $0xffff, v63;
	s31 =	sor.u32 $0x400, s30;
	s21 =	sadd.s32 s24, s21;
	s22 =	sand.u32 $0x3FFFFFFF, s22  }
0x22: {  	[hbm4b:s21+s31] =	stream.strided.scatter [tilespmem:s20], [sflag:$0x2], s22, s9, s31, $0x20;
	[tilespmem:$0x10100] =	vst v63  }
.LBB1_5:
0x23: {  	p1 =	slt.u32 s16, $0x2  }
0x24: {  	p2 =	sgt.s32 @!p1 s19, $0x31  }
0x25: {  	s20 =	smov.u32 s19;
	s21 =	sshra.s32 @!p1 s19, $0x1F;
	p2 =	por !p2, p1  }
0x26: {  	s19 =	sand.u32 @!p1 s21, s19;
	s20 =	simm.s32 @p2 $0x31  }
0x27: {  	p3 =	sgt.s32 @!p1 s17, $0x368;
	s19 =	ssub.s32 @!p1 s20, s19  }
0x28: {  	p4 =	sgt.s32 @!p1 s18, $0x380;
	s22 =	sshra.s32 @!p1 s18, $0x1F;
	s20 =	sadd.s32 @!p1 $0xFFFFFFCF, s19  }
0x29: {  	s21 =	smov.u32 s17;
	p2 =	sgt.s32 @!p1 s20, $0x0;
	s20 =	sshra.s32 @!p1 s17, $0x1F  }
0x2a: {  	p4 =	por !p4, p1;
	s17 =	sand.u32 @!p1 s20, s17;
	s20 =	smov.u32 s18  }
0x2b: {  	p3 =	por !p3, p1;
	s18 =	sand.u32 @!p1 s22, s18;
	s20 =	simm.s32 @p4 $0x380  }
0x2c: {  	s21 =	simm.s32 @p3 $0x368;
	s19 =	ssub.s32 @!p1 $0x32, s19;
	s18 =	ssub.s32 @!p1 s20, s18  }
0x2d: {  	p2 =	por !p2, p1;
	s17 =	ssub.s32 @!p1 s21, s17;
	s21 =	sadd.s32 @!p1 $0xFFFFFC80, s18  }
0x2e: {  	s19 =	simm.s32 @!p2 $0x0;
	p3 =	sgt.s32 @!p1 s21, $0x7F  }
0x2f: {  	s20 =	sadd.s32 @!p1 $0xFFFFFC98, s17;
	s18 =	ssub.s32 @!p1 $0x400, s18;
	p3 =	por !p3, p1  }
0x30: {  	p2 =	sgt.s32 @!p1 s20, $0x7F;
	s20 =	sadd.s32 $0x200, s13;
	s18 =	simm.s32 @!p3 $0x0  }
0x31: {  	p3 =	sgt.s32 s20, $0x3E6;
	s18 =	smul.u32 @!p1 s18, s19;
	s19 =	simm.s32 $0x1  }
0x32: {  	s17 =	ssub.s32 @!p1 $0x3E8, s17;
	p2 =	por !p2, p1;
	s19 =	simm.s32 @!p3 $0x0  }
0x33: {  	s22 =	smov.u32 s15;
	s17 =	simm.s32 @!p2 $0x0;
	s21 =	sadd.s32 s19, s14  }
0x34: {  	s17 =	smul.u32 @!p1 s17, s18;
	s18 =	sadd.s32 $0x400, s15;
	p2 =	sgt.s32 s21, $0x31  }
0x35: {  	p0 =	por !p0, !p0;
	s23 =	simm.s32 @!p1 $0x2;
	s22 =	smov.u32 @p2 s18  }
0x36: {  	s20 =	smov.u32 @p3 s7;
	s21 =	simm.s32 @p2 $0x0;
	p2 =	sgt.s32 s22, $0x3FF  }
0x37: {  	s19 =	smov.u32 s11;
	s22 =	smov.u32 @p2 s3;
	p2 =	sne.s32 s16, s8  }
.Ltmp1:
0x38: {  	s11 =	smov.u32 s14;
	s17 =	sand.u32 @!p1 $0x3FFFFFFF, s17;
	(pc) =	sbr.rel @!p2 .LBB1_6-.Ltmp1, $4  }
0x39: {  	s18 =	smov.u32 s12;
	s12 =	smov.u32 s15;
	_ =	swait.ge @!p1 [sflag:s23], s17  }
0x3a: {  	s24 =	ssub.s32 @!p1 $0x0, s17;
	s17 =	smov.u32 s10;
	s10 =	smov.u32 s13  }
0x3b: {  	s13 =	smov.u32 s20;
	s14 =	smov.u32 s21;
	[sflag:s23] =	ssyncset.done @!p1 $0x0  }
0x3c: {  	s16 =	sadd.s32 $0x1, s16;
	[sflag:s23] =	ssyncadd.s32 @!p1 s24;
	s15 =	smov.u32 s22  }
.LBB1_1:
0x3d: {  	p1 =	sge.u32 s16, s6  }
0x3e: {  	s20 =	sshll.u32 @!p1 s14, $0xA  }
0x3f: {  	s21 =	sshll.u32 @!p1 s13, $0x3;
	s20 =	sand.u32 @!p1 $0xFFFFE000, s20  }
0x40: {  	s20 =	sadd.s32 @!p1 s20, s21  }
0x41: {  	s20 =	sshrl.u32 @!p1 s20, $0xA  }
0x42: {  	s21 =	smulhi.u32 @!p1 $0x4924925, s20  }
0x43: {  	s22 =	sshll.u32 @!p1 s14, $0x7;
	s24 =	smul.u32 @!p1 $0x1C00, s15  }
0x44: {  	s23 =	sand.u32 @!p1 $0x78, s13;
	s22 =	sand.u32 @!p1 $0x380, s22;
	s21 =	smul.u32 @!p1 $0x38, s21  }
0x45: {  	s31 =	sadd.s32 $0xFFFFFFFF, s16;
	s22 =	sor.u32 @!p1 s23, s22;
	s23 =	sadd.s32 @!p1 s4, s24  }
0x46: {  	s22 =	sshrl.u32 @!p1 s22, $0x3;
	s20 =	ssub.s32 @!p1 s20, s21;
	s21 =	sxor.u32 @!p1 $0xFFFFFFFF, s16  }
0x47: {  	s22 =	sadd.s32 @!p1 s22, s23;
	s23 =	sand.u32 @!p1 $0x7, s13;
	s21 =	sshll.u32 @!p1 s21, $0xE  }
0x48: {  	s23 =	sshll.u32 @!p1 s23, $0x12;
	s20 =	sshll.u32 @!p1 s20, $0x7;
	s21 =	sand.u32 @!p1 $0x4000, s21  }
0x49: {  	s20 =	sadd.s32 @!p1 s20, s22;
	s22 =	sor.u32 @!p1 $0x80, s23;
	s23 =	simm.s32 @!p1 $0xE000  }
0x4a: {  	[tilespmem:s21], [sflag:$0x1] =	stream.strided.gather @!p1 [hbm4b:s20+s22], $0x4000, s23, s22, $0x38;
	[tilespmem:$0x10100] =	vst v63  }
0x4b: {  	p1 =	sge.u32 s31, s6  }
.Ltmp2:
0x4c: {  	_ = 	snop;
	(pc) =	sbr.rel @p1 .LBB1_5-.Ltmp2, $1  }
0x4d: {  	_ =	sdelay $0x3  }
0x4e: {  	s20 =	simm.s32 $0x1  }
0x4f: {  	_ =	swait.ge [sflag:s5], $0x4000;
	s20 =	simm.s32 @!p0 $0x0  }
0x50: {  	[sflag:s5] =	ssyncset.done $0x0;
	s21 =	sshll.u32 s20, $0xE  }
0x51: {  	[sflag:s5] =	ssyncadd.s32 $0xFFFFC000;
	s21 =	sor.u32 $0x40, s21  }
0x52: {  	s20 =	smul.u32 $0x10200, s20;
	v0 =	vld [tilespmem:s21+$0x30]  }
0x53: {  	v1 =	vld [tilespmem:s21+$0xFFFFFFD0]  }
0x54: {  	s20 =	sshrl.u32 s20, $0x2;
	v5 =	vld [tilespmem:s21+$0xFFFFFFE0]  }
0x55: {  	v6 =	vld [tilespmem:s21+$0xFFFFFFF0];
	s23 =	sor.u32 $0x8000, s20  }
0x56: {  	s31 =	sand.u32 $0x1, s16;
	v4 =	vld [tilespmem:s21+$0x0];
	s22 =	sadd.s32 $0x0, s23  }
0x57: {  	v3 =	vld [tilespmem:s21+$0x10];
	s20 =	smul.u32 $0x10200, s31;
	[tilespmem:s22+$0x3870 ss:$0x81] =	vst.msk $0xffff, v0  }
0x58: {  	v2 =	vld [tilespmem:s21+$0x20];
	[tilespmem:s22+$0x810 ss:$0x81] =	vst.msk $0xffff, v1  }
0x59: {  	s20 =	sshrl.u32 s20, $0x2;
	v1 =	vld [tilespmem:s21+$0xFFFFFFC0];
	[tilespmem:s22+$0x1020 ss:$0x81] =	vst.msk $0xffff, v5;
	s21 =	sadd.s32 $0x80, s21  }
0x5a: {  	s24 =	simm.s32 $0x4;
	s25 =	simm.s32 $0x8;
	s20 =	sor.u32 $0x8000, s20;
	[tilespmem:s22+$0x1830 ss:$0x81] =	vst.msk $0xffff, v6;
	v0 =	vld [tilespmem:s21+$0x30]  }
.LBB1_3:
0x5b: {  	p1 =	sne.s32 s25, $0x1FC;
	v5 =	vld [tilespmem:s21+$0xFFFFFFD0];
	[tilespmem:s22+$0x2040 ss:$0x81] =	vst.msk $0xffff, v4  }
0x5c: {  	v6 =	vld [tilespmem:s21+$0xFFFFFFE0];
	[tilespmem:s22+$0x2850 ss:$0x81] =	vst.msk $0xffff, v3  }
0x5d: {  	s26 =	sshra.s32 s24, $0x2;
	s24 =	smov.u32 s25;
	v7 =	vld [tilespmem:s21+$0xFFFFFFF0];
	[tilespmem:s22+$0x3060 ss:$0x81] =	vst.msk $0xffff, v2  }
.Ltmp3:
0x5e: {  	v4 =	vld [tilespmem:s21+$0x0];
	[tilespmem:s22+$0x0 ss:$0x81] =	vst.msk $0xffff, v1;
	s22 =	sadd.s32 s26, s23;
	(pc) =	sbr.rel @p1 .LBB1_3-.Ltmp3, $4  }
0x5f: {  	v3 =	vld [tilespmem:s21+$0x10];
	[tilespmem:s22+$0x3870 ss:$0x81] =	vst.msk $0xffff, v0  }
0x60: {  	[tilespmem:s22+$0x810 ss:$0x81] =	vst.msk $0xffff, v5;
	v2 =	vld [tilespmem:s21+$0x20]  }
0x61: {  	v1 =	vld [tilespmem:s21+$0xFFFFFFC0];
	[tilespmem:s22+$0x1020 ss:$0x81] =	vst.msk $0xffff, v6;
	s21 =	sadd.s32 $0x80, s21  }
0x62: {  	s25 =	sadd.s32 $0x4, s25;
	v0 =	vld [tilespmem:s21+$0x30];
	[tilespmem:s22+$0x1830 ss:$0x81] =	vst.msk $0xffff, v7  }
.Ltmp4:
0x63: {  	_ = 	snop;
	(pc) =	sbr.rel .LBB1_4-.Ltmp4, $1  }
0x64: {  	_ =	sdelay $0x3  }
.LBB1_6:
0x65: {  	_ =	sfence.sel $0x180000  }
0x66: {  	s2 =	simm.s32 $0x1;
	[bflag:$0x0] =	sbarrier.arrive $0xFFFF  }
0x67: {  	s31 =	simm.s32 $0x2;
	[sflag:s2] =	ssyncpa.u1 $0x1  }
0x68: {  	[sflag:s31] =	ssyncpa.u1 $0x1  }
0x69: {  	p0 =	sne.s32 s0, $0x0;
	_ =	strace $0x9000004D  }
0x6a: {  	s0 =	sadd.s32 @!p0 $0x100000, s1;
	[bflag:$0x2] =	sbarrier.arrive $0xFFFF  }
0x6b: {  	[sflag:s0] =	ssyncadd.tile.s32 @!p0 $0x1;
	_ =	shalt  }
.Lfunc_end1:
_tile_overlayer_lowered:
.L_overlay_start_2:
0x6c: {  	(tag) =	ssettag $0x2  }
0x6d: {  	s0 =	rddreg [dreg:$0x0];
	s2 =	stileid.u32  }
0x6e: {  	s1 =	rddreg [dreg:$0x1];
	p0 =	sne.s32 s2, $0x0  }
0x6f: {  	s3 =	rddreg [dreg:$0x2];
	[bflag:$0x3] =	sbarrier.arrive $0xFFFF;
	s2 =	simm.s32 @!p0 $0x1C01  }
0x70: {  	[timem:s3], [sflag:s2] =	dma.local @!p0 [hbm:s0], s1  }
0x71: {  	s0 =	simm.s32 @!p0 $0x1  }
0x72: {  	_ =	swait.ge @!p0 [sflag:s0], s1  }
0x73: {  	s1 =	ssub.s32 @!p0 $0x0, s1;
	[sflag:s0] =	ssyncset.done @!p0 $0x0  }
0x74: {  	[sflag:s0] =	ssyncadd.s32 @!p0 s1  }
0x75: {  	[bflag:$0x3] =	sbarrier.arrive $0xFFFF  }
0x76: {  	_ =	shalt  }

</sc_bundles>
